<compile_context>
chip_gen: v7x
topology: tpu7x:2x2x1
jax: 0.10.2.dev20260603
libtpu: 0.0.44.dev20260713+nightly
codegen_flags: <defaults>
</compile_context>

<pallas_src>
import functools

import jax
import jax.numpy as jnp
from jax import lax
from jax.experimental import pallas as pl
from jax.experimental.pallas import tpu as pltpu
from jax.experimental.pallas import tpu_sc as plsc

_B = 4096
_C = 1000
_NC = 2
_NS = 16
_L = 16
_NW = _NC * _NS
_ROWS_PER_W = _B // _NW
_NG = _ROWS_PER_W // _L

_CT = 200
_SIZES = (40, 200, 200, 200, 200, 160)
_OFFS = (0, 40, 240, 440, 640, 840)
_NCHUNK = len(_SIZES)

_R = 1.0
_DELTA = 0.5

_mesh = plsc.VectorSubcoreMesh(
    core_axis_name="c", subcore_axis_name="s",
    num_cores=_NC, num_subcores=_NS)


@functools.partial(
    pl.kernel,
    out_type=jax.ShapeDtypeStruct((_NW * _L,), jnp.float32),
    mesh=_mesh,
    scratch_types=[
        pltpu.VMEM((_CT, _ROWS_PER_W), jnp.float32),
        pltpu.VMEM((_CT, _ROWS_PER_W), jnp.float32),
        pltpu.VMEM((_ROWS_PER_W,), jnp.int32),
        pltpu.VMEM((_L,), jnp.float32),
        pltpu.SemaphoreType.DMA,
        pltpu.SemaphoreType.DMA,
    ],
    compiler_params=pltpu.CompilerParams(needs_layout_passes=False),
)
def _npt_loss_sc(dotT_hbm, tgt_hbm, out_hbm, buf0, buf1, tgt_v, out_v,
                 sem0, sem1):
    wid = lax.axis_index("s") * _NC + lax.axis_index("c")
    rbase = pl.multiple_of(wid * _ROWS_PER_W, _ROWS_PER_W)
    pltpu.sync_copy(tgt_hbm.at[pl.ds(rbase, _ROWS_PER_W)], tgt_v)

    bufs = (buf0, buf1)
    sems = (sem0, sem1)
    copies = [pltpu.async_copy(
        dotT_hbm.at[pl.ds(0, _SIZES[0]), pl.ds(rbase, _ROWS_PER_W)],
        buf0.at[pl.ds(0, _SIZES[0]), :], sem0),
        None]

    row_iota = lax.iota(jnp.int32, _L)
    zeros = jnp.zeros((_L,), jnp.float32)
    neg_inf = jnp.full((_L,), -jnp.inf, jnp.float32)

    tgts = [tgt_v[pl.ds(16 * l, _L)] for l in range(_NG)]
    cols = [row_iota + 16 * l for l in range(_NG)]
    m1 = [neg_inf] * _NG
    m2 = [neg_inf] * _NG
    tv = [zeros] * _NG

    for ch in range(_NCHUNK):
        buf = bufs[ch % 2]
        copies[ch % 2].wait()
        if ch + 1 < _NCHUNK:
            copies[(ch + 1) % 2] = pltpu.async_copy(
                dotT_hbm.at[pl.ds(_OFFS[ch + 1], _SIZES[ch + 1]),
                            pl.ds(rbase, _ROWS_PER_W)],
                bufs[(ch + 1) % 2].at[pl.ds(0, _SIZES[ch + 1]), :],
                sems[(ch + 1) % 2])

        c0 = _OFFS[ch]
        csz = _SIZES[ch]
        for l in range(_NG):
            inr = (tgts[l] >= c0) & (tgts[l] < c0 + csz)
            idx = jnp.clip(tgts[l] - c0, 0, csz - 1)
            got = plsc.load_gather(buf, [idx, cols[l]], mask=inr)
            tv[l] = jnp.where(inr, got, tv[l])
            plsc.store_scatter(buf, [idx, cols[l]], zeros, mask=inr)

        def body(tr, carry):
            cm1 = list(carry[:_NG])
            cm2 = list(carry[_NG:])
            rr = tr * 2
            for k in range(2):
                for l in range(_NG):
                    x = buf[rr + k, pl.ds(16 * l, _L)]
                    cm2[l] = jnp.maximum(cm2[l], jnp.minimum(cm1[l], x))
                    cm1[l] = jnp.maximum(cm1[l], x)
            return tuple(cm1) + tuple(cm2)

        carry = lax.fori_loop(0, csz // 2, body, tuple(m1) + tuple(m2))
        m1 = list(carry[:_NG])
        m2 = list(carry[_NG:])

    acc = zeros
    for l in range(_NG):
        l1 = jnp.maximum(m1[l] - tv[l] + _DELTA, 0.0)
        l2 = jnp.maximum(m2[l] - tv[l] + _DELTA, 0.0)
        acc = acc + (l1 + l2)
    acc = acc * (2.0 * _R)

    out_v[...] = acc
    pltpu.sync_copy(out_v, out_hbm.at[pl.ds(wid * _L, _L)])


def kernel(dot_p, target):
    partials = _npt_loss_sc(dot_p.T, target.astype(jnp.int32))
    return jnp.sum(partials) / _B

# --- scband reference (transcript-rebuilt; emitter-appended) ---
"""Pipeline reference for scband-nptloss-62122406969369 (READ-ONLY COPY).

The authoritative reference and input builder live on the scoring server;
editing this copy changes nothing except your own understanding.
"""

import jax, jax.numpy as jnp
import numpy as np

R = 1.0
DELTA = 0.5
TOP_K = 2

def setup_inputs(seed: int = 0) -> dict:
    key = jax.random.key(seed)
    k1, k2 = jax.random.split(key)
    dot_p = jax.random.normal(k1, (4096, 1000), dtype=jnp.float32)
    target = jax.random.randint(k2, (4096,), 0, 1000, dtype=jnp.int64 if jax.config.jax_enable_x64 else jnp.int32)
    return {"dot_p": dot_p, "target": target}

def reference(dot_p, target):
    B = dot_p.shape[0]
    ar = jnp.arange(B)
    true_class_dist = dot_p[ar, target]
    dp = dot_p.at[ar, target].set(0.0)
    neg_sorted = -jnp.sort(-dp, axis=1)  # descending sort along classes
    negative_max_top_k = neg_sorted[:, :TOP_K]
    temp = negative_max_top_k - true_class_dist[:, None] + DELTA
    temp = jnp.where(temp < 0, 0.0, temp)
    temp = temp * 2.0 * R
    temp = jnp.sum(temp, axis=1)
    return jnp.mean(temp)

if __name__ == "__main__":
    import jax
    _d = setup_inputs()
    print(jax.jit(kernel)(*tuple(_d.values())))

</pallas_src>

<mosaic_0001>
#map = affine_map<(d0, d1) -> (0, 0)>
#map1 = affine_map<(d0, d1) -> (0)>
module attributes {stable_mosaic.version = 14 : i64} {
  func.func @_npt_loss_sc(%arg0: i32, %arg1: i32, %arg2: memref<1000x4096xf32, #tpu.memory_space<hbm>>, %arg3: memref<4096xi32, #tpu.memory_space<hbm>>, %arg4: memref<512xf32, #tpu.memory_space<hbm>>, %arg5: memref<200x128xf32, #tpu.memory_space<vmem>>, %arg6: memref<200x128xf32, #tpu.memory_space<vmem>>, %arg7: memref<128xi32, #tpu.memory_space<vmem>>, %arg8: memref<16xf32, #tpu.memory_space<vmem>>, %arg9: memref<!tpu.dma_semaphore, #tpu.memory_space<semaphore_mem>>, %arg10: memref<!tpu.dma_semaphore, #tpu.memory_space<semaphore_mem>>) attributes {dimension_semantics = [#tpu.dimension_semantics<core_parallel>, #tpu.dimension_semantics<subcore_parallel>], iteration_bounds = array<i64: 2, 16>, scalar_prefetch = 0 : i64, scratch_operands = 6 : i64, tpu.core_type = #tpu.core_type<sc_vector_subcore>, window_params = [{transform_indices = #map}, {transform_indices = #map1}, {transform_indices = #map1}]} {
    %mul3A = arith.constant 2 : i32
    %mul3A_0 = arith.muli %arg1, %mul3A : i32
    %add3A = arith.addi %mul3A_0, %arg0 : i32
    %mul3A_1 = arith.constant 128 : i32
    %mul3A_2 = arith.muli %add3A, %mul3A_1 : i32
    %multiple_of3A = tpu.assume_multiple %mul3A_2, 128 : i32
    "tpu.region"() ({
      %run_scoped3A = tpu.sem_alloc : memref<!tpu.dma_semaphore, #tpu.memory_space<semaphore_mem>>
      %dma_start3A_1187 = tpu.memref_slice %arg3[%multiple_of3A] : memref<4096xi32, #tpu.memory_space<hbm>> -> memref<128xi32, #tpu.memory_space<hbm>>
      %dma_start3A_1188 = tpu.memref_slice %arg3[%multiple_of3A] : memref<4096xi32, #tpu.memory_space<hbm>> -> memref<128xi32, #tpu.memory_space<hbm>>
      tpu.enqueue_dma source(%dma_start3A_1188 : memref<128xi32, #tpu.memory_space<hbm>>) target(%arg7 : memref<128xi32, #tpu.memory_space<vmem>>) target_semaphore(%run_scoped3A : memref<!tpu.dma_semaphore, #tpu.memory_space<semaphore_mem>>)
      %dma_wait3A_1189 = tpu.memref_slice %arg3[%multiple_of3A] : memref<4096xi32, #tpu.memory_space<hbm>> -> memref<128xi32, #tpu.memory_space<hbm>>
      %dma_wait3A_1190 = tpu.memref_slice %arg3[%multiple_of3A] : memref<4096xi32, #tpu.memory_space<hbm>> -> memref<128xi32, #tpu.memory_space<hbm>>
      tpu.wait_dma2 semaphore(%run_scoped3A : memref<!tpu.dma_semaphore, #tpu.memory_space<semaphore_mem>>) src(%dma_wait3A_1190 : memref<128xi32, #tpu.memory_space<hbm>>) dst(%arg7 : memref<128xi32, #tpu.memory_space<vmem>>)
      tpu.yield
    }) : () -> ()
    %dma_start3A = arith.constant 0 : i32
    %dma_start3A_3 = arith.constant 0 : i32
    %dma_start3A_4 = tpu.memref_slice %arg5[%dma_start3A, %dma_start3A_3] : memref<200x128xf32, #tpu.memory_space<vmem>> -> memref<40x128xf32, #tpu.memory_space<vmem>>
    %dma_start3A_5 = arith.constant 0 : i32
    %dma_start3A_6 = tpu.memref_slice %arg2[%dma_start3A_5, %multiple_of3A] : memref<1000x4096xf32, #tpu.memory_space<hbm>> -> memref<40x128xf32, #tpu.memory_space<hbm>>
    %dma_start3A_7 = arith.constant 0 : i32
    %dma_start3A_8 = arith.constant 0 : i32
    %dma_start3A_9 = tpu.memref_slice %arg5[%dma_start3A_7, %dma_start3A_8] : memref<200x128xf32, #tpu.memory_space<vmem>> -> memref<40x128xf32, #tpu.memory_space<vmem>>
    %dma_start3A_10 = arith.constant 0 : i32
    %dma_start3A_11 = tpu.memref_slice %arg2[%dma_start3A_10, %multiple_of3A] : memref<1000x4096xf32, #tpu.memory_space<hbm>> -> memref<40x128xf32, #tpu.memory_space<hbm>>
    tpu.enqueue_dma source(%dma_start3A_11 : memref<40x128xf32, #tpu.memory_space<hbm>>) target(%dma_start3A_9 : memref<40x128xf32, #tpu.memory_space<vmem>>) target_semaphore(%arg9 : memref<!tpu.dma_semaphore, #tpu.memory_space<semaphore_mem>>)
    %iota3A = tpu.iota {dimensions = array<i32: 0>} : vector<16xi32>
    %broadcast_in_dim3A = arith.constant 0.000000e+00 : f32
    %broadcast_in_dim3A_12 = vector.broadcast %broadcast_in_dim3A : f32 to vector<16xf32>
    %broadcast_in_dim3A_13 = arith.constant 0xFF800000 : f32
    %broadcast_in_dim3A_14 = vector.broadcast %broadcast_in_dim3A_13 : f32 to vector<16xf32>
    %get3A = arith.constant 0 : index
    %get3A_15 = tpu.vector_load %arg7[%get3A] {strides = array<i32>} : memref<128xi32, #tpu.memory_space<vmem>>, vector<16xi32>,
    %get3A_16 = arith.constant 16 : index
    %get3A_17 = tpu.vector_load %arg7[%get3A_16] {strides = array<i32>} : memref<128xi32, #tpu.memory_space<vmem>>, vector<16xi32>,
    %get3A_18 = arith.constant 32 : index
    %get3A_19 = tpu.vector_load %arg7[%get3A_18] {strides = array<i32>} : memref<128xi32, #tpu.memory_space<vmem>>, vector<16xi32>,
    %get3A_20 = arith.constant 48 : index
    %get3A_21 = tpu.vector_load %arg7[%get3A_20] {strides = array<i32>} : memref<128xi32, #tpu.memory_space<vmem>>, vector<16xi32>,
    %get3A_22 = arith.constant 64 : index
    %get3A_23 = tpu.vector_load %arg7[%get3A_22] {strides = array<i32>} : memref<128xi32, #tpu.memory_space<vmem>>, vector<16xi32>,
    %get3A_24 = arith.constant 80 : index
    %get3A_25 = tpu.vector_load %arg7[%get3A_24] {strides = array<i32>} : memref<128xi32, #tpu.memory_space<vmem>>, vector<16xi32>,
    %get3A_26 = arith.constant 96 : index
    %get3A_27 = tpu.vector_load %arg7[%get3A_26] {strides = array<i32>} : memref<128xi32, #tpu.memory_space<vmem>>, vector<16xi32>,
    %get3A_28 = arith.constant 112 : index
    %get3A_29 = tpu.vector_load %arg7[%get3A_28] {strides = array<i32>} : memref<128xi32, #tpu.memory_space<vmem>>, vector<16xi32>,
    %add3A_30 = arith.constant 0 : i32
    %add3A_31 = vector.broadcast %add3A_30 : i32 to vector<16xi32>
    %add3A_32 = arith.addi %iota3A, %add3A_31 : vector<16xi32>
    %add3A_33 = arith.constant 16 : i32
    %add3A_34 = vector.broadcast %add3A_33 : i32 to vector<16xi32>
    %add3A_35 = arith.addi %iota3A, %add3A_34 : vector<16xi32>
    %add3A_36 = arith.constant 32 : i32
    %add3A_37 = vector.broadcast %add3A_36 : i32 to vector<16xi32>
    %add3A_38 = arith.addi %iota3A, %add3A_37 : vector<16xi32>
    %add3A_39 = arith.constant 48 : i32
    %add3A_40 = vector.broadcast %add3A_39 : i32 to vector<16xi32>
    %add3A_41 = arith.addi %iota3A, %add3A_40 : vector<16xi32>
    %add3A_42 = arith.constant 64 : i32
    %add3A_43 = vector.broadcast %add3A_42 : i32 to vector<16xi32>
    %add3A_44 = arith.addi %iota3A, %add3A_43 : vector<16xi32>
    %add3A_45 = arith.constant 80 : i32
    %add3A_46 = vector.broadcast %add3A_45 : i32 to vector<16xi32>
    %add3A_47 = arith.addi %iota3A, %add3A_46 : vector<16xi32>
    %add3A_48 = arith.constant 96 : i32
    %add3A_49 = vector.broadcast %add3A_48 : i32 to vector<16xi32>
    %add3A_50 = arith.addi %iota3A, %add3A_49 : vector<16xi32>
    %add3A_51 = arith.constant 112 : i32
    %add3A_52 = vector.broadcast %add3A_51 : i32 to vector<16xi32>
    %add3A_53 = arith.addi %iota3A, %add3A_52 : vector<16xi32>
    %dma_wait3A = arith.constant 0 : i32
    %dma_wait3A_54 = arith.constant 0 : i32
    %dma_wait3A_55 = tpu.memref_slice %arg5[%dma_wait3A, %dma_wait3A_54] : memref<200x128xf32, #tpu.memory_space<vmem>> -> memref<40x128xf32, #tpu.memory_space<vmem>>
    %dma_wait3A_56 = arith.constant 0 : i32
    %dma_wait3A_57 = tpu.memref_slice %arg2[%dma_wait3A_56, %multiple_of3A] : memref<1000x4096xf32, #tpu.memory_space<hbm>> -> memref<40x128xf32, #tpu.memory_space<hbm>>
    %dma_wait3A_58 = arith.constant 0 : i32
    %dma_wait3A_59 = arith.constant 0 : i32
    %dma_wait3A_60 = tpu.memref_slice %arg5[%dma_wait3A_58, %dma_wait3A_59] : memref<200x128xf32, #tpu.memory_space<vmem>> -> memref<40x128xf32, #tpu.memory_space<vmem>>
    %dma_wait3A_61 = arith.constant 0 : i32
    %dma_wait3A_62 = tpu.memref_slice %arg2[%dma_wait3A_61, %multiple_of3A] : memref<1000x4096xf32, #tpu.memory_space<hbm>> -> memref<40x128xf32, #tpu.memory_space<hbm>>
    tpu.wait_dma2 semaphore(%arg9 : memref<!tpu.dma_semaphore, #tpu.memory_space<semaphore_mem>>) src(%dma_wait3A_62 : memref<40x128xf32, #tpu.memory_space<hbm>>) dst(%dma_wait3A_60 : memref<40x128xf32, #tpu.memory_space<vmem>>)
    %dma_start3A_63 = arith.constant 0 : i32
    %dma_start3A_64 = arith.constant 0 : i32
    %dma_start3A_65 = tpu.memref_slice %arg6[%dma_start3A_63, %dma_start3A_64] : memref<200x128xf32, #tpu.memory_space<vmem>> -> memref<200x128xf32, #tpu.memory_space<vmem>>
    %dma_start3A_66 = arith.constant 40 : i32
    %dma_start3A_67 = tpu.memref_slice %arg2[%dma_start3A_66, %multiple_of3A] : memref<1000x4096xf32, #tpu.memory_space<hbm>> -> memref<200x128xf32, #tpu.memory_space<hbm>>
    %dma_start3A_68 = arith.constant 0 : i32
    %dma_start3A_69 = arith.constant 0 : i32
    %dma_start3A_70 = tpu.memref_slice %arg6[%dma_start3A_68, %dma_start3A_69] : memref<200x128xf32, #tpu.memory_space<vmem>> -> memref<200x128xf32, #tpu.memory_space<vmem>>
    %dma_start3A_71 = arith.constant 40 : i32
    %dma_start3A_72 = tpu.memref_slice %arg2[%dma_start3A_71, %multiple_of3A] : memref<1000x4096xf32, #tpu.memory_space<hbm>> -> memref<200x128xf32, #tpu.memory_space<hbm>>
    tpu.enqueue_dma source(%dma_start3A_72 : memref<200x128xf32, #tpu.memory_space<hbm>>) target(%dma_start3A_70 : memref<200x128xf32, #tpu.memory_space<vmem>>) target_semaphore(%arg10 : memref<!tpu.dma_semaphore, #tpu.memory_space<semaphore_mem>>)
    %ge3A = arith.constant 0 : i32
    %ge3A_73 = vector.broadcast %ge3A : i32 to vector<16xi32>
    %ge3A_74 = arith.cmpi sge, %get3A_15, %ge3A_73 : vector<16xi32>
    %lt3A = arith.constant 40 : i32
    %lt3A_75 = vector.broadcast %lt3A : i32 to vector<16xi32>
    %lt3A_76 = arith.cmpi slt, %get3A_15, %lt3A_75 : vector<16xi32>
    %and3A = arith.andi %ge3A_74, %lt3A_76 : vector<16xi1>
    %sub3A = arith.constant 0 : i32
    %sub3A_77 = vector.broadcast %sub3A : i32 to vector<16xi32>
    %sub3A_78 = arith.subi %get3A_15, %sub3A_77 : vector<16xi32>
    %jit3A = arith.constant 0 : i32
    %jit3A_79 = arith.constant 39 : i32
    %max3A = vector.broadcast %jit3A : i32 to vector<16xi32>
    %max3A_80 = arith.maxsi %max3A, %sub3A_78 : vector<16xi32>
    %min3A = vector.broadcast %jit3A_79 : i32 to vector<16xi32>
    %min3A_81 = arith.minsi %min3A, %max3A_80 : vector<16xi32>
    %gather3A = tpu.vector_load_idx %arg5[%min3A_81, %add3A_32] masked %and3A : memref<200x128xf32, #tpu.memory_space<vmem>>[vector<16xi32>, vector<16xi32>], vector<16xf32>, vector<16xi1>
    %select_n3A = arith.select %and3A, %gather3A, %broadcast_in_dim3A_12 : vector<16xi1>, vector<16xf32>
    tpu.vector_store_idx %arg5[%min3A_81, %add3A_32], %broadcast_in_dim3A_12 masked %and3A : memref<200x128xf32, #tpu.memory_space<vmem>>[vector<16xi32>, vector<16xi32>], vector<16xf32>, vector<16xi1>
    %ge3A_82 = arith.constant 0 : i32
    %ge3A_83 = vector.broadcast %ge3A_82 : i32 to vector<16xi32>
    %ge3A_84 = arith.cmpi sge, %get3A_17, %ge3A_83 : vector<16xi32>
    %lt3A_85 = arith.constant 40 : i32
    %lt3A_86 = vector.broadcast %lt3A_85 : i32 to vector<16xi32>
    %lt3A_87 = arith.cmpi slt, %get3A_17, %lt3A_86 : vector<16xi32>
    %and3A_88 = arith.andi %ge3A_84, %lt3A_87 : vector<16xi1>
    %sub3A_89 = arith.constant 0 : i32
    %sub3A_90 = vector.broadcast %sub3A_89 : i32 to vector<16xi32>
    %sub3A_91 = arith.subi %get3A_17, %sub3A_90 : vector<16xi32>
    %jit3A_92 = arith.constant 0 : i32
    %jit3A_93 = arith.constant 39 : i32
    %max3A_94 = vector.broadcast %jit3A_92 : i32 to vector<16xi32>
    %max3A_95 = arith.maxsi %max3A_94, %sub3A_91 : vector<16xi32>
    %min3A_96 = vector.broadcast %jit3A_93 : i32 to vector<16xi32>
    %min3A_97 = arith.minsi %min3A_96, %max3A_95 : vector<16xi32>
    %gather3A_98 = tpu.vector_load_idx %arg5[%min3A_97, %add3A_35] masked %and3A_88 : memref<200x128xf32, #tpu.memory_space<vmem>>[vector<16xi32>, vector<16xi32>], vector<16xf32>, vector<16xi1>
    %select_n3A_99 = arith.select %and3A_88, %gather3A_98, %broadcast_in_dim3A_12 : vector<16xi1>, vector<16xf32>
    tpu.vector_store_idx %arg5[%min3A_97, %add3A_35], %broadcast_in_dim3A_12 masked %and3A_88 : memref<200x128xf32, #tpu.memory_space<vmem>>[vector<16xi32>, vector<16xi32>], vector<16xf32>, vector<16xi1>
    %ge3A_100 = arith.constant 0 : i32
    %ge3A_101 = vector.broadcast %ge3A_100 : i32 to vector<16xi32>
    %ge3A_102 = arith.cmpi sge, %get3A_19, %ge3A_101 : vector<16xi32>
    %lt3A_103 = arith.constant 40 : i32
    %lt3A_104 = vector.broadcast %lt3A_103 : i32 to vector<16xi32>
    %lt3A_105 = arith.cmpi slt, %get3A_19, %lt3A_104 : vector<16xi32>
    %and3A_106 = arith.andi %ge3A_102, %lt3A_105 : vector<16xi1>
    %sub3A_107 = arith.constant 0 : i32
    %sub3A_108 = vector.broadcast %sub3A_107 : i32 to vector<16xi32>
    %sub3A_109 = arith.subi %get3A_19, %sub3A_108 : vector<16xi32>
    %jit3A_110 = arith.constant 0 : i32
    %jit3A_111 = arith.constant 39 : i32
    %max3A_112 = vector.broadcast %jit3A_110 : i32 to vector<16xi32>
    %max3A_113 = arith.maxsi %max3A_112, %sub3A_109 : vector<16xi32>
    %min3A_114 = vector.broadcast %jit3A_111 : i32 to vector<16xi32>
    %min3A_115 = arith.minsi %min3A_114, %max3A_113 : vector<16xi32>
    %gather3A_116 = tpu.vector_load_idx %arg5[%min3A_115, %add3A_38] masked %and3A_106 : memref<200x128xf32, #tpu.memory_space<vmem>>[vector<16xi32>, vector<16xi32>], vector<16xf32>, vector<16xi1>
    %select_n3A_117 = arith.select %and3A_106, %gather3A_116, %broadcast_in_dim3A_12 : vector<16xi1>, vector<16xf32>
    tpu.vector_store_idx %arg5[%min3A_115, %add3A_38], %broadcast_in_dim3A_12 masked %and3A_106 : memref<200x128xf32, #tpu.memory_space<vmem>>[vector<16xi32>, vector<16xi32>], vector<16xf32>, vector<16xi1>
    %ge3A_118 = arith.constant 0 : i32
    %ge3A_119 = vector.broadcast %ge3A_118 : i32 to vector<16xi32>
    %ge3A_120 = arith.cmpi sge, %get3A_21, %ge3A_119 : vector<16xi32>
    %lt3A_121 = arith.constant 40 : i32
    %lt3A_122 = vector.broadcast %lt3A_121 : i32 to vector<16xi32>
    %lt3A_123 = arith.cmpi slt, %get3A_21, %lt3A_122 : vector<16xi32>
    %and3A_124 = arith.andi %ge3A_120, %lt3A_123 : vector<16xi1>
    %sub3A_125 = arith.constant 0 : i32
    %sub3A_126 = vector.broadcast %sub3A_125 : i32 to vector<16xi32>
    %sub3A_127 = arith.subi %get3A_21, %sub3A_126 : vector<16xi32>
    %jit3A_128 = arith.constant 0 : i32
    %jit3A_129 = arith.constant 39 : i32
    %max3A_130 = vector.broadcast %jit3A_128 : i32 to vector<16xi32>
    %max3A_131 = arith.maxsi %max3A_130, %sub3A_127 : vector<16xi32>
    %min3A_132 = vector.broadcast %jit3A_129 : i32 to vector<16xi32>
    %min3A_133 = arith.minsi %min3A_132, %max3A_131 : vector<16xi32>
    %gather3A_134 = tpu.vector_load_idx %arg5[%min3A_133, %add3A_41] masked %and3A_124 : memref<200x128xf32, #tpu.memory_space<vmem>>[vector<16xi32>, vector<16xi32>], vector<16xf32>, vector<16xi1>
    %select_n3A_135 = arith.select %and3A_124, %gather3A_134, %broadcast_in_dim3A_12 : vector<16xi1>, vector<16xf32>
    tpu.vector_store_idx %arg5[%min3A_133, %add3A_41], %broadcast_in_dim3A_12 masked %and3A_124 : memref<200x128xf32, #tpu.memory_space<vmem>>[vector<16xi32>, vector<16xi32>], vector<16xf32>, vector<16xi1>
    %ge3A_136 = arith.constant 0 : i32
    %ge3A_137 = vector.broadcast %ge3A_136 : i32 to vector<16xi32>
    %ge3A_138 = arith.cmpi sge, %get3A_23, %ge3A_137 : vector<16xi32>
    %lt3A_139 = arith.constant 40 : i32
    %lt3A_140 = vector.broadcast %lt3A_139 : i32 to vector<16xi32>
    %lt3A_141 = arith.cmpi slt, %get3A_23, %lt3A_140 : vector<16xi32>
    %and3A_142 = arith.andi %ge3A_138, %lt3A_141 : vector<16xi1>
    %sub3A_143 = arith.constant 0 : i32
    %sub3A_144 = vector.broadcast %sub3A_143 : i32 to vector<16xi32>
    %sub3A_145 = arith.subi %get3A_23, %sub3A_144 : vector<16xi32>
    %jit3A_146 = arith.constant 0 : i32
    %jit3A_147 = arith.constant 39 : i32
    %max3A_148 = vector.broadcast %jit3A_146 : i32 to vector<16xi32>
    %max3A_149 = arith.maxsi %max3A_148, %sub3A_145 : vector<16xi32>
    %min3A_150 = vector.broadcast %jit3A_147 : i32 to vector<16xi32>
    %min3A_151 = arith.minsi %min3A_150, %max3A_149 : vector<16xi32>
    %gather3A_152 = tpu.vector_load_idx %arg5[%min3A_151, %add3A_44] masked %and3A_142 : memref<200x128xf32, #tpu.memory_space<vmem>>[vector<16xi32>, vector<16xi32>], vector<16xf32>, vector<16xi1>
    %select_n3A_153 = arith.select %and3A_142, %gather3A_152, %broadcast_in_dim3A_12 : vector<16xi1>, vector<16xf32>
    tpu.vector_store_idx %arg5[%min3A_151, %add3A_44], %broadcast_in_dim3A_12 masked %and3A_142 : memref<200x128xf32, #tpu.memory_space<vmem>>[vector<16xi32>, vector<16xi32>], vector<16xf32>, vector<16xi1>
    %ge3A_154 = arith.constant 0 : i32
    %ge3A_155 = vector.broadcast %ge3A_154 : i32 to vector<16xi32>
    %ge3A_156 = arith.cmpi sge, %get3A_25, %ge3A_155 : vector<16xi32>
    %lt3A_157 = arith.constant 40 : i32
    %lt3A_158 = vector.broadcast %lt3A_157 : i32 to vector<16xi32>
    %lt3A_159 = arith.cmpi slt, %get3A_25, %lt3A_158 : vector<16xi32>
    %and3A_160 = arith.andi %ge3A_156, %lt3A_159 : vector<16xi1>
    %sub3A_161 = arith.constant 0 : i32
    %sub3A_162 = vector.broadcast %sub3A_161 : i32 to vector<16xi32>
    %sub3A_163 = arith.subi %get3A_25, %sub3A_162 : vector<16xi32>
    %jit3A_164 = arith.constant 0 : i32
    %jit3A_165 = arith.constant 39 : i32
    %max3A_166 = vector.broadcast %jit3A_164 : i32 to vector<16xi32>
    %max3A_167 = arith.maxsi %max3A_166, %sub3A_163 : vector<16xi32>
    %min3A_168 = vector.broadcast %jit3A_165 : i32 to vector<16xi32>
    %min3A_169 = arith.minsi %min3A_168, %max3A_167 : vector<16xi32>
    %gather3A_170 = tpu.vector_load_idx %arg5[%min3A_169, %add3A_47] masked %and3A_160 : memref<200x128xf32, #tpu.memory_space<vmem>>[vector<16xi32>, vector<16xi32>], vector<16xf32>, vector<16xi1>
    %select_n3A_171 = arith.select %and3A_160, %gather3A_170, %broadcast_in_dim3A_12 : vector<16xi1>, vector<16xf32>
    tpu.vector_store_idx %arg5[%min3A_169, %add3A_47], %broadcast_in_dim3A_12 masked %and3A_160 : memref<200x128xf32, #tpu.memory_space<vmem>>[vector<16xi32>, vector<16xi32>], vector<16xf32>, vector<16xi1>
    %ge3A_172 = arith.constant 0 : i32
    %ge3A_173 = vector.broadcast %ge3A_172 : i32 to vector<16xi32>
    %ge3A_174 = arith.cmpi sge, %get3A_27, %ge3A_173 : vector<16xi32>
    %lt3A_175 = arith.constant 40 : i32
    %lt3A_176 = vector.broadcast %lt3A_175 : i32 to vector<16xi32>
    %lt3A_177 = arith.cmpi slt, %get3A_27, %lt3A_176 : vector<16xi32>
    %and3A_178 = arith.andi %ge3A_174, %lt3A_177 : vector<16xi1>
    %sub3A_179 = arith.constant 0 : i32
    %sub3A_180 = vector.broadcast %sub3A_179 : i32 to vector<16xi32>
    %sub3A_181 = arith.subi %get3A_27, %sub3A_180 : vector<16xi32>
    %jit3A_182 = arith.constant 0 : i32
    %jit3A_183 = arith.constant 39 : i32
    %max3A_184 = vector.broadcast %jit3A_182 : i32 to vector<16xi32>
    %max3A_185 = arith.maxsi %max3A_184, %sub3A_181 : vector<16xi32>
    %min3A_186 = vector.broadcast %jit3A_183 : i32 to vector<16xi32>
    %min3A_187 = arith.minsi %min3A_186, %max3A_185 : vector<16xi32>
    %gather3A_188 = tpu.vector_load_idx %arg5[%min3A_187, %add3A_50] masked %and3A_178 : memref<200x128xf32, #tpu.memory_space<vmem>>[vector<16xi32>, vector<16xi32>], vector<16xf32>, vector<16xi1>
    %select_n3A_189 = arith.select %and3A_178, %gather3A_188, %broadcast_in_dim3A_12 : vector<16xi1>, vector<16xf32>
    tpu.vector_store_idx %arg5[%min3A_187, %add3A_50], %broadcast_in_dim3A_12 masked %and3A_178 : memref<200x128xf32, #tpu.memory_space<vmem>>[vector<16xi32>, vector<16xi32>], vector<16xf32>, vector<16xi1>
    %ge3A_190 = arith.constant 0 : i32
    %ge3A_191 = vector.broadcast %ge3A_190 : i32 to vector<16xi32>
    %ge3A_192 = arith.cmpi sge, %get3A_29, %ge3A_191 : vector<16xi32>
    %lt3A_193 = arith.constant 40 : i32
    %lt3A_194 = vector.broadcast %lt3A_193 : i32 to vector<16xi32>
    %lt3A_195 = arith.cmpi slt, %get3A_29, %lt3A_194 : vector<16xi32>
    %and3A_196 = arith.andi %ge3A_192, %lt3A_195 : vector<16xi1>
    %sub3A_197 = arith.constant 0 : i32
    %sub3A_198 = vector.broadcast %sub3A_197 : i32 to vector<16xi32>
    %sub3A_199 = arith.subi %get3A_29, %sub3A_198 : vector<16xi32>
    %jit3A_200 = arith.constant 0 : i32
    %jit3A_201 = arith.constant 39 : i32
    %max3A_202 = vector.broadcast %jit3A_200 : i32 to vector<16xi32>
    %max3A_203 = arith.maxsi %max3A_202, %sub3A_199 : vector<16xi32>
    %min3A_204 = vector.broadcast %jit3A_201 : i32 to vector<16xi32>
    %min3A_205 = arith.minsi %min3A_204, %max3A_203 : vector<16xi32>
    %gather3A_206 = tpu.vector_load_idx %arg5[%min3A_205, %add3A_53] masked %and3A_196 : memref<200x128xf32, #tpu.memory_space<vmem>>[vector<16xi32>, vector<16xi32>], vector<16xf32>, vector<16xi1>
    %select_n3A_207 = arith.select %and3A_196, %gather3A_206, %broadcast_in_dim3A_12 : vector<16xi1>, vector<16xf32>
    tpu.vector_store_idx %arg5[%min3A_205, %add3A_53], %broadcast_in_dim3A_12 masked %and3A_196 : memref<200x128xf32, #tpu.memory_space<vmem>>[vector<16xi32>, vector<16xi32>], vector<16xf32>, vector<16xi1>
    %scan3A = arith.constant 0 : i32
    %scan3A_208 = arith.constant 20 : i32
    %scan3A_209 = arith.addi %scan3A, %scan3A_208 : i32
    %scan3A_210 = arith.constant 1 : i32
    %scan3A_211:16 = scf.for %scan3A_1187 = %scan3A to %scan3A_209 step %scan3A_210 iter_args(%scan3A_1188 = %broadcast_in_dim3A_14, %scan3A_1189 = %broadcast_in_dim3A_14, %scan3A_1190 = %broadcast_in_dim3A_14, %scan3A_1191 = %broadcast_in_dim3A_14, %scan3A_1192 = %broadcast_in_dim3A_14, %scan3A_1193 = %broadcast_in_dim3A_14, %scan3A_1194 = %broadcast_in_dim3A_14, %scan3A_1195 = %broadcast_in_dim3A_14, %scan3A_1196 = %broadcast_in_dim3A_14, %scan3A_1197 = %broadcast_in_dim3A_14, %scan3A_1198 = %broadcast_in_dim3A_14, %scan3A_1199 = %broadcast_in_dim3A_14, %scan3A_1200 = %broadcast_in_dim3A_14, %scan3A_1201 = %broadcast_in_dim3A_14, %scan3A_1202 = %broadcast_in_dim3A_14, %scan3A_1203 = %broadcast_in_dim3A_14) -> (vector<16xf32>, vector<16xf32>, vector<16xf32>, vector<16xf32>, vector<16xf32>, vector<16xf32>, vector<16xf32>, vector<16xf32>, vector<16xf32>, vector<16xf32>, vector<16xf32>, vector<16xf32>, vector<16xf32>, vector<16xf32>, vector<16xf32>, vector<16xf32>)  : i32 {
      %mul3A_1204 = arith.constant 2 : i32
      %mul3A_1205 = arith.muli %scan3A_1187, %mul3A_1204 : i32
      %add3A_1206 = arith.constant 0 : i32
      %add3A_1207 = arith.addi %mul3A_1205, %add3A_1206 : i32
      %get3A_1208 = arith.index_cast %add3A_1207 : i32 to index
      %get3A_1209 = arith.constant 0 : index
      %get3A_1210 = tpu.vector_load %arg5[%get3A_1208, %get3A_1209] {strides = array<i32>} : memref<200x128xf32, #tpu.memory_space<vmem>>, vector<16xf32>,
      %min3A_1211 = arith.minimumf %scan3A_1188, %get3A_1210 : vector<16xf32>
      %max3A_1212 = arith.maximumf %scan3A_1196, %min3A_1211 : vector<16xf32>
      %max3A_1213 = arith.maximumf %scan3A_1188, %get3A_1210 : vector<16xf32>
      %add3A_1214 = arith.constant 0 : i32
      %add3A_1215 = arith.addi %mul3A_1205, %add3A_1214 : i32
      %get3A_1216 = arith.index_cast %add3A_1215 : i32 to index
      %get3A_1217 = arith.constant 16 : index
      %get3A_1218 = tpu.vector_load %arg5[%get3A_1216, %get3A_1217] {strides = array<i32>} : memref<200x128xf32, #tpu.memory_space<vmem>>, vector<16xf32>,
      %min3A_1219 = arith.minimumf %scan3A_1189, %get3A_1218 : vector<16xf32>
      %max3A_1220 = arith.maximumf %scan3A_1197, %min3A_1219 : vector<16xf32>
      %max3A_1221 = arith.maximumf %scan3A_1189, %get3A_1218 : vector<16xf32>
      %add3A_1222 = arith.constant 0 : i32
      %add3A_1223 = arith.addi %mul3A_1205, %add3A_1222 : i32
      %get3A_1224 = arith.index_cast %add3A_1223 : i32 to index
      %get3A_1225 = arith.constant 32 : index
      %get3A_1226 = tpu.vector_load %arg5[%get3A_1224, %get3A_1225] {strides = array<i32>} : memref<200x128xf32, #tpu.memory_space<vmem>>, vector<16xf32>,
      %min3A_1227 = arith.minimumf %scan3A_1190, %get3A_1226 : vector<16xf32>
      %max3A_1228 = arith.maximumf %scan3A_1198, %min3A_1227 : vector<16xf32>
      %max3A_1229 = arith.maximumf %scan3A_1190, %get3A_1226 : vector<16xf32>
      %add3A_1230 = arith.constant 0 : i32
      %add3A_1231 = arith.addi %mul3A_1205, %add3A_1230 : i32
      %get3A_1232 = arith.index_cast %add3A_1231 : i32 to index
      %get3A_1233 = arith.constant 48 : index
      %get3A_1234 = tpu.vector_load %arg5[%get3A_1232, %get3A_1233] {strides = array<i32>} : memref<200x128xf32, #tpu.memory_space<vmem>>, vector<16xf32>,
      %min3A_1235 = arith.minimumf %scan3A_1191, %get3A_1234 : vector<16xf32>
      %max3A_1236 = arith.maximumf %scan3A_1199, %min3A_1235 : vector<16xf32>
      %max3A_1237 = arith.maximumf %scan3A_1191, %get3A_1234 : vector<16xf32>
      %add3A_1238 = arith.constant 0 : i32
      %add3A_1239 = arith.addi %mul3A_1205, %add3A_1238 : i32
      %get3A_1240 = arith.index_cast %add3A_1239 : i32 to index
      %get3A_1241 = arith.constant 64 : index
      %get3A_1242 = tpu.vector_load %arg5[%get3A_1240, %get3A_1241] {strides = array<i32>} : memref<200x128xf32, #tpu.memory_space<vmem>>, vector<16xf32>,
      %min3A_1243 = arith.minimumf %scan3A_1192, %get3A_1242 : vector<16xf32>
      %max3A_1244 = arith.maximumf %scan3A_1200, %min3A_1243 : vector<16xf32>
      %max3A_1245 = arith.maximumf %scan3A_1192, %get3A_1242 : vector<16xf32>
      %add3A_1246 = arith.constant 0 : i32
      %add3A_1247 = arith.addi %mul3A_1205, %add3A_1246 : i32
      %get3A_1248 = arith.index_cast %add3A_1247 : i32 to index
      %get3A_1249 = arith.constant 80 : index
      %get3A_1250 = tpu.vector_load %arg5[%get3A_1248, %get3A_1249] {strides = array<i32>} : memref<200x128xf32, #tpu.memory_space<vmem>>, vector<16xf32>,
      %min3A_1251 = arith.minimumf %scan3A_1193, %get3A_1250 : vector<16xf32>
      %max3A_1252 = arith.maximumf %scan3A_1201, %min3A_1251 : vector<16xf32>
      %max3A_1253 = arith.maximumf %scan3A_1193, %get3A_1250 : vector<16xf32>
      %add3A_1254 = arith.constant 0 : i32
      %add3A_1255 = arith.addi %mul3A_1205, %add3A_1254 : i32
      %get3A_1256 = arith.index_cast %add3A_1255 : i32 to index
      %get3A_1257 = arith.constant 96 : index
      %get3A_1258 = tpu.vector_load %arg5[%get3A_1256, %get3A_1257] {strides = array<i32>} : memref<200x128xf32, #tpu.memory_space<vmem>>, vector<16xf32>,
      %min3A_1259 = arith.minimumf %scan3A_1194, %get3A_1258 : vector<16xf32>
      %max3A_1260 = arith.maximumf %scan3A_1202, %min3A_1259 : vector<16xf32>
      %max3A_1261 = arith.maximumf %scan3A_1194, %get3A_1258 : vector<16xf32>
      %add3A_1262 = arith.constant 0 : i32
      %add3A_1263 = arith.addi %mul3A_1205, %add3A_1262 : i32
      %get3A_1264 = arith.index_cast %add3A_1263 : i32 to index
      %get3A_1265 = arith.constant 112 : index
      %get3A_1266 = tpu.vector_load %arg5[%get3A_1264, %get3A_1265] {strides = array<i32>} : memref<200x128xf32, #tpu.memory_space<vmem>>, vector<16xf32>,
      %min3A_1267 = arith.minimumf %scan3A_1195, %get3A_1266 : vector<16xf32>
      %max3A_1268 = arith.maximumf %scan3A_1203, %min3A_1267 : vector<16xf32>
      %max3A_1269 = arith.maximumf %scan3A_1195, %get3A_1266 : vector<16xf32>
      %add3A_1270 = arith.constant 1 : i32
      %add3A_1271 = arith.addi %mul3A_1205, %add3A_1270 : i32
      %get3A_1272 = arith.index_cast %add3A_1271 : i32 to index
      %get3A_1273 = arith.constant 0 : index
      %get3A_1274 = tpu.vector_load %arg5[%get3A_1272, %get3A_1273] {strides = array<i32>} : memref<200x128xf32, #tpu.memory_space<vmem>>, vector<16xf32>,
      %min3A_1275 = arith.minimumf %max3A_1213, %get3A_1274 : vector<16xf32>
      %max3A_1276 = arith.maximumf %max3A_1212, %min3A_1275 : vector<16xf32>
      %max3A_1277 = arith.maximumf %max3A_1213, %get3A_1274 : vector<16xf32>
      %add3A_1278 = arith.constant 1 : i32
      %add3A_1279 = arith.addi %mul3A_1205, %add3A_1278 : i32
      %get3A_1280 = arith.index_cast %add3A_1279 : i32 to index
      %get3A_1281 = arith.constant 16 : index
      %get3A_1282 = tpu.vector_load %arg5[%get3A_1280, %get3A_1281] {strides = array<i32>} : memref<200x128xf32, #tpu.memory_space<vmem>>, vector<16xf32>,
      %min3A_1283 = arith.minimumf %max3A_1221, %get3A_1282 : vector<16xf32>
      %max3A_1284 = arith.maximumf %max3A_1220, %min3A_1283 : vector<16xf32>
      %max3A_1285 = arith.maximumf %max3A_1221, %get3A_1282 : vector<16xf32>
      %add3A_1286 = arith.constant 1 : i32
      %add3A_1287 = arith.addi %mul3A_1205, %add3A_1286 : i32
      %get3A_1288 = arith.index_cast %add3A_1287 : i32 to index
      %get3A_1289 = arith.constant 32 : index
      %get3A_1290 = tpu.vector_load %arg5[%get3A_1288, %get3A_1289] {strides = array<i32>} : memref<200x128xf32, #tpu.memory_space<vmem>>, vector<16xf32>,
      %min3A_1291 = arith.minimumf %max3A_1229, %get3A_1290 : vector<16xf32>
      %max3A_1292 = arith.maximumf %max3A_1228, %min3A_1291 : vector<16xf32>
      %max3A_1293 = arith.maximumf %max3A_1229, %get3A_1290 : vector<16xf32>
      %add3A_1294 = arith.constant 1 : i32
      %add3A_1295 = arith.addi %mul3A_1205, %add3A_1294 : i32
      %get3A_1296 = arith.index_cast %add3A_1295 : i32 to index
      %get3A_1297 = arith.constant 48 : index
      %get3A_1298 = tpu.vector_load %arg5[%get3A_1296, %get3A_1297] {strides = array<i32>} : memref<200x128xf32, #tpu.memory_space<vmem>>, vector<16xf32>,
      %min3A_1299 = arith.minimumf %max3A_1237, %get3A_1298 : vector<16xf32>
      %max3A_1300 = arith.maximumf %max3A_1236, %min3A_1299 : vector<16xf32>
      %max3A_1301 = arith.maximumf %max3A_1237, %get3A_1298 : vector<16xf32>
      %add3A_1302 = arith.constant 1 : i32
      %add3A_1303 = arith.addi %mul3A_1205, %add3A_1302 : i32
      %get3A_1304 = arith.index_cast %add3A_1303 : i32 to index
      %get3A_1305 = arith.constant 64 : index
      %get3A_1306 = tpu.vector_load %arg5[%get3A_1304, %get3A_1305] {strides = array<i32>} : memref<200x128xf32, #tpu.memory_space<vmem>>, vector<16xf32>,
      %min3A_1307 = arith.minimumf %max3A_1245, %get3A_1306 : vector<16xf32>
      %max3A_1308 = arith.maximumf %max3A_1244, %min3A_1307 : vector<16xf32>
      %max3A_1309 = arith.maximumf %max3A_1245, %get3A_1306 : vector<16xf32>
      %add3A_1310 = arith.constant 1 : i32
      %add3A_1311 = arith.addi %mul3A_1205, %add3A_1310 : i32
      %get3A_1312 = arith.index_cast %add3A_1311 : i32 to index
      %get3A_1313 = arith.constant 80 : index
      %get3A_1314 = tpu.vector_load %arg5[%get3A_1312, %get3A_1313] {strides = array<i32>} : memref<200x128xf32, #tpu.memory_space<vmem>>, vector<16xf32>,
      %min3A_1315 = arith.minimumf %max3A_1253, %get3A_1314 : vector<16xf32>
      %max3A_1316 = arith.maximumf %max3A_1252, %min3A_1315 : vector<16xf32>
      %max3A_1317 = arith.maximumf %max3A_1253, %get3A_1314 : vector<16xf32>
      %add3A_1318 = arith.constant 1 : i32
      %add3A_1319 = arith.addi %mul3A_1205, %add3A_1318 : i32
      %get3A_1320 = arith.index_cast %add3A_1319 : i32 to index
      %get3A_1321 = arith.constant 96 : index
      %get3A_1322 = tpu.vector_load %arg5[%get3A_1320, %get3A_1321] {strides = array<i32>} : memref<200x128xf32, #tpu.memory_space<vmem>>, vector<16xf32>,
      %min3A_1323 = arith.minimumf %max3A_1261, %get3A_1322 : vector<16xf32>
      %max3A_1324 = arith.maximumf %max3A_1260, %min3A_1323 : vector<16xf32>
      %max3A_1325 = arith.maximumf %max3A_1261, %get3A_1322 : vector<16xf32>
      %add3A_1326 = arith.constant 1 : i32
      %add3A_1327 = arith.addi %mul3A_1205, %add3A_1326 : i32
      %get3A_1328 = arith.index_cast %add3A_1327 : i32 to index
      %get3A_1329 = arith.constant 112 : index
      %get3A_1330 = tpu.vector_load %arg5[%get3A_1328, %get3A_1329] {strides = array<i32>} : memref<200x128xf32, #tpu.memory_space<vmem>>, vector<16xf32>,
      %min3A_1331 = arith.minimumf %max3A_1269, %get3A_1330 : vector<16xf32>
      %max3A_1332 = arith.maximumf %max3A_1268, %min3A_1331 : vector<16xf32>
      %max3A_1333 = arith.maximumf %max3A_1269, %get3A_1330 : vector<16xf32>
      scf.yield %max3A_1277, %max3A_1285, %max3A_1293, %max3A_1301, %max3A_1309, %max3A_1317, %max3A_1325, %max3A_1333, %max3A_1276, %max3A_1284, %max3A_1292, %max3A_1300, %max3A_1308, %max3A_1316, %max3A_1324, %max3A_1332 : vector<16xf32>, vector<16xf32>, vector<16xf32>, vector<16xf32>, vector<16xf32>, vector<16xf32>, vector<16xf32>, vector<16xf32>, vector<16xf32>, vector<16xf32>, vector<16xf32>, vector<16xf32>, vector<16xf32>, vector<16xf32>, vector<16xf32>, vector<16xf32>
    }
    %scan3A_212 = arith.constant 20 : i32
    %dma_wait3A_213 = arith.constant 0 : i32
    %dma_wait3A_214 = arith.constant 0 : i32
    %dma_wait3A_215 = tpu.memref_slice %arg6[%dma_wait3A_213, %dma_wait3A_214] : memref<200x128xf32, #tpu.memory_space<vmem>> -> memref<200x128xf32, #tpu.memory_space<vmem>>
    %dma_wait3A_216 = arith.constant 40 : i32
    %dma_wait3A_217 = tpu.memref_slice %arg2[%dma_wait3A_216, %multiple_of3A] : memref<1000x4096xf32, #tpu.memory_space<hbm>> -> memref<200x128xf32, #tpu.memory_space<hbm>>
    %dma_wait3A_218 = arith.constant 0 : i32
    %dma_wait3A_219 = arith.constant 0 : i32
    %dma_wait3A_220 = tpu.memref_slice %arg6[%dma_wait3A_218, %dma_wait3A_219] : memref<200x128xf32, #tpu.memory_space<vmem>> -> memref<200x128xf32, #tpu.memory_space<vmem>>
    %dma_wait3A_221 = arith.constant 40 : i32
    %dma_wait3A_222 = tpu.memref_slice %arg2[%dma_wait3A_221, %multiple_of3A] : memref<1000x4096xf32, #tpu.memory_space<hbm>> -> memref<200x128xf32, #tpu.memory_space<hbm>>
    tpu.wait_dma2 semaphore(%arg10 : memref<!tpu.dma_semaphore, #tpu.memory_space<semaphore_mem>>) src(%dma_wait3A_222 : memref<200x128xf32, #tpu.memory_space<hbm>>) dst(%dma_wait3A_220 : memref<200x128xf32, #tpu.memory_space<vmem>>)
    %dma_start3A_223 = arith.constant 0 : i32
    %dma_start3A_224 = arith.constant 0 : i32
    %dma_start3A_225 = tpu.memref_slice %arg5[%dma_start3A_223, %dma_start3A_224] : memref<200x128xf32, #tpu.memory_space<vmem>> -> memref<200x128xf32, #tpu.memory_space<vmem>>
    %dma_start3A_226 = arith.constant 240 : i32
    %dma_start3A_227 = tpu.memref_slice %arg2[%dma_start3A_226, %multiple_of3A] : memref<1000x4096xf32, #tpu.memory_space<hbm>> -> memref<200x128xf32, #tpu.memory_space<hbm>>
    %dma_start3A_228 = arith.constant 0 : i32
    %dma_start3A_229 = arith.constant 0 : i32
    %dma_start3A_230 = tpu.memref_slice %arg5[%dma_start3A_228, %dma_start3A_229] : memref<200x128xf32, #tpu.memory_space<vmem>> -> memref<200x128xf32, #tpu.memory_space<vmem>>
    %dma_start3A_231 = arith.constant 240 : i32
    %dma_start3A_232 = tpu.memref_slice %arg2[%dma_start3A_231, %multiple_of3A] : memref<1000x4096xf32, #tpu.memory_space<hbm>> -> memref<200x128xf32, #tpu.memory_space<hbm>>
    tpu.enqueue_dma source(%dma_start3A_232 : memref<200x128xf32, #tpu.memory_space<hbm>>) target(%dma_start3A_230 : memref<200x128xf32, #tpu.memory_space<vmem>>) target_semaphore(%arg9 : memref<!tpu.dma_semaphore, #tpu.memory_space<semaphore_mem>>)
    %ge3A_233 = arith.constant 40 : i32
    %ge3A_234 = vector.broadcast %ge3A_233 : i32 to vector<16xi32>
    %ge3A_235 = arith.cmpi sge, %get3A_15, %ge3A_234 : vector<16xi32>
    %lt3A_236 = arith.constant 240 : i32
    %lt3A_237 = vector.broadcast %lt3A_236 : i32 to vector<16xi32>
    %lt3A_238 = arith.cmpi slt, %get3A_15, %lt3A_237 : vector<16xi32>
    %and3A_239 = arith.andi %ge3A_235, %lt3A_238 : vector<16xi1>
    %sub3A_240 = arith.constant 40 : i32
    %sub3A_241 = vector.broadcast %sub3A_240 : i32 to vector<16xi32>
    %sub3A_242 = arith.subi %get3A_15, %sub3A_241 : vector<16xi32>
    %jit3A_243 = arith.constant 0 : i32
    %jit3A_244 = arith.constant 199 : i32
    %max3A_245 = vector.broadcast %jit3A_243 : i32 to vector<16xi32>
    %max3A_246 = arith.maxsi %max3A_245, %sub3A_242 : vector<16xi32>
    %min3A_247 = vector.broadcast %jit3A_244 : i32 to vector<16xi32>
    %min3A_248 = arith.minsi %min3A_247, %max3A_246 : vector<16xi32>
    %gather3A_249 = tpu.vector_load_idx %arg6[%min3A_248, %add3A_32] masked %and3A_239 : memref<200x128xf32, #tpu.memory_space<vmem>>[vector<16xi32>, vector<16xi32>], vector<16xf32>, vector<16xi1>
    %select_n3A_250 = arith.select %and3A_239, %gather3A_249, %select_n3A : vector<16xi1>, vector<16xf32>
    tpu.vector_store_idx %arg6[%min3A_248, %add3A_32], %broadcast_in_dim3A_12 masked %and3A_239 : memref<200x128xf32, #tpu.memory_space<vmem>>[vector<16xi32>, vector<16xi32>], vector<16xf32>, vector<16xi1>
    %ge3A_251 = arith.constant 40 : i32
    %ge3A_252 = vector.broadcast %ge3A_251 : i32 to vector<16xi32>
    %ge3A_253 = arith.cmpi sge, %get3A_17, %ge3A_252 : vector<16xi32>
    %lt3A_254 = arith.constant 240 : i32
    %lt3A_255 = vector.broadcast %lt3A_254 : i32 to vector<16xi32>
    %lt3A_256 = arith.cmpi slt, %get3A_17, %lt3A_255 : vector<16xi32>
    %and3A_257 = arith.andi %ge3A_253, %lt3A_256 : vector<16xi1>
    %sub3A_258 = arith.constant 40 : i32
    %sub3A_259 = vector.broadcast %sub3A_258 : i32 to vector<16xi32>
    %sub3A_260 = arith.subi %get3A_17, %sub3A_259 : vector<16xi32>
    %jit3A_261 = arith.constant 0 : i32
    %jit3A_262 = arith.constant 199 : i32
    %max3A_263 = vector.broadcast %jit3A_261 : i32 to vector<16xi32>
    %max3A_264 = arith.maxsi %max3A_263, %sub3A_260 : vector<16xi32>
    %min3A_265 = vector.broadcast %jit3A_262 : i32 to vector<16xi32>
    %min3A_266 = arith.minsi %min3A_265, %max3A_264 : vector<16xi32>
    %gather3A_267 = tpu.vector_load_idx %arg6[%min3A_266, %add3A_35] masked %and3A_257 : memref<200x128xf32, #tpu.memory_space<vmem>>[vector<16xi32>, vector<16xi32>], vector<16xf32>, vector<16xi1>
    %select_n3A_268 = arith.select %and3A_257, %gather3A_267, %select_n3A_99 : vector<16xi1>, vector<16xf32>
    tpu.vector_store_idx %arg6[%min3A_266, %add3A_35], %broadcast_in_dim3A_12 masked %and3A_257 : memref<200x128xf32, #tpu.memory_space<vmem>>[vector<16xi32>, vector<16xi32>], vector<16xf32>, vector<16xi1>
    %ge3A_269 = arith.constant 40 : i32
    %ge3A_270 = vector.broadcast %ge3A_269 : i32 to vector<16xi32>
    %ge3A_271 = arith.cmpi sge, %get3A_19, %ge3A_270 : vector<16xi32>
    %lt3A_272 = arith.constant 240 : i32
    %lt3A_273 = vector.broadcast %lt3A_272 : i32 to vector<16xi32>
    %lt3A_274 = arith.cmpi slt, %get3A_19, %lt3A_273 : vector<16xi32>
    %and3A_275 = arith.andi %ge3A_271, %lt3A_274 : vector<16xi1>
    %sub3A_276 = arith.constant 40 : i32
    %sub3A_277 = vector.broadcast %sub3A_276 : i32 to vector<16xi32>
    %sub3A_278 = arith.subi %get3A_19, %sub3A_277 : vector<16xi32>
    %jit3A_279 = arith.constant 0 : i32
    %jit3A_280 = arith.constant 199 : i32
    %max3A_281 = vector.broadcast %jit3A_279 : i32 to vector<16xi32>
    %max3A_282 = arith.maxsi %max3A_281, %sub3A_278 : vector<16xi32>
    %min3A_283 = vector.broadcast %jit3A_280 : i32 to vector<16xi32>
    %min3A_284 = arith.minsi %min3A_283, %max3A_282 : vector<16xi32>
    %gather3A_285 = tpu.vector_load_idx %arg6[%min3A_284, %add3A_38] masked %and3A_275 : memref<200x128xf32, #tpu.memory_space<vmem>>[vector<16xi32>, vector<16xi32>], vector<16xf32>, vector<16xi1>
    %select_n3A_286 = arith.select %and3A_275, %gather3A_285, %select_n3A_117 : vector<16xi1>, vector<16xf32>
    tpu.vector_store_idx %arg6[%min3A_284, %add3A_38], %broadcast_in_dim3A_12 masked %and3A_275 : memref<200x128xf32, #tpu.memory_space<vmem>>[vector<16xi32>, vector<16xi32>], vector<16xf32>, vector<16xi1>
    %ge3A_287 = arith.constant 40 : i32
    %ge3A_288 = vector.broadcast %ge3A_287 : i32 to vector<16xi32>
    %ge3A_289 = arith.cmpi sge, %get3A_21, %ge3A_288 : vector<16xi32>
    %lt3A_290 = arith.constant 240 : i32
    %lt3A_291 = vector.broadcast %lt3A_290 : i32 to vector<16xi32>
    %lt3A_292 = arith.cmpi slt, %get3A_21, %lt3A_291 : vector<16xi32>
    %and3A_293 = arith.andi %ge3A_289, %lt3A_292 : vector<16xi1>
    %sub3A_294 = arith.constant 40 : i32
    %sub3A_295 = vector.broadcast %sub3A_294 : i32 to vector<16xi32>
    %sub3A_296 = arith.subi %get3A_21, %sub3A_295 : vector<16xi32>
    %jit3A_297 = arith.constant 0 : i32
    %jit3A_298 = arith.constant 199 : i32
    %max3A_299 = vector.broadcast %jit3A_297 : i32 to vector<16xi32>
    %max3A_300 = arith.maxsi %max3A_299, %sub3A_296 : vector<16xi32>
    %min3A_301 = vector.broadcast %jit3A_298 : i32 to vector<16xi32>
    %min3A_302 = arith.minsi %min3A_301, %max3A_300 : vector<16xi32>
    %gather3A_303 = tpu.vector_load_idx %arg6[%min3A_302, %add3A_41] masked %and3A_293 : memref<200x128xf32, #tpu.memory_space<vmem>>[vector<16xi32>, vector<16xi32>], vector<16xf32>, vector<16xi1>
    %select_n3A_304 = arith.select %and3A_293, %gather3A_303, %select_n3A_135 : vector<16xi1>, vector<16xf32>
    tpu.vector_store_idx %arg6[%min3A_302, %add3A_41], %broadcast_in_dim3A_12 masked %and3A_293 : memref<200x128xf32, #tpu.memory_space<vmem>>[vector<16xi32>, vector<16xi32>], vector<16xf32>, vector<16xi1>
    %ge3A_305 = arith.constant 40 : i32
    %ge3A_306 = vector.broadcast %ge3A_305 : i32 to vector<16xi32>
    %ge3A_307 = arith.cmpi sge, %get3A_23, %ge3A_306 : vector<16xi32>
    %lt3A_308 = arith.constant 240 : i32
    %lt3A_309 = vector.broadcast %lt3A_308 : i32 to vector<16xi32>
    %lt3A_310 = arith.cmpi slt, %get3A_23, %lt3A_309 : vector<16xi32>
    %and3A_311 = arith.andi %ge3A_307, %lt3A_310 : vector<16xi1>
    %sub3A_312 = arith.constant 40 : i32
    %sub3A_313 = vector.broadcast %sub3A_312 : i32 to vector<16xi32>
    %sub3A_314 = arith.subi %get3A_23, %sub3A_313 : vector<16xi32>
    %jit3A_315 = arith.constant 0 : i32
    %jit3A_316 = arith.constant 199 : i32
    %max3A_317 = vector.broadcast %jit3A_315 : i32 to vector<16xi32>
    %max3A_318 = arith.maxsi %max3A_317, %sub3A_314 : vector<16xi32>
    %min3A_319 = vector.broadcast %jit3A_316 : i32 to vector<16xi32>
    %min3A_320 = arith.minsi %min3A_319, %max3A_318 : vector<16xi32>
    %gather3A_321 = tpu.vector_load_idx %arg6[%min3A_320, %add3A_44] masked %and3A_311 : memref<200x128xf32, #tpu.memory_space<vmem>>[vector<16xi32>, vector<16xi32>], vector<16xf32>, vector<16xi1>
    %select_n3A_322 = arith.select %and3A_311, %gather3A_321, %select_n3A_153 : vector<16xi1>, vector<16xf32>
    tpu.vector_store_idx %arg6[%min3A_320, %add3A_44], %broadcast_in_dim3A_12 masked %and3A_311 : memref<200x128xf32, #tpu.memory_space<vmem>>[vector<16xi32>, vector<16xi32>], vector<16xf32>, vector<16xi1>
    %ge3A_323 = arith.constant 40 : i32
    %ge3A_324 = vector.broadcast %ge3A_323 : i32 to vector<16xi32>
    %ge3A_325 = arith.cmpi sge, %get3A_25, %ge3A_324 : vector<16xi32>
    %lt3A_326 = arith.constant 240 : i32
    %lt3A_327 = vector.broadcast %lt3A_326 : i32 to vector<16xi32>
    %lt3A_328 = arith.cmpi slt, %get3A_25, %lt3A_327 : vector<16xi32>
    %and3A_329 = arith.andi %ge3A_325, %lt3A_328 : vector<16xi1>
    %sub3A_330 = arith.constant 40 : i32
    %sub3A_331 = vector.broadcast %sub3A_330 : i32 to vector<16xi32>
    %sub3A_332 = arith.subi %get3A_25, %sub3A_331 : vector<16xi32>
    %jit3A_333 = arith.constant 0 : i32
    %jit3A_334 = arith.constant 199 : i32
    %max3A_335 = vector.broadcast %jit3A_333 : i32 to vector<16xi32>
    %max3A_336 = arith.maxsi %max3A_335, %sub3A_332 : vector<16xi32>
    %min3A_337 = vector.broadcast %jit3A_334 : i32 to vector<16xi32>
    %min3A_338 = arith.minsi %min3A_337, %max3A_336 : vector<16xi32>
    %gather3A_339 = tpu.vector_load_idx %arg6[%min3A_338, %add3A_47] masked %and3A_329 : memref<200x128xf32, #tpu.memory_space<vmem>>[vector<16xi32>, vector<16xi32>], vector<16xf32>, vector<16xi1>
    %select_n3A_340 = arith.select %and3A_329, %gather3A_339, %select_n3A_171 : vector<16xi1>, vector<16xf32>
    tpu.vector_store_idx %arg6[%min3A_338, %add3A_47], %broadcast_in_dim3A_12 masked %and3A_329 : memref<200x128xf32, #tpu.memory_space<vmem>>[vector<16xi32>, vector<16xi32>], vector<16xf32>, vector<16xi1>
    %ge3A_341 = arith.constant 40 : i32
    %ge3A_342 = vector.broadcast %ge3A_341 : i32 to vector<16xi32>
    %ge3A_343 = arith.cmpi sge, %get3A_27, %ge3A_342 : vector<16xi32>
    %lt3A_344 = arith.constant 240 : i32
    %lt3A_345 = vector.broadcast %lt3A_344 : i32 to vector<16xi32>
    %lt3A_346 = arith.cmpi slt, %get3A_27, %lt3A_345 : vector<16xi32>
    %and3A_347 = arith.andi %ge3A_343, %lt3A_346 : vector<16xi1>
    %sub3A_348 = arith.constant 40 : i32
    %sub3A_349 = vector.broadcast %sub3A_348 : i32 to vector<16xi32>
    %sub3A_350 = arith.subi %get3A_27, %sub3A_349 : vector<16xi32>
    %jit3A_351 = arith.constant 0 : i32
    %jit3A_352 = arith.constant 199 : i32
    %max3A_353 = vector.broadcast %jit3A_351 : i32 to vector<16xi32>
    %max3A_354 = arith.maxsi %max3A_353, %sub3A_350 : vector<16xi32>
    %min3A_355 = vector.broadcast %jit3A_352 : i32 to vector<16xi32>
    %min3A_356 = arith.minsi %min3A_355, %max3A_354 : vector<16xi32>
    %gather3A_357 = tpu.vector_load_idx %arg6[%min3A_356, %add3A_50] masked %and3A_347 : memref<200x128xf32, #tpu.memory_space<vmem>>[vector<16xi32>, vector<16xi32>], vector<16xf32>, vector<16xi1>
    %select_n3A_358 = arith.select %and3A_347, %gather3A_357, %select_n3A_189 : vector<16xi1>, vector<16xf32>
    tpu.vector_store_idx %arg6[%min3A_356, %add3A_50], %broadcast_in_dim3A_12 masked %and3A_347 : memref<200x128xf32, #tpu.memory_space<vmem>>[vector<16xi32>, vector<16xi32>], vector<16xf32>, vector<16xi1>
    %ge3A_359 = arith.constant 40 : i32
    %ge3A_360 = vector.broadcast %ge3A_359 : i32 to vector<16xi32>
    %ge3A_361 = arith.cmpi sge, %get3A_29, %ge3A_360 : vector<16xi32>
    %lt3A_362 = arith.constant 240 : i32
    %lt3A_363 = vector.broadcast %lt3A_362 : i32 to vector<16xi32>
    %lt3A_364 = arith.cmpi slt, %get3A_29, %lt3A_363 : vector<16xi32>
    %and3A_365 = arith.andi %ge3A_361, %lt3A_364 : vector<16xi1>
    %sub3A_366 = arith.constant 40 : i32
    %sub3A_367 = vector.broadcast %sub3A_366 : i32 to vector<16xi32>
    %sub3A_368 = arith.subi %get3A_29, %sub3A_367 : vector<16xi32>
    %jit3A_369 = arith.constant 0 : i32
    %jit3A_370 = arith.constant 199 : i32
    %max3A_371 = vector.broadcast %jit3A_369 : i32 to vector<16xi32>
    %max3A_372 = arith.maxsi %max3A_371, %sub3A_368 : vector<16xi32>
    %min3A_373 = vector.broadcast %jit3A_370 : i32 to vector<16xi32>
    %min3A_374 = arith.minsi %min3A_373, %max3A_372 : vector<16xi32>
    %gather3A_375 = tpu.vector_load_idx %arg6[%min3A_374, %add3A_53] masked %and3A_365 : memref<200x128xf32, #tpu.memory_space<vmem>>[vector<16xi32>, vector<16xi32>], vector<16xf32>, vector<16xi1>
    %select_n3A_376 = arith.select %and3A_365, %gather3A_375, %select_n3A_207 : vector<16xi1>, vector<16xf32>
    tpu.vector_store_idx %arg6[%min3A_374, %add3A_53], %broadcast_in_dim3A_12 masked %and3A_365 : memref<200x128xf32, #tpu.memory_space<vmem>>[vector<16xi32>, vector<16xi32>], vector<16xf32>, vector<16xi1>
    %scan3A_377 = arith.constant 0 : i32
    %scan3A_378 = arith.constant 100 : i32
    %scan3A_379 = arith.addi %scan3A_377, %scan3A_378 : i32
    %scan3A_380 = arith.constant 1 : i32
    %scan3A_381:16 = scf.for %scan3A_1187 = %scan3A_377 to %scan3A_379 step %scan3A_380 iter_args(%scan3A_1188 = %scan3A_211#0, %scan3A_1189 = %scan3A_211#1, %scan3A_1190 = %scan3A_211#2, %scan3A_1191 = %scan3A_211#3, %scan3A_1192 = %scan3A_211#4, %scan3A_1193 = %scan3A_211#5, %scan3A_1194 = %scan3A_211#6, %scan3A_1195 = %scan3A_211#7, %scan3A_1196 = %scan3A_211#8, %scan3A_1197 = %scan3A_211#9, %scan3A_1198 = %scan3A_211#10, %scan3A_1199 = %scan3A_211#11, %scan3A_1200 = %scan3A_211#12, %scan3A_1201 = %scan3A_211#13, %scan3A_1202 = %scan3A_211#14, %scan3A_1203 = %scan3A_211#15) -> (vector<16xf32>, vector<16xf32>, vector<16xf32>, vector<16xf32>, vector<16xf32>, vector<16xf32>, vector<16xf32>, vector<16xf32>, vector<16xf32>, vector<16xf32>, vector<16xf32>, vector<16xf32>, vector<16xf32>, vector<16xf32>, vector<16xf32>, vector<16xf32>)  : i32 {
      %mul3A_1204 = arith.constant 2 : i32
      %mul3A_1205 = arith.muli %scan3A_1187, %mul3A_1204 : i32
      %add3A_1206 = arith.constant 0 : i32
      %add3A_1207 = arith.addi %mul3A_1205, %add3A_1206 : i32
      %get3A_1208 = arith.index_cast %add3A_1207 : i32 to index
      %get3A_1209 = arith.constant 0 : index
      %get3A_1210 = tpu.vector_load %arg6[%get3A_1208, %get3A_1209] {strides = array<i32>} : memref<200x128xf32, #tpu.memory_space<vmem>>, vector<16xf32>,
      %min3A_1211 = arith.minimumf %scan3A_1188, %get3A_1210 : vector<16xf32>
      %max3A_1212 = arith.maximumf %scan3A_1196, %min3A_1211 : vector<16xf32>
      %max3A_1213 = arith.maximumf %scan3A_1188, %get3A_1210 : vector<16xf32>
      %add3A_1214 = arith.constant 0 : i32
      %add3A_1215 = arith.addi %mul3A_1205, %add3A_1214 : i32
      %get3A_1216 = arith.index_cast %add3A_1215 : i32 to index
      %get3A_1217 = arith.constant 16 : index
      %get3A_1218 = tpu.vector_load %arg6[%get3A_1216, %get3A_1217] {strides = array<i32>} : memref<200x128xf32, #tpu.memory_space<vmem>>, vector<16xf32>,
      %min3A_1219 = arith.minimumf %scan3A_1189, %get3A_1218 : vector<16xf32>
      %max3A_1220 = arith.maximumf %scan3A_1197, %min3A_1219 : vector<16xf32>
      %max3A_1221 = arith.maximumf %scan3A_1189, %get3A_1218 : vector<16xf32>
      %add3A_1222 = arith.constant 0 : i32
      %add3A_1223 = arith.addi %mul3A_1205, %add3A_1222 : i32
      %get3A_1224 = arith.index_cast %add3A_1223 : i32 to index
      %get3A_1225 = arith.constant 32 : index
      %get3A_1226 = tpu.vector_load %arg6[%get3A_1224, %get3A_1225] {strides = array<i32>} : memref<200x128xf32, #tpu.memory_space<vmem>>, vector<16xf32>,
      %min3A_1227 = arith.minimumf %scan3A_1190, %get3A_1226 : vector<16xf32>
      %max3A_1228 = arith.maximumf %scan3A_1198, %min3A_1227 : vector<16xf32>
      %max3A_1229 = arith.maximumf %scan3A_1190, %get3A_1226 : vector<16xf32>
      %add3A_1230 = arith.constant 0 : i32
      %add3A_1231 = arith.addi %mul3A_1205, %add3A_1230 : i32
      %get3A_1232 = arith.index_cast %add3A_1231 : i32 to index
      %get3A_1233 = arith.constant 48 : index
      %get3A_1234 = tpu.vector_load %arg6[%get3A_1232, %get3A_1233] {strides = array<i32>} : memref<200x128xf32, #tpu.memory_space<vmem>>, vector<16xf32>,
      %min3A_1235 = arith.minimumf %scan3A_1191, %get3A_1234 : vector<16xf32>
      %max3A_1236 = arith.maximumf %scan3A_1199, %min3A_1235 : vector<16xf32>
      %max3A_1237 = arith.maximumf %scan3A_1191, %get3A_1234 : vector<16xf32>
      %add3A_1238 = arith.constant 0 : i32
      %add3A_1239 = arith.addi %mul3A_1205, %add3A_1238 : i32
      %get3A_1240 = arith.index_cast %add3A_1239 : i32 to index
      %get3A_1241 = arith.constant 64 : index
      %get3A_1242 = tpu.vector_load %arg6[%get3A_1240, %get3A_1241] {strides = array<i32>} : memref<200x128xf32, #tpu.memory_space<vmem>>, vector<16xf32>,
      %min3A_1243 = arith.minimumf %scan3A_1192, %get3A_1242 : vector<16xf32>
      %max3A_1244 = arith.maximumf %scan3A_1200, %min3A_1243 : vector<16xf32>
      %max3A_1245 = arith.maximumf %scan3A_1192, %get3A_1242 : vector<16xf32>
      %add3A_1246 = arith.constant 0 : i32
      %add3A_1247 = arith.addi %mul3A_1205, %add3A_1246 : i32
      %get3A_1248 = arith.index_cast %add3A_1247 : i32 to index
      %get3A_1249 = arith.constant 80 : index
      %get3A_1250 = tpu.vector_load %arg6[%get3A_1248, %get3A_1249] {strides = array<i32>} : memref<200x128xf32, #tpu.memory_space<vmem>>, vector<16xf32>,
      %min3A_1251 = arith.minimumf %scan3A_1193, %get3A_1250 : vector<16xf32>
      %max3A_1252 = arith.maximumf %scan3A_1201, %min3A_1251 : vector<16xf32>
      %max3A_1253 = arith.maximumf %scan3A_1193, %get3A_1250 : vector<16xf32>
      %add3A_1254 = arith.constant 0 : i32
      %add3A_1255 = arith.addi %mul3A_1205, %add3A_1254 : i32
      %get3A_1256 = arith.index_cast %add3A_1255 : i32 to index
      %get3A_1257 = arith.constant 96 : index
      %get3A_1258 = tpu.vector_load %arg6[%get3A_1256, %get3A_1257] {strides = array<i32>} : memref<200x128xf32, #tpu.memory_space<vmem>>, vector<16xf32>,
      %min3A_1259 = arith.minimumf %scan3A_1194, %get3A_1258 : vector<16xf32>
      %max3A_1260 = arith.maximumf %scan3A_1202, %min3A_1259 : vector<16xf32>
      %max3A_1261 = arith.maximumf %scan3A_1194, %get3A_1258 : vector<16xf32>
      %add3A_1262 = arith.constant 0 : i32
      %add3A_1263 = arith.addi %mul3A_1205, %add3A_1262 : i32
      %get3A_1264 = arith.index_cast %add3A_1263 : i32 to index
      %get3A_1265 = arith.constant 112 : index
      %get3A_1266 = tpu.vector_load %arg6[%get3A_1264, %get3A_1265] {strides = array<i32>} : memref<200x128xf32, #tpu.memory_space<vmem>>, vector<16xf32>,
      %min3A_1267 = arith.minimumf %scan3A_1195, %get3A_1266 : vector<16xf32>
      %max3A_1268 = arith.maximumf %scan3A_1203, %min3A_1267 : vector<16xf32>
      %max3A_1269 = arith.maximumf %scan3A_1195, %get3A_1266 : vector<16xf32>
      %add3A_1270 = arith.constant 1 : i32
      %add3A_1271 = arith.addi %mul3A_1205, %add3A_1270 : i32
      %get3A_1272 = arith.index_cast %add3A_1271 : i32 to index
      %get3A_1273 = arith.constant 0 : index
      %get3A_1274 = tpu.vector_load %arg6[%get3A_1272, %get3A_1273] {strides = array<i32>} : memref<200x128xf32, #tpu.memory_space<vmem>>, vector<16xf32>,
      %min3A_1275 = arith.minimumf %max3A_1213, %get3A_1274 : vector<16xf32>
      %max3A_1276 = arith.maximumf %max3A_1212, %min3A_1275 : vector<16xf32>
      %max3A_1277 = arith.maximumf %max3A_1213, %get3A_1274 : vector<16xf32>
      %add3A_1278 = arith.constant 1 : i32
      %add3A_1279 = arith.addi %mul3A_1205, %add3A_1278 : i32
      %get3A_1280 = arith.index_cast %add3A_1279 : i32 to index
      %get3A_1281 = arith.constant 16 : index
      %get3A_1282 = tpu.vector_load %arg6[%get3A_1280, %get3A_1281] {strides = array<i32>} : memref<200x128xf32, #tpu.memory_space<vmem>>, vector<16xf32>,
      %min3A_1283 = arith.minimumf %max3A_1221, %get3A_1282 : vector<16xf32>
      %max3A_1284 = arith.maximumf %max3A_1220, %min3A_1283 : vector<16xf32>
      %max3A_1285 = arith.maximumf %max3A_1221, %get3A_1282 : vector<16xf32>
      %add3A_1286 = arith.constant 1 : i32
      %add3A_1287 = arith.addi %mul3A_1205, %add3A_1286 : i32
      %get3A_1288 = arith.index_cast %add3A_1287 : i32 to index
      %get3A_1289 = arith.constant 32 : index
      %get3A_1290 = tpu.vector_load %arg6[%get3A_1288, %get3A_1289] {strides = array<i32>} : memref<200x128xf32, #tpu.memory_space<vmem>>, vector<16xf32>,
      %min3A_1291 = arith.minimumf %max3A_1229, %get3A_1290 : vector<16xf32>
      %max3A_1292 = arith.maximumf %max3A_1228, %min3A_1291 : vector<16xf32>
      %max3A_1293 = arith.maximumf %max3A_1229, %get3A_1290 : vector<16xf32>
      %add3A_1294 = arith.constant 1 : i32
      %add3A_1295 = arith.addi %mul3A_1205, %add3A_1294 : i32
      %get3A_1296 = arith.index_cast %add3A_1295 : i32 to index
      %get3A_1297 = arith.constant 48 : index
      %get3A_1298 = tpu.vector_load %arg6[%get3A_1296, %get3A_1297] {strides = array<i32>} : memref<200x128xf32, #tpu.memory_space<vmem>>, vector<16xf32>,
      %min3A_1299 = arith.minimumf %max3A_1237, %get3A_1298 : vector<16xf32>
      %max3A_1300 = arith.maximumf %max3A_1236, %min3A_1299 : vector<16xf32>
      %max3A_1301 = arith.maximumf %max3A_1237, %get3A_1298 : vector<16xf32>
      %add3A_1302 = arith.constant 1 : i32
      %add3A_1303 = arith.addi %mul3A_1205, %add3A_1302 : i32
      %get3A_1304 = arith.index_cast %add3A_1303 : i32 to index
      %get3A_1305 = arith.constant 64 : index
      %get3A_1306 = tpu.vector_load %arg6[%get3A_1304, %get3A_1305] {strides = array<i32>} : memref<200x128xf32, #tpu.memory_space<vmem>>, vector<16xf32>,
      %min3A_1307 = arith.minimumf %max3A_1245, %get3A_1306 : vector<16xf32>
      %max3A_1308 = arith.maximumf %max3A_1244, %min3A_1307 : vector<16xf32>
      %max3A_1309 = arith.maximumf %max3A_1245, %get3A_1306 : vector<16xf32>
      %add3A_1310 = arith.constant 1 : i32
      %add3A_1311 = arith.addi %mul3A_1205, %add3A_1310 : i32
      %get3A_1312 = arith.index_cast %add3A_1311 : i32 to index
      %get3A_1313 = arith.constant 80 : index
      %get3A_1314 = tpu.vector_load %arg6[%get3A_1312, %get3A_1313] {strides = array<i32>} : memref<200x128xf32, #tpu.memory_space<vmem>>, vector<16xf32>,
      %min3A_1315 = arith.minimumf %max3A_1253, %get3A_1314 : vector<16xf32>
      %max3A_1316 = arith.maximumf %max3A_1252, %min3A_1315 : vector<16xf32>
      %max3A_1317 = arith.maximumf %max3A_1253, %get3A_1314 : vector<16xf32>
      %add3A_1318 = arith.constant 1 : i32
      %add3A_1319 = arith.addi %mul3A_1205, %add3A_1318 : i32
      %get3A_1320 = arith.index_cast %add3A_1319 : i32 to index
      %get3A_1321 = arith.constant 96 : index
      %get3A_1322 = tpu.vector_load %arg6[%get3A_1320, %get3A_1321] {strides = array<i32>} : memref<200x128xf32, #tpu.memory_space<vmem>>, vector<16xf32>,
      %min3A_1323 = arith.minimumf %max3A_1261, %get3A_1322 : vector<16xf32>
      %max3A_1324 = arith.maximumf %max3A_1260, %min3A_1323 : vector<16xf32>
      %max3A_1325 = arith.maximumf %max3A_1261, %get3A_1322 : vector<16xf32>
      %add3A_1326 = arith.constant 1 : i32
      %add3A_1327 = arith.addi %mul3A_1205, %add3A_1326 : i32
      %get3A_1328 = arith.index_cast %add3A_1327 : i32 to index
      %get3A_1329 = arith.constant 112 : index
      %get3A_1330 = tpu.vector_load %arg6[%get3A_1328, %get3A_1329] {strides = array<i32>} : memref<200x128xf32, #tpu.memory_space<vmem>>, vector<16xf32>,
      %min3A_1331 = arith.minimumf %max3A_1269, %get3A_1330 : vector<16xf32>
      %max3A_1332 = arith.maximumf %max3A_1268, %min3A_1331 : vector<16xf32>
      %max3A_1333 = arith.maximumf %max3A_1269, %get3A_1330 : vector<16xf32>
      scf.yield %max3A_1277, %max3A_1285, %max3A_1293, %max3A_1301, %max3A_1309, %max3A_1317, %max3A_1325, %max3A_1333, %max3A_1276, %max3A_1284, %max3A_1292, %max3A_1300, %max3A_1308, %max3A_1316, %max3A_1324, %max3A_1332 : vector<16xf32>, vector<16xf32>, vector<16xf32>, vector<16xf32>, vector<16xf32>, vector<16xf32>, vector<16xf32>, vector<16xf32>, vector<16xf32>, vector<16xf32>, vector<16xf32>, vector<16xf32>, vector<16xf32>, vector<16xf32>, vector<16xf32>, vector<16xf32>
    }
    %scan3A_382 = arith.constant 100 : i32
    %dma_wait3A_383 = arith.constant 0 : i32
    %dma_wait3A_384 = arith.constant 0 : i32
    %dma_wait3A_385 = tpu.memref_slice %arg5[%dma_wait3A_383, %dma_wait3A_384] : memref<200x128xf32, #tpu.memory_space<vmem>> -> memref<200x128xf32, #tpu.memory_space<vmem>>
    %dma_wait3A_386 = arith.constant 240 : i32
    %dma_wait3A_387 = tpu.memref_slice %arg2[%dma_wait3A_386, %multiple_of3A] : memref<1000x4096xf32, #tpu.memory_space<hbm>> -> memref<200x128xf32, #tpu.memory_space<hbm>>
    %dma_wait3A_388 = arith.constant 0 : i32
    %dma_wait3A_389 = arith.constant 0 : i32
    %dma_wait3A_390 = tpu.memref_slice %arg5[%dma_wait3A_388, %dma_wait3A_389] : memref<200x128xf32, #tpu.memory_space<vmem>> -> memref<200x128xf32, #tpu.memory_space<vmem>>
    %dma_wait3A_391 = arith.constant 240 : i32
    %dma_wait3A_392 = tpu.memref_slice %arg2[%dma_wait3A_391, %multiple_of3A] : memref<1000x4096xf32, #tpu.memory_space<hbm>> -> memref<200x128xf32, #tpu.memory_space<hbm>>
    tpu.wait_dma2 semaphore(%arg9 : memref<!tpu.dma_semaphore, #tpu.memory_space<semaphore_mem>>) src(%dma_wait3A_392 : memref<200x128xf32, #tpu.memory_space<hbm>>) dst(%dma_wait3A_390 : memref<200x128xf32, #tpu.memory_space<vmem>>)
    %dma_start3A_393 = arith.constant 0 : i32
    %dma_start3A_394 = arith.constant 0 : i32
    %dma_start3A_395 = tpu.memref_slice %arg6[%dma_start3A_393, %dma_start3A_394] : memref<200x128xf32, #tpu.memory_space<vmem>> -> memref<200x128xf32, #tpu.memory_space<vmem>>
    %dma_start3A_396 = arith.constant 440 : i32
    %dma_start3A_397 = tpu.memref_slice %arg2[%dma_start3A_396, %multiple_of3A] : memref<1000x4096xf32, #tpu.memory_space<hbm>> -> memref<200x128xf32, #tpu.memory_space<hbm>>
    %dma_start3A_398 = arith.constant 0 : i32
    %dma_start3A_399 = arith.constant 0 : i32
    %dma_start3A_400 = tpu.memref_slice %arg6[%dma_start3A_398, %dma_start3A_399] : memref<200x128xf32, #tpu.memory_space<vmem>> -> memref<200x128xf32, #tpu.memory_space<vmem>>
    %dma_start3A_401 = arith.constant 440 : i32
    %dma_start3A_402 = tpu.memref_slice %arg2[%dma_start3A_401, %multiple_of3A] : memref<1000x4096xf32, #tpu.memory_space<hbm>> -> memref<200x128xf32, #tpu.memory_space<hbm>>
    tpu.enqueue_dma source(%dma_start3A_402 : memref<200x128xf32, #tpu.memory_space<hbm>>) target(%dma_start3A_400 : memref<200x128xf32, #tpu.memory_space<vmem>>) target_semaphore(%arg10 : memref<!tpu.dma_semaphore, #tpu.memory_space<semaphore_mem>>)
    %ge3A_403 = arith.constant 240 : i32
    %ge3A_404 = vector.broadcast %ge3A_403 : i32 to vector<16xi32>
    %ge3A_405 = arith.cmpi sge, %get3A_15, %ge3A_404 : vector<16xi32>
    %lt3A_406 = arith.constant 440 : i32
    %lt3A_407 = vector.broadcast %lt3A_406 : i32 to vector<16xi32>
    %lt3A_408 = arith.cmpi slt, %get3A_15, %lt3A_407 : vector<16xi32>
    %and3A_409 = arith.andi %ge3A_405, %lt3A_408 : vector<16xi1>
    %sub3A_410 = arith.constant 240 : i32
    %sub3A_411 = vector.broadcast %sub3A_410 : i32 to vector<16xi32>
    %sub3A_412 = arith.subi %get3A_15, %sub3A_411 : vector<16xi32>
    %jit3A_413 = arith.constant 0 : i32
    %jit3A_414 = arith.constant 199 : i32
    %max3A_415 = vector.broadcast %jit3A_413 : i32 to vector<16xi32>
    %max3A_416 = arith.maxsi %max3A_415, %sub3A_412 : vector<16xi32>
    %min3A_417 = vector.broadcast %jit3A_414 : i32 to vector<16xi32>
    %min3A_418 = arith.minsi %min3A_417, %max3A_416 : vector<16xi32>
    %gather3A_419 = tpu.vector_load_idx %arg5[%min3A_418, %add3A_32] masked %and3A_409 : memref<200x128xf32, #tpu.memory_space<vmem>>[vector<16xi32>, vector<16xi32>], vector<16xf32>, vector<16xi1>
    %select_n3A_420 = arith.select %and3A_409, %gather3A_419, %select_n3A_250 : vector<16xi1>, vector<16xf32>
    tpu.vector_store_idx %arg5[%min3A_418, %add3A_32], %broadcast_in_dim3A_12 masked %and3A_409 : memref<200x128xf32, #tpu.memory_space<vmem>>[vector<16xi32>, vector<16xi32>], vector<16xf32>, vector<16xi1>
    %ge3A_421 = arith.constant 240 : i32
    %ge3A_422 = vector.broadcast %ge3A_421 : i32 to vector<16xi32>
    %ge3A_423 = arith.cmpi sge, %get3A_17, %ge3A_422 : vector<16xi32>
    %lt3A_424 = arith.constant 440 : i32
    %lt3A_425 = vector.broadcast %lt3A_424 : i32 to vector<16xi32>
    %lt3A_426 = arith.cmpi slt, %get3A_17, %lt3A_425 : vector<16xi32>
    %and3A_427 = arith.andi %ge3A_423, %lt3A_426 : vector<16xi1>
    %sub3A_428 = arith.constant 240 : i32
    %sub3A_429 = vector.broadcast %sub3A_428 : i32 to vector<16xi32>
    %sub3A_430 = arith.subi %get3A_17, %sub3A_429 : vector<16xi32>
    %jit3A_431 = arith.constant 0 : i32
    %jit3A_432 = arith.constant 199 : i32
    %max3A_433 = vector.broadcast %jit3A_431 : i32 to vector<16xi32>
    %max3A_434 = arith.maxsi %max3A_433, %sub3A_430 : vector<16xi32>
    %min3A_435 = vector.broadcast %jit3A_432 : i32 to vector<16xi32>
    %min3A_436 = arith.minsi %min3A_435, %max3A_434 : vector<16xi32>
    %gather3A_437 = tpu.vector_load_idx %arg5[%min3A_436, %add3A_35] masked %and3A_427 : memref<200x128xf32, #tpu.memory_space<vmem>>[vector<16xi32>, vector<16xi32>], vector<16xf32>, vector<16xi1>
    %select_n3A_438 = arith.select %and3A_427, %gather3A_437, %select_n3A_268 : vector<16xi1>, vector<16xf32>
    tpu.vector_store_idx %arg5[%min3A_436, %add3A_35], %broadcast_in_dim3A_12 masked %and3A_427 : memref<200x128xf32, #tpu.memory_space<vmem>>[vector<16xi32>, vector<16xi32>], vector<16xf32>, vector<16xi1>
    %ge3A_439 = arith.constant 240 : i32
    %ge3A_440 = vector.broadcast %ge3A_439 : i32 to vector<16xi32>
    %ge3A_441 = arith.cmpi sge, %get3A_19, %ge3A_440 : vector<16xi32>
    %lt3A_442 = arith.constant 440 : i32
    %lt3A_443 = vector.broadcast %lt3A_442 : i32 to vector<16xi32>
    %lt3A_444 = arith.cmpi slt, %get3A_19, %lt3A_443 : vector<16xi32>
    %and3A_445 = arith.andi %ge3A_441, %lt3A_444 : vector<16xi1>
    %sub3A_446 = arith.constant 240 : i32
    %sub3A_447 = vector.broadcast %sub3A_446 : i32 to vector<16xi32>
    %sub3A_448 = arith.subi %get3A_19, %sub3A_447 : vector<16xi32>
    %jit3A_449 = arith.constant 0 : i32
    %jit3A_450 = arith.constant 199 : i32
    %max3A_451 = vector.broadcast %jit3A_449 : i32 to vector<16xi32>
    %max3A_452 = arith.maxsi %max3A_451, %sub3A_448 : vector<16xi32>
    %min3A_453 = vector.broadcast %jit3A_450 : i32 to vector<16xi32>
    %min3A_454 = arith.minsi %min3A_453, %max3A_452 : vector<16xi32>
    %gather3A_455 = tpu.vector_load_idx %arg5[%min3A_454, %add3A_38] masked %and3A_445 : memref<200x128xf32, #tpu.memory_space<vmem>>[vector<16xi32>, vector<16xi32>], vector<16xf32>, vector<16xi1>
    %select_n3A_456 = arith.select %and3A_445, %gather3A_455, %select_n3A_286 : vector<16xi1>, vector<16xf32>
    tpu.vector_store_idx %arg5[%min3A_454, %add3A_38], %broadcast_in_dim3A_12 masked %and3A_445 : memref<200x128xf32, #tpu.memory_space<vmem>>[vector<16xi32>, vector<16xi32>], vector<16xf32>, vector<16xi1>
    %ge3A_457 = arith.constant 240 : i32
    %ge3A_458 = vector.broadcast %ge3A_457 : i32 to vector<16xi32>
    %ge3A_459 = arith.cmpi sge, %get3A_21, %ge3A_458 : vector<16xi32>
    %lt3A_460 = arith.constant 440 : i32
    %lt3A_461 = vector.broadcast %lt3A_460 : i32 to vector<16xi32>
    %lt3A_462 = arith.cmpi slt, %get3A_21, %lt3A_461 : vector<16xi32>
    %and3A_463 = arith.andi %ge3A_459, %lt3A_462 : vector<16xi1>
    %sub3A_464 = arith.constant 240 : i32
    %sub3A_465 = vector.broadcast %sub3A_464 : i32 to vector<16xi32>
    %sub3A_466 = arith.subi %get3A_21, %sub3A_465 : vector<16xi32>
    %jit3A_467 = arith.constant 0 : i32
    %jit3A_468 = arith.constant 199 : i32
    %max3A_469 = vector.broadcast %jit3A_467 : i32 to vector<16xi32>
    %max3A_470 = arith.maxsi %max3A_469, %sub3A_466 : vector<16xi32>
    %min3A_471 = vector.broadcast %jit3A_468 : i32 to vector<16xi32>
    %min3A_472 = arith.minsi %min3A_471, %max3A_470 : vector<16xi32>
    %gather3A_473 = tpu.vector_load_idx %arg5[%min3A_472, %add3A_41] masked %and3A_463 : memref<200x128xf32, #tpu.memory_space<vmem>>[vector<16xi32>, vector<16xi32>], vector<16xf32>, vector<16xi1>
    %select_n3A_474 = arith.select %and3A_463, %gather3A_473, %select_n3A_304 : vector<16xi1>, vector<16xf32>
    tpu.vector_store_idx %arg5[%min3A_472, %add3A_41], %broadcast_in_dim3A_12 masked %and3A_463 : memref<200x128xf32, #tpu.memory_space<vmem>>[vector<16xi32>, vector<16xi32>], vector<16xf32>, vector<16xi1>
    %ge3A_475 = arith.constant 240 : i32
    %ge3A_476 = vector.broadcast %ge3A_475 : i32 to vector<16xi32>
    %ge3A_477 = arith.cmpi sge, %get3A_23, %ge3A_476 : vector<16xi32>
    %lt3A_478 = arith.constant 440 : i32
    %lt3A_479 = vector.broadcast %lt3A_478 : i32 to vector<16xi32>
    %lt3A_480 = arith.cmpi slt, %get3A_23, %lt3A_479 : vector<16xi32>
    %and3A_481 = arith.andi %ge3A_477, %lt3A_480 : vector<16xi1>
    %sub3A_482 = arith.constant 240 : i32
    %sub3A_483 = vector.broadcast %sub3A_482 : i32 to vector<16xi32>
    %sub3A_484 = arith.subi %get3A_23, %sub3A_483 : vector<16xi32>
    %jit3A_485 = arith.constant 0 : i32
    %jit3A_486 = arith.constant 199 : i32
    %max3A_487 = vector.broadcast %jit3A_485 : i32 to vector<16xi32>
    %max3A_488 = arith.maxsi %max3A_487, %sub3A_484 : vector<16xi32>
    %min3A_489 = vector.broadcast %jit3A_486 : i32 to vector<16xi32>
    %min3A_490 = arith.minsi %min3A_489, %max3A_488 : vector<16xi32>
    %gather3A_491 = tpu.vector_load_idx %arg5[%min3A_490, %add3A_44] masked %and3A_481 : memref<200x128xf32, #tpu.memory_space<vmem>>[vector<16xi32>, vector<16xi32>], vector<16xf32>, vector<16xi1>
    %select_n3A_492 = arith.select %and3A_481, %gather3A_491, %select_n3A_322 : vector<16xi1>, vector<16xf32>
    tpu.vector_store_idx %arg5[%min3A_490, %add3A_44], %broadcast_in_dim3A_12 masked %and3A_481 : memref<200x128xf32, #tpu.memory_space<vmem>>[vector<16xi32>, vector<16xi32>], vector<16xf32>, vector<16xi1>
    %ge3A_493 = arith.constant 240 : i32
    %ge3A_494 = vector.broadcast %ge3A_493 : i32 to vector<16xi32>
    %ge3A_495 = arith.cmpi sge, %get3A_25, %ge3A_494 : vector<16xi32>
    %lt3A_496 = arith.constant 440 : i32
    %lt3A_497 = vector.broadcast %lt3A_496 : i32 to vector<16xi32>
    %lt3A_498 = arith.cmpi slt, %get3A_25, %lt3A_497 : vector<16xi32>
    %and3A_499 = arith.andi %ge3A_495, %lt3A_498 : vector<16xi1>
    %sub3A_500 = arith.constant 240 : i32
    %sub3A_501 = vector.broadcast %sub3A_500 : i32 to vector<16xi32>
    %sub3A_502 = arith.subi %get3A_25, %sub3A_501 : vector<16xi32>
    %jit3A_503 = arith.constant 0 : i32
    %jit3A_504 = arith.constant 199 : i32
    %max3A_505 = vector.broadcast %jit3A_503 : i32 to vector<16xi32>
    %max3A_506 = arith.maxsi %max3A_505, %sub3A_502 : vector<16xi32>
    %min3A_507 = vector.broadcast %jit3A_504 : i32 to vector<16xi32>
    %min3A_508 = arith.minsi %min3A_507, %max3A_506 : vector<16xi32>
    %gather3A_509 = tpu.vector_load_idx %arg5[%min3A_508, %add3A_47] masked %and3A_499 : memref<200x128xf32, #tpu.memory_space<vmem>>[vector<16xi32>, vector<16xi32>], vector<16xf32>, vector<16xi1>
    %select_n3A_510 = arith.select %and3A_499, %gather3A_509, %select_n3A_340 : vector<16xi1>, vector<16xf32>
    tpu.vector_store_idx %arg5[%min3A_508, %add3A_47], %broadcast_in_dim3A_12 masked %and3A_499 : memref<200x128xf32, #tpu.memory_space<vmem>>[vector<16xi32>, vector<16xi32>], vector<16xf32>, vector<16xi1>
    %ge3A_511 = arith.constant 240 : i32
    %ge3A_512 = vector.broadcast %ge3A_511 : i32 to vector<16xi32>
    %ge3A_513 = arith.cmpi sge, %get3A_27, %ge3A_512 : vector<16xi32>
    %lt3A_514 = arith.constant 440 : i32
    %lt3A_515 = vector.broadcast %lt3A_514 : i32 to vector<16xi32>
    %lt3A_516 = arith.cmpi slt, %get3A_27, %lt3A_515 : vector<16xi32>
    %and3A_517 = arith.andi %ge3A_513, %lt3A_516 : vector<16xi1>
    %sub3A_518 = arith.constant 240 : i32
    %sub3A_519 = vector.broadcast %sub3A_518 : i32 to vector<16xi32>
    %sub3A_520 = arith.subi %get3A_27, %sub3A_519 : vector<16xi32>
    %jit3A_521 = arith.constant 0 : i32
    %jit3A_522 = arith.constant 199 : i32
    %max3A_523 = vector.broadcast %jit3A_521 : i32 to vector<16xi32>
    %max3A_524 = arith.maxsi %max3A_523, %sub3A_520 : vector<16xi32>
    %min3A_525 = vector.broadcast %jit3A_522 : i32 to vector<16xi32>
    %min3A_526 = arith.minsi %min3A_525, %max3A_524 : vector<16xi32>
    %gather3A_527 = tpu.vector_load_idx %arg5[%min3A_526, %add3A_50] masked %and3A_517 : memref<200x128xf32, #tpu.memory_space<vmem>>[vector<16xi32>, vector<16xi32>], vector<16xf32>, vector<16xi1>
    %select_n3A_528 = arith.select %and3A_517, %gather3A_527, %select_n3A_358 : vector<16xi1>, vector<16xf32>
    tpu.vector_store_idx %arg5[%min3A_526, %add3A_50], %broadcast_in_dim3A_12 masked %and3A_517 : memref<200x128xf32, #tpu.memory_space<vmem>>[vector<16xi32>, vector<16xi32>], vector<16xf32>, vector<16xi1>
    %ge3A_529 = arith.constant 240 : i32
    %ge3A_530 = vector.broadcast %ge3A_529 : i32 to vector<16xi32>
    %ge3A_531 = arith.cmpi sge, %get3A_29, %ge3A_530 : vector<16xi32>
    %lt3A_532 = arith.constant 440 : i32
    %lt3A_533 = vector.broadcast %lt3A_532 : i32 to vector<16xi32>
    %lt3A_534 = arith.cmpi slt, %get3A_29, %lt3A_533 : vector<16xi32>
    %and3A_535 = arith.andi %ge3A_531, %lt3A_534 : vector<16xi1>
    %sub3A_536 = arith.constant 240 : i32
    %sub3A_537 = vector.broadcast %sub3A_536 : i32 to vector<16xi32>
    %sub3A_538 = arith.subi %get3A_29, %sub3A_537 : vector<16xi32>
    %jit3A_539 = arith.constant 0 : i32
    %jit3A_540 = arith.constant 199 : i32
    %max3A_541 = vector.broadcast %jit3A_539 : i32 to vector<16xi32>
    %max3A_542 = arith.maxsi %max3A_541, %sub3A_538 : vector<16xi32>
    %min3A_543 = vector.broadcast %jit3A_540 : i32 to vector<16xi32>
    %min3A_544 = arith.minsi %min3A_543, %max3A_542 : vector<16xi32>
    %gather3A_545 = tpu.vector_load_idx %arg5[%min3A_544, %add3A_53] masked %and3A_535 : memref<200x128xf32, #tpu.memory_space<vmem>>[vector<16xi32>, vector<16xi32>], vector<16xf32>, vector<16xi1>
    %select_n3A_546 = arith.select %and3A_535, %gather3A_545, %select_n3A_376 : vector<16xi1>, vector<16xf32>
    tpu.vector_store_idx %arg5[%min3A_544, %add3A_53], %broadcast_in_dim3A_12 masked %and3A_535 : memref<200x128xf32, #tpu.memory_space<vmem>>[vector<16xi32>, vector<16xi32>], vector<16xf32>, vector<16xi1>
    %scan3A_547 = arith.constant 0 : i32
    %scan3A_548 = arith.constant 100 : i32
    %scan3A_549 = arith.addi %scan3A_547, %scan3A_548 : i32
    %scan3A_550 = arith.constant 1 : i32
    %scan3A_551:16 = scf.for %scan3A_1187 = %scan3A_547 to %scan3A_549 step %scan3A_550 iter_args(%scan3A_1188 = %scan3A_381#0, %scan3A_1189 = %scan3A_381#1, %scan3A_1190 = %scan3A_381#2, %scan3A_1191 = %scan3A_381#3, %scan3A_1192 = %scan3A_381#4, %scan3A_1193 = %scan3A_381#5, %scan3A_1194 = %scan3A_381#6, %scan3A_1195 = %scan3A_381#7, %scan3A_1196 = %scan3A_381#8, %scan3A_1197 = %scan3A_381#9, %scan3A_1198 = %scan3A_381#10, %scan3A_1199 = %scan3A_381#11, %scan3A_1200 = %scan3A_381#12, %scan3A_1201 = %scan3A_381#13, %scan3A_1202 = %scan3A_381#14, %scan3A_1203 = %scan3A_381#15) -> (vector<16xf32>, vector<16xf32>, vector<16xf32>, vector<16xf32>, vector<16xf32>, vector<16xf32>, vector<16xf32>, vector<16xf32>, vector<16xf32>, vector<16xf32>, vector<16xf32>, vector<16xf32>, vector<16xf32>, vector<16xf32>, vector<16xf32>, vector<16xf32>)  : i32 {
      %mul3A_1204 = arith.constant 2 : i32
      %mul3A_1205 = arith.muli %scan3A_1187, %mul3A_1204 : i32
      %add3A_1206 = arith.constant 0 : i32
      %add3A_1207 = arith.addi %mul3A_1205, %add3A_1206 : i32
      %get3A_1208 = arith.index_cast %add3A_1207 : i32 to index
      %get3A_1209 = arith.constant 0 : index
      %get3A_1210 = tpu.vector_load %arg5[%get3A_1208, %get3A_1209] {strides = array<i32>} : memref<200x128xf32, #tpu.memory_space<vmem>>, vector<16xf32>,
      %min3A_1211 = arith.minimumf %scan3A_1188, %get3A_1210 : vector<16xf32>
      %max3A_1212 = arith.maximumf %scan3A_1196, %min3A_1211 : vector<16xf32>
      %max3A_1213 = arith.maximumf %scan3A_1188, %get3A_1210 : vector<16xf32>
      %add3A_1214 = arith.constant 0 : i32
      %add3A_1215 = arith.addi %mul3A_1205, %add3A_1214 : i32
      %get3A_1216 = arith.index_cast %add3A_1215 : i32 to index
      %get3A_1217 = arith.constant 16 : index
      %get3A_1218 = tpu.vector_load %arg5[%get3A_1216, %get3A_1217] {strides = array<i32>} : memref<200x128xf32, #tpu.memory_space<vmem>>, vector<16xf32>,
      %min3A_1219 = arith.minimumf %scan3A_1189, %get3A_1218 : vector<16xf32>
      %max3A_1220 = arith.maximumf %scan3A_1197, %min3A_1219 : vector<16xf32>
      %max3A_1221 = arith.maximumf %scan3A_1189, %get3A_1218 : vector<16xf32>
      %add3A_1222 = arith.constant 0 : i32
      %add3A_1223 = arith.addi %mul3A_1205, %add3A_1222 : i32
      %get3A_1224 = arith.index_cast %add3A_1223 : i32 to index
      %get3A_1225 = arith.constant 32 : index
      %get3A_1226 = tpu.vector_load %arg5[%get3A_1224, %get3A_1225] {strides = array<i32>} : memref<200x128xf32, #tpu.memory_space<vmem>>, vector<16xf32>,
      %min3A_1227 = arith.minimumf %scan3A_1190, %get3A_1226 : vector<16xf32>
      %max3A_1228 = arith.maximumf %scan3A_1198, %min3A_1227 : vector<16xf32>
      %max3A_1229 = arith.maximumf %scan3A_1190, %get3A_1226 : vector<16xf32>
      %add3A_1230 = arith.constant 0 : i32
      %add3A_1231 = arith.addi %mul3A_1205, %add3A_1230 : i32
      %get3A_1232 = arith.index_cast %add3A_1231 : i32 to index
      %get3A_1233 = arith.constant 48 : index
      %get3A_1234 = tpu.vector_load %arg5[%get3A_1232, %get3A_1233] {strides = array<i32>} : memref<200x128xf32, #tpu.memory_space<vmem>>, vector<16xf32>,
      %min3A_1235 = arith.minimumf %scan3A_1191, %get3A_1234 : vector<16xf32>
      %max3A_1236 = arith.maximumf %scan3A_1199, %min3A_1235 : vector<16xf32>
      %max3A_1237 = arith.maximumf %scan3A_1191, %get3A_1234 : vector<16xf32>
      %add3A_1238 = arith.constant 0 : i32
      %add3A_1239 = arith.addi %mul3A_1205, %add3A_1238 : i32
      %get3A_1240 = arith.index_cast %add3A_1239 : i32 to index
      %get3A_1241 = arith.constant 64 : index
      %get3A_1242 = tpu.vector_load %arg5[%get3A_1240, %get3A_1241] {strides = array<i32>} : memref<200x128xf32, #tpu.memory_space<vmem>>, vector<16xf32>,
      %min3A_1243 = arith.minimumf %scan3A_1192, %get3A_1242 : vector<16xf32>
      %max3A_1244 = arith.maximumf %scan3A_1200, %min3A_1243 : vector<16xf32>
      %max3A_1245 = arith.maximumf %scan3A_1192, %get3A_1242 : vector<16xf32>
      %add3A_1246 = arith.constant 0 : i32
      %add3A_1247 = arith.addi %mul3A_1205, %add3A_1246 : i32
      %get3A_1248 = arith.index_cast %add3A_1247 : i32 to index
      %get3A_1249 = arith.constant 80 : index
      %get3A_1250 = tpu.vector_load %arg5[%get3A_1248, %get3A_1249] {strides = array<i32>} : memref<200x128xf32, #tpu.memory_space<vmem>>, vector<16xf32>,
      %min3A_1251 = arith.minimumf %scan3A_1193, %get3A_1250 : vector<16xf32>
      %max3A_1252 = arith.maximumf %scan3A_1201, %min3A_1251 : vector<16xf32>
      %max3A_1253 = arith.maximumf %scan3A_1193, %get3A_1250 : vector<16xf32>
      %add3A_1254 = arith.constant 0 : i32
      %add3A_1255 = arith.addi %mul3A_1205, %add3A_1254 : i32
      %get3A_1256 = arith.index_cast %add3A_1255 : i32 to index
      %get3A_1257 = arith.constant 96 : index
      %get3A_1258 = tpu.vector_load %arg5[%get3A_1256, %get3A_1257] {strides = array<i32>} : memref<200x128xf32, #tpu.memory_space<vmem>>, vector<16xf32>,
      %min3A_1259 = arith.minimumf %scan3A_1194, %get3A_1258 : vector<16xf32>
      %max3A_1260 = arith.maximumf %scan3A_1202, %min3A_1259 : vector<16xf32>
      %max3A_1261 = arith.maximumf %scan3A_1194, %get3A_1258 : vector<16xf32>
      %add3A_1262 = arith.constant 0 : i32
      %add3A_1263 = arith.addi %mul3A_1205, %add3A_1262 : i32
      %get3A_1264 = arith.index_cast %add3A_1263 : i32 to index
      %get3A_1265 = arith.constant 112 : index
      %get3A_1266 = tpu.vector_load %arg5[%get3A_1264, %get3A_1265] {strides = array<i32>} : memref<200x128xf32, #tpu.memory_space<vmem>>, vector<16xf32>,
      %min3A_1267 = arith.minimumf %scan3A_1195, %get3A_1266 : vector<16xf32>
      %max3A_1268 = arith.maximumf %scan3A_1203, %min3A_1267 : vector<16xf32>
      %max3A_1269 = arith.maximumf %scan3A_1195, %get3A_1266 : vector<16xf32>
      %add3A_1270 = arith.constant 1 : i32
      %add3A_1271 = arith.addi %mul3A_1205, %add3A_1270 : i32
      %get3A_1272 = arith.index_cast %add3A_1271 : i32 to index
      %get3A_1273 = arith.constant 0 : index
      %get3A_1274 = tpu.vector_load %arg5[%get3A_1272, %get3A_1273] {strides = array<i32>} : memref<200x128xf32, #tpu.memory_space<vmem>>, vector<16xf32>,
      %min3A_1275 = arith.minimumf %max3A_1213, %get3A_1274 : vector<16xf32>
      %max3A_1276 = arith.maximumf %max3A_1212, %min3A_1275 : vector<16xf32>
      %max3A_1277 = arith.maximumf %max3A_1213, %get3A_1274 : vector<16xf32>
      %add3A_1278 = arith.constant 1 : i32
      %add3A_1279 = arith.addi %mul3A_1205, %add3A_1278 : i32
      %get3A_1280 = arith.index_cast %add3A_1279 : i32 to index
      %get3A_1281 = arith.constant 16 : index
      %get3A_1282 = tpu.vector_load %arg5[%get3A_1280, %get3A_1281] {strides = array<i32>} : memref<200x128xf32, #tpu.memory_space<vmem>>, vector<16xf32>,
      %min3A_1283 = arith.minimumf %max3A_1221, %get3A_1282 : vector<16xf32>
      %max3A_1284 = arith.maximumf %max3A_1220, %min3A_1283 : vector<16xf32>
      %max3A_1285 = arith.maximumf %max3A_1221, %get3A_1282 : vector<16xf32>
      %add3A_1286 = arith.constant 1 : i32
      %add3A_1287 = arith.addi %mul3A_1205, %add3A_1286 : i32
      %get3A_1288 = arith.index_cast %add3A_1287 : i32 to index
      %get3A_1289 = arith.constant 32 : index
      %get3A_1290 = tpu.vector_load %arg5[%get3A_1288, %get3A_1289] {strides = array<i32>} : memref<200x128xf32, #tpu.memory_space<vmem>>, vector<16xf32>,
      %min3A_1291 = arith.minimumf %max3A_1229, %get3A_1290 : vector<16xf32>
      %max3A_1292 = arith.maximumf %max3A_1228, %min3A_1291 : vector<16xf32>
      %max3A_1293 = arith.maximumf %max3A_1229, %get3A_1290 : vector<16xf32>
      %add3A_1294 = arith.constant 1 : i32
      %add3A_1295 = arith.addi %mul3A_1205, %add3A_1294 : i32
      %get3A_1296 = arith.index_cast %add3A_1295 : i32 to index
      %get3A_1297 = arith.constant 48 : index
      %get3A_1298 = tpu.vector_load %arg5[%get3A_1296, %get3A_1297] {strides = array<i32>} : memref<200x128xf32, #tpu.memory_space<vmem>>, vector<16xf32>,
      %min3A_1299 = arith.minimumf %max3A_1237, %get3A_1298 : vector<16xf32>
      %max3A_1300 = arith.maximumf %max3A_1236, %min3A_1299 : vector<16xf32>
      %max3A_1301 = arith.maximumf %max3A_1237, %get3A_1298 : vector<16xf32>
      %add3A_1302 = arith.constant 1 : i32
      %add3A_1303 = arith.addi %mul3A_1205, %add3A_1302 : i32
      %get3A_1304 = arith.index_cast %add3A_1303 : i32 to index
      %get3A_1305 = arith.constant 64 : index
      %get3A_1306 = tpu.vector_load %arg5[%get3A_1304, %get3A_1305] {strides = array<i32>} : memref<200x128xf32, #tpu.memory_space<vmem>>, vector<16xf32>,
      %min3A_1307 = arith.minimumf %max3A_1245, %get3A_1306 : vector<16xf32>
      %max3A_1308 = arith.maximumf %max3A_1244, %min3A_1307 : vector<16xf32>
      %max3A_1309 = arith.maximumf %max3A_1245, %get3A_1306 : vector<16xf32>
      %add3A_1310 = arith.constant 1 : i32
      %add3A_1311 = arith.addi %mul3A_1205, %add3A_1310 : i32
      %get3A_1312 = arith.index_cast %add3A_1311 : i32 to index
      %get3A_1313 = arith.constant 80 : index
      %get3A_1314 = tpu.vector_load %arg5[%get3A_1312, %get3A_1313] {strides = array<i32>} : memref<200x128xf32, #tpu.memory_space<vmem>>, vector<16xf32>,
      %min3A_1315 = arith.minimumf %max3A_1253, %get3A_1314 : vector<16xf32>
      %max3A_1316 = arith.maximumf %max3A_1252, %min3A_1315 : vector<16xf32>
      %max3A_1317 = arith.maximumf %max3A_1253, %get3A_1314 : vector<16xf32>
      %add3A_1318 = arith.constant 1 : i32
      %add3A_1319 = arith.addi %mul3A_1205, %add3A_1318 : i32
      %get3A_1320 = arith.index_cast %add3A_1319 : i32 to index
      %get3A_1321 = arith.constant 96 : index
      %get3A_1322 = tpu.vector_load %arg5[%get3A_1320, %get3A_1321] {strides = array<i32>} : memref<200x128xf32, #tpu.memory_space<vmem>>, vector<16xf32>,
      %min3A_1323 = arith.minimumf %max3A_1261, %get3A_1322 : vector<16xf32>
      %max3A_1324 = arith.maximumf %max3A_1260, %min3A_1323 : vector<16xf32>
      %max3A_1325 = arith.maximumf %max3A_1261, %get3A_1322 : vector<16xf32>
      %add3A_1326 = arith.constant 1 : i32
      %add3A_1327 = arith.addi %mul3A_1205, %add3A_1326 : i32
      %get3A_1328 = arith.index_cast %add3A_1327 : i32 to index
      %get3A_1329 = arith.constant 112 : index
      %get3A_1330 = tpu.vector_load %arg5[%get3A_1328, %get3A_1329] {strides = array<i32>} : memref<200x128xf32, #tpu.memory_space<vmem>>, vector<16xf32>,
      %min3A_1331 = arith.minimumf %max3A_1269, %get3A_1330 : vector<16xf32>
      %max3A_1332 = arith.maximumf %max3A_1268, %min3A_1331 : vector<16xf32>
      %max3A_1333 = arith.maximumf %max3A_1269, %get3A_1330 : vector<16xf32>
      scf.yield %max3A_1277, %max3A_1285, %max3A_1293, %max3A_1301, %max3A_1309, %max3A_1317, %max3A_1325, %max3A_1333, %max3A_1276, %max3A_1284, %max3A_1292, %max3A_1300, %max3A_1308, %max3A_1316, %max3A_1324, %max3A_1332 : vector<16xf32>, vector<16xf32>, vector<16xf32>, vector<16xf32>, vector<16xf32>, vector<16xf32>, vector<16xf32>, vector<16xf32>, vector<16xf32>, vector<16xf32>, vector<16xf32>, vector<16xf32>, vector<16xf32>, vector<16xf32>, vector<16xf32>, vector<16xf32>
    }
    %scan3A_552 = arith.constant 100 : i32
    %dma_wait3A_553 = arith.constant 0 : i32
    %dma_wait3A_554 = arith.constant 0 : i32
    %dma_wait3A_555 = tpu.memref_slice %arg6[%dma_wait3A_553, %dma_wait3A_554] : memref<200x128xf32, #tpu.memory_space<vmem>> -> memref<200x128xf32, #tpu.memory_space<vmem>>
    %dma_wait3A_556 = arith.constant 440 : i32
    %dma_wait3A_557 = tpu.memref_slice %arg2[%dma_wait3A_556, %multiple_of3A] : memref<1000x4096xf32, #tpu.memory_space<hbm>> -> memref<200x128xf32, #tpu.memory_space<hbm>>
    %dma_wait3A_558 = arith.constant 0 : i32
    %dma_wait3A_559 = arith.constant 0 : i32
    %dma_wait3A_560 = tpu.memref_slice %arg6[%dma_wait3A_558, %dma_wait3A_559] : memref<200x128xf32, #tpu.memory_space<vmem>> -> memref<200x128xf32, #tpu.memory_space<vmem>>
    %dma_wait3A_561 = arith.constant 440 : i32
    %dma_wait3A_562 = tpu.memref_slice %arg2[%dma_wait3A_561, %multiple_of3A] : memref<1000x4096xf32, #tpu.memory_space<hbm>> -> memref<200x128xf32, #tpu.memory_space<hbm>>
    tpu.wait_dma2 semaphore(%arg10 : memref<!tpu.dma_semaphore, #tpu.memory_space<semaphore_mem>>) src(%dma_wait3A_562 : memref<200x128xf32, #tpu.memory_space<hbm>>) dst(%dma_wait3A_560 : memref<200x128xf32, #tpu.memory_space<vmem>>)
    %dma_start3A_563 = arith.constant 0 : i32
    %dma_start3A_564 = arith.constant 0 : i32
    %dma_start3A_565 = tpu.memref_slice %arg5[%dma_start3A_563, %dma_start3A_564] : memref<200x128xf32, #tpu.memory_space<vmem>> -> memref<200x128xf32, #tpu.memory_space<vmem>>
    %dma_start3A_566 = arith.constant 640 : i32
    %dma_start3A_567 = tpu.memref_slice %arg2[%dma_start3A_566, %multiple_of3A] : memref<1000x4096xf32, #tpu.memory_space<hbm>> -> memref<200x128xf32, #tpu.memory_space<hbm>>
    %dma_start3A_568 = arith.constant 0 : i32
    %dma_start3A_569 = arith.constant 0 : i32
    %dma_start3A_570 = tpu.memref_slice %arg5[%dma_start3A_568, %dma_start3A_569] : memref<200x128xf32, #tpu.memory_space<vmem>> -> memref<200x128xf32, #tpu.memory_space<vmem>>
    %dma_start3A_571 = arith.constant 640 : i32
    %dma_start3A_572 = tpu.memref_slice %arg2[%dma_start3A_571, %multiple_of3A] : memref<1000x4096xf32, #tpu.memory_space<hbm>> -> memref<200x128xf32, #tpu.memory_space<hbm>>
    tpu.enqueue_dma source(%dma_start3A_572 : memref<200x128xf32, #tpu.memory_space<hbm>>) target(%dma_start3A_570 : memref<200x128xf32, #tpu.memory_space<vmem>>) target_semaphore(%arg9 : memref<!tpu.dma_semaphore, #tpu.memory_space<semaphore_mem>>)
    %ge3A_573 = arith.constant 440 : i32
    %ge3A_574 = vector.broadcast %ge3A_573 : i32 to vector<16xi32>
    %ge3A_575 = arith.cmpi sge, %get3A_15, %ge3A_574 : vector<16xi32>
    %lt3A_576 = arith.constant 640 : i32
    %lt3A_577 = vector.broadcast %lt3A_576 : i32 to vector<16xi32>
    %lt3A_578 = arith.cmpi slt, %get3A_15, %lt3A_577 : vector<16xi32>
    %and3A_579 = arith.andi %ge3A_575, %lt3A_578 : vector<16xi1>
    %sub3A_580 = arith.constant 440 : i32
    %sub3A_581 = vector.broadcast %sub3A_580 : i32 to vector<16xi32>
    %sub3A_582 = arith.subi %get3A_15, %sub3A_581 : vector<16xi32>
    %jit3A_583 = arith.constant 0 : i32
    %jit3A_584 = arith.constant 199 : i32
    %max3A_585 = vector.broadcast %jit3A_583 : i32 to vector<16xi32>
    %max3A_586 = arith.maxsi %max3A_585, %sub3A_582 : vector<16xi32>
    %min3A_587 = vector.broadcast %jit3A_584 : i32 to vector<16xi32>
    %min3A_588 = arith.minsi %min3A_587, %max3A_586 : vector<16xi32>
    %gather3A_589 = tpu.vector_load_idx %arg6[%min3A_588, %add3A_32] masked %and3A_579 : memref<200x128xf32, #tpu.memory_space<vmem>>[vector<16xi32>, vector<16xi32>], vector<16xf32>, vector<16xi1>
    %select_n3A_590 = arith.select %and3A_579, %gather3A_589, %select_n3A_420 : vector<16xi1>, vector<16xf32>
    tpu.vector_store_idx %arg6[%min3A_588, %add3A_32], %broadcast_in_dim3A_12 masked %and3A_579 : memref<200x128xf32, #tpu.memory_space<vmem>>[vector<16xi32>, vector<16xi32>], vector<16xf32>, vector<16xi1>
    %ge3A_591 = arith.constant 440 : i32
    %ge3A_592 = vector.broadcast %ge3A_591 : i32 to vector<16xi32>
    %ge3A_593 = arith.cmpi sge, %get3A_17, %ge3A_592 : vector<16xi32>
    %lt3A_594 = arith.constant 640 : i32
    %lt3A_595 = vector.broadcast %lt3A_594 : i32 to vector<16xi32>
    %lt3A_596 = arith.cmpi slt, %get3A_17, %lt3A_595 : vector<16xi32>
    %and3A_597 = arith.andi %ge3A_593, %lt3A_596 : vector<16xi1>
    %sub3A_598 = arith.constant 440 : i32
    %sub3A_599 = vector.broadcast %sub3A_598 : i32 to vector<16xi32>
    %sub3A_600 = arith.subi %get3A_17, %sub3A_599 : vector<16xi32>
    %jit3A_601 = arith.constant 0 : i32
    %jit3A_602 = arith.constant 199 : i32
    %max3A_603 = vector.broadcast %jit3A_601 : i32 to vector<16xi32>
    %max3A_604 = arith.maxsi %max3A_603, %sub3A_600 : vector<16xi32>
    %min3A_605 = vector.broadcast %jit3A_602 : i32 to vector<16xi32>
    %min3A_606 = arith.minsi %min3A_605, %max3A_604 : vector<16xi32>
    %gather3A_607 = tpu.vector_load_idx %arg6[%min3A_606, %add3A_35] masked %and3A_597 : memref<200x128xf32, #tpu.memory_space<vmem>>[vector<16xi32>, vector<16xi32>], vector<16xf32>, vector<16xi1>
    %select_n3A_608 = arith.select %and3A_597, %gather3A_607, %select_n3A_438 : vector<16xi1>, vector<16xf32>
    tpu.vector_store_idx %arg6[%min3A_606, %add3A_35], %broadcast_in_dim3A_12 masked %and3A_597 : memref<200x128xf32, #tpu.memory_space<vmem>>[vector<16xi32>, vector<16xi32>], vector<16xf32>, vector<16xi1>
    %ge3A_609 = arith.constant 440 : i32
    %ge3A_610 = vector.broadcast %ge3A_609 : i32 to vector<16xi32>
    %ge3A_611 = arith.cmpi sge, %get3A_19, %ge3A_610 : vector<16xi32>
    %lt3A_612 = arith.constant 640 : i32
    %lt3A_613 = vector.broadcast %lt3A_612 : i32 to vector<16xi32>
    %lt3A_614 = arith.cmpi slt, %get3A_19, %lt3A_613 : vector<16xi32>
    %and3A_615 = arith.andi %ge3A_611, %lt3A_614 : vector<16xi1>
    %sub3A_616 = arith.constant 440 : i32
    %sub3A_617 = vector.broadcast %sub3A_616 : i32 to vector<16xi32>
    %sub3A_618 = arith.subi %get3A_19, %sub3A_617 : vector<16xi32>
    %jit3A_619 = arith.constant 0 : i32
    %jit3A_620 = arith.constant 199 : i32
    %max3A_621 = vector.broadcast %jit3A_619 : i32 to vector<16xi32>
    %max3A_622 = arith.maxsi %max3A_621, %sub3A_618 : vector<16xi32>
    %min3A_623 = vector.broadcast %jit3A_620 : i32 to vector<16xi32>
    %min3A_624 = arith.minsi %min3A_623, %max3A_622 : vector<16xi32>
    %gather3A_625 = tpu.vector_load_idx %arg6[%min3A_624, %add3A_38] masked %and3A_615 : memref<200x128xf32, #tpu.memory_space<vmem>>[vector<16xi32>, vector<16xi32>], vector<16xf32>, vector<16xi1>
    %select_n3A_626 = arith.select %and3A_615, %gather3A_625, %select_n3A_456 : vector<16xi1>, vector<16xf32>
    tpu.vector_store_idx %arg6[%min3A_624, %add3A_38], %broadcast_in_dim3A_12 masked %and3A_615 : memref<200x128xf32, #tpu.memory_space<vmem>>[vector<16xi32>, vector<16xi32>], vector<16xf32>, vector<16xi1>
    %ge3A_627 = arith.constant 440 : i32
    %ge3A_628 = vector.broadcast %ge3A_627 : i32 to vector<16xi32>
    %ge3A_629 = arith.cmpi sge, %get3A_21, %ge3A_628 : vector<16xi32>
    %lt3A_630 = arith.constant 640 : i32
    %lt3A_631 = vector.broadcast %lt3A_630 : i32 to vector<16xi32>
    %lt3A_632 = arith.cmpi slt, %get3A_21, %lt3A_631 : vector<16xi32>
    %and3A_633 = arith.andi %ge3A_629, %lt3A_632 : vector<16xi1>
    %sub3A_634 = arith.constant 440 : i32
    %sub3A_635 = vector.broadcast %sub3A_634 : i32 to vector<16xi32>
    %sub3A_636 = arith.subi %get3A_21, %sub3A_635 : vector<16xi32>
    %jit3A_637 = arith.constant 0 : i32
    %jit3A_638 = arith.constant 199 : i32
    %max3A_639 = vector.broadcast %jit3A_637 : i32 to vector<16xi32>
    %max3A_640 = arith.maxsi %max3A_639, %sub3A_636 : vector<16xi32>
    %min3A_641 = vector.broadcast %jit3A_638 : i32 to vector<16xi32>
    %min3A_642 = arith.minsi %min3A_641, %max3A_640 : vector<16xi32>
    %gather3A_643 = tpu.vector_load_idx %arg6[%min3A_642, %add3A_41] masked %and3A_633 : memref<200x128xf32, #tpu.memory_space<vmem>>[vector<16xi32>, vector<16xi32>], vector<16xf32>, vector<16xi1>
    %select_n3A_644 = arith.select %and3A_633, %gather3A_643, %select_n3A_474 : vector<16xi1>, vector<16xf32>
    tpu.vector_store_idx %arg6[%min3A_642, %add3A_41], %broadcast_in_dim3A_12 masked %and3A_633 : memref<200x128xf32, #tpu.memory_space<vmem>>[vector<16xi32>, vector<16xi32>], vector<16xf32>, vector<16xi1>
    %ge3A_645 = arith.constant 440 : i32
    %ge3A_646 = vector.broadcast %ge3A_645 : i32 to vector<16xi32>
    %ge3A_647 = arith.cmpi sge, %get3A_23, %ge3A_646 : vector<16xi32>
    %lt3A_648 = arith.constant 640 : i32
    %lt3A_649 = vector.broadcast %lt3A_648 : i32 to vector<16xi32>
    %lt3A_650 = arith.cmpi slt, %get3A_23, %lt3A_649 : vector<16xi32>
    %and3A_651 = arith.andi %ge3A_647, %lt3A_650 : vector<16xi1>
    %sub3A_652 = arith.constant 440 : i32
    %sub3A_653 = vector.broadcast %sub3A_652 : i32 to vector<16xi32>
    %sub3A_654 = arith.subi %get3A_23, %sub3A_653 : vector<16xi32>
    %jit3A_655 = arith.constant 0 : i32
    %jit3A_656 = arith.constant 199 : i32
    %max3A_657 = vector.broadcast %jit3A_655 : i32 to vector<16xi32>
    %max3A_658 = arith.maxsi %max3A_657, %sub3A_654 : vector<16xi32>
    %min3A_659 = vector.broadcast %jit3A_656 : i32 to vector<16xi32>
    %min3A_660 = arith.minsi %min3A_659, %max3A_658 : vector<16xi32>
    %gather3A_661 = tpu.vector_load_idx %arg6[%min3A_660, %add3A_44] masked %and3A_651 : memref<200x128xf32, #tpu.memory_space<vmem>>[vector<16xi32>, vector<16xi32>], vector<16xf32>, vector<16xi1>
    %select_n3A_662 = arith.select %and3A_651, %gather3A_661, %select_n3A_492 : vector<16xi1>, vector<16xf32>
    tpu.vector_store_idx %arg6[%min3A_660, %add3A_44], %broadcast_in_dim3A_12 masked %and3A_651 : memref<200x128xf32, #tpu.memory_space<vmem>>[vector<16xi32>, vector<16xi32>], vector<16xf32>, vector<16xi1>
    %ge3A_663 = arith.constant 440 : i32
    %ge3A_664 = vector.broadcast %ge3A_663 : i32 to vector<16xi32>
    %ge3A_665 = arith.cmpi sge, %get3A_25, %ge3A_664 : vector<16xi32>
    %lt3A_666 = arith.constant 640 : i32
    %lt3A_667 = vector.broadcast %lt3A_666 : i32 to vector<16xi32>
    %lt3A_668 = arith.cmpi slt, %get3A_25, %lt3A_667 : vector<16xi32>
    %and3A_669 = arith.andi %ge3A_665, %lt3A_668 : vector<16xi1>
    %sub3A_670 = arith.constant 440 : i32
    %sub3A_671 = vector.broadcast %sub3A_670 : i32 to vector<16xi32>
    %sub3A_672 = arith.subi %get3A_25, %sub3A_671 : vector<16xi32>
    %jit3A_673 = arith.constant 0 : i32
    %jit3A_674 = arith.constant 199 : i32
    %max3A_675 = vector.broadcast %jit3A_673 : i32 to vector<16xi32>
    %max3A_676 = arith.maxsi %max3A_675, %sub3A_672 : vector<16xi32>
    %min3A_677 = vector.broadcast %jit3A_674 : i32 to vector<16xi32>
    %min3A_678 = arith.minsi %min3A_677, %max3A_676 : vector<16xi32>
    %gather3A_679 = tpu.vector_load_idx %arg6[%min3A_678, %add3A_47] masked %and3A_669 : memref<200x128xf32, #tpu.memory_space<vmem>>[vector<16xi32>, vector<16xi32>], vector<16xf32>, vector<16xi1>
    %select_n3A_680 = arith.select %and3A_669, %gather3A_679, %select_n3A_510 : vector<16xi1>, vector<16xf32>
    tpu.vector_store_idx %arg6[%min3A_678, %add3A_47], %broadcast_in_dim3A_12 masked %and3A_669 : memref<200x128xf32, #tpu.memory_space<vmem>>[vector<16xi32>, vector<16xi32>], vector<16xf32>, vector<16xi1>
    %ge3A_681 = arith.constant 440 : i32
    %ge3A_682 = vector.broadcast %ge3A_681 : i32 to vector<16xi32>
    %ge3A_683 = arith.cmpi sge, %get3A_27, %ge3A_682 : vector<16xi32>
    %lt3A_684 = arith.constant 640 : i32
    %lt3A_685 = vector.broadcast %lt3A_684 : i32 to vector<16xi32>
    %lt3A_686 = arith.cmpi slt, %get3A_27, %lt3A_685 : vector<16xi32>
    %and3A_687 = arith.andi %ge3A_683, %lt3A_686 : vector<16xi1>
    %sub3A_688 = arith.constant 440 : i32
    %sub3A_689 = vector.broadcast %sub3A_688 : i32 to vector<16xi32>
    %sub3A_690 = arith.subi %get3A_27, %sub3A_689 : vector<16xi32>
    %jit3A_691 = arith.constant 0 : i32
    %jit3A_692 = arith.constant 199 : i32
    %max3A_693 = vector.broadcast %jit3A_691 : i32 to vector<16xi32>
    %max3A_694 = arith.maxsi %max3A_693, %sub3A_690 : vector<16xi32>
    %min3A_695 = vector.broadcast %jit3A_692 : i32 to vector<16xi32>
    %min3A_696 = arith.minsi %min3A_695, %max3A_694 : vector<16xi32>
    %gather3A_697 = tpu.vector_load_idx %arg6[%min3A_696, %add3A_50] masked %and3A_687 : memref<200x128xf32, #tpu.memory_space<vmem>>[vector<16xi32>, vector<16xi32>], vector<16xf32>, vector<16xi1>
    %select_n3A_698 = arith.select %and3A_687, %gather3A_697, %select_n3A_528 : vector<16xi1>, vector<16xf32>
    tpu.vector_store_idx %arg6[%min3A_696, %add3A_50], %broadcast_in_dim3A_12 masked %and3A_687 : memref<200x128xf32, #tpu.memory_space<vmem>>[vector<16xi32>, vector<16xi32>], vector<16xf32>, vector<16xi1>
    %ge3A_699 = arith.constant 440 : i32
    %ge3A_700 = vector.broadcast %ge3A_699 : i32 to vector<16xi32>
    %ge3A_701 = arith.cmpi sge, %get3A_29, %ge3A_700 : vector<16xi32>
    %lt3A_702 = arith.constant 640 : i32
    %lt3A_703 = vector.broadcast %lt3A_702 : i32 to vector<16xi32>
    %lt3A_704 = arith.cmpi slt, %get3A_29, %lt3A_703 : vector<16xi32>
    %and3A_705 = arith.andi %ge3A_701, %lt3A_704 : vector<16xi1>
    %sub3A_706 = arith.constant 440 : i32
    %sub3A_707 = vector.broadcast %sub3A_706 : i32 to vector<16xi32>
    %sub3A_708 = arith.subi %get3A_29, %sub3A_707 : vector<16xi32>
    %jit3A_709 = arith.constant 0 : i32
    %jit3A_710 = arith.constant 199 : i32
    %max3A_711 = vector.broadcast %jit3A_709 : i32 to vector<16xi32>
    %max3A_712 = arith.maxsi %max3A_711, %sub3A_708 : vector<16xi32>
    %min3A_713 = vector.broadcast %jit3A_710 : i32 to vector<16xi32>
    %min3A_714 = arith.minsi %min3A_713, %max3A_712 : vector<16xi32>
    %gather3A_715 = tpu.vector_load_idx %arg6[%min3A_714, %add3A_53] masked %and3A_705 : memref<200x128xf32, #tpu.memory_space<vmem>>[vector<16xi32>, vector<16xi32>], vector<16xf32>, vector<16xi1>
    %select_n3A_716 = arith.select %and3A_705, %gather3A_715, %select_n3A_546 : vector<16xi1>, vector<16xf32>
    tpu.vector_store_idx %arg6[%min3A_714, %add3A_53], %broadcast_in_dim3A_12 masked %and3A_705 : memref<200x128xf32, #tpu.memory_space<vmem>>[vector<16xi32>, vector<16xi32>], vector<16xf32>, vector<16xi1>
    %scan3A_717 = arith.constant 0 : i32
    %scan3A_718 = arith.constant 100 : i32
    %scan3A_719 = arith.addi %scan3A_717, %scan3A_718 : i32
    %scan3A_720 = arith.constant 1 : i32
    %scan3A_721:16 = scf.for %scan3A_1187 = %scan3A_717 to %scan3A_719 step %scan3A_720 iter_args(%scan3A_1188 = %scan3A_551#0, %scan3A_1189 = %scan3A_551#1, %scan3A_1190 = %scan3A_551#2, %scan3A_1191 = %scan3A_551#3, %scan3A_1192 = %scan3A_551#4, %scan3A_1193 = %scan3A_551#5, %scan3A_1194 = %scan3A_551#6, %scan3A_1195 = %scan3A_551#7, %scan3A_1196 = %scan3A_551#8, %scan3A_1197 = %scan3A_551#9, %scan3A_1198 = %scan3A_551#10, %scan3A_1199 = %scan3A_551#11, %scan3A_1200 = %scan3A_551#12, %scan3A_1201 = %scan3A_551#13, %scan3A_1202 = %scan3A_551#14, %scan3A_1203 = %scan3A_551#15) -> (vector<16xf32>, vector<16xf32>, vector<16xf32>, vector<16xf32>, vector<16xf32>, vector<16xf32>, vector<16xf32>, vector<16xf32>, vector<16xf32>, vector<16xf32>, vector<16xf32>, vector<16xf32>, vector<16xf32>, vector<16xf32>, vector<16xf32>, vector<16xf32>)  : i32 {
      %mul3A_1204 = arith.constant 2 : i32
      %mul3A_1205 = arith.muli %scan3A_1187, %mul3A_1204 : i32
      %add3A_1206 = arith.constant 0 : i32
      %add3A_1207 = arith.addi %mul3A_1205, %add3A_1206 : i32
      %get3A_1208 = arith.index_cast %add3A_1207 : i32 to index
      %get3A_1209 = arith.constant 0 : index
      %get3A_1210 = tpu.vector_load %arg6[%get3A_1208, %get3A_1209] {strides = array<i32>} : memref<200x128xf32, #tpu.memory_space<vmem>>, vector<16xf32>,
      %min3A_1211 = arith.minimumf %scan3A_1188, %get3A_1210 : vector<16xf32>
      %max3A_1212 = arith.maximumf %scan3A_1196, %min3A_1211 : vector<16xf32>
      %max3A_1213 = arith.maximumf %scan3A_1188, %get3A_1210 : vector<16xf32>
      %add3A_1214 = arith.constant 0 : i32
      %add3A_1215 = arith.addi %mul3A_1205, %add3A_1214 : i32
      %get3A_1216 = arith.index_cast %add3A_1215 : i32 to index
      %get3A_1217 = arith.constant 16 : index
      %get3A_1218 = tpu.vector_load %arg6[%get3A_1216, %get3A_1217] {strides = array<i32>} : memref<200x128xf32, #tpu.memory_space<vmem>>, vector<16xf32>,
      %min3A_1219 = arith.minimumf %scan3A_1189, %get3A_1218 : vector<16xf32>
      %max3A_1220 = arith.maximumf %scan3A_1197, %min3A_1219 : vector<16xf32>
      %max3A_1221 = arith.maximumf %scan3A_1189, %get3A_1218 : vector<16xf32>
      %add3A_1222 = arith.constant 0 : i32
      %add3A_1223 = arith.addi %mul3A_1205, %add3A_1222 : i32
      %get3A_1224 = arith.index_cast %add3A_1223 : i32 to index
      %get3A_1225 = arith.constant 32 : index
      %get3A_1226 = tpu.vector_load %arg6[%get3A_1224, %get3A_1225] {strides = array<i32>} : memref<200x128xf32, #tpu.memory_space<vmem>>, vector<16xf32>,
      %min3A_1227 = arith.minimumf %scan3A_1190, %get3A_1226 : vector<16xf32>
      %max3A_1228 = arith.maximumf %scan3A_1198, %min3A_1227 : vector<16xf32>
      %max3A_1229 = arith.maximumf %scan3A_1190, %get3A_1226 : vector<16xf32>
      %add3A_1230 = arith.constant 0 : i32
      %add3A_1231 = arith.addi %mul3A_1205, %add3A_1230 : i32
      %get3A_1232 = arith.index_cast %add3A_1231 : i32 to index
      %get3A_1233 = arith.constant 48 : index
      %get3A_1234 = tpu.vector_load %arg6[%get3A_1232, %get3A_1233] {strides = array<i32>} : memref<200x128xf32, #tpu.memory_space<vmem>>, vector<16xf32>,
      %min3A_1235 = arith.minimumf %scan3A_1191, %get3A_1234 : vector<16xf32>
      %max3A_1236 = arith.maximumf %scan3A_1199, %min3A_1235 : vector<16xf32>
      %max3A_1237 = arith.maximumf %scan3A_1191, %get3A_1234 : vector<16xf32>
      %add3A_1238 = arith.constant 0 : i32
      %add3A_1239 = arith.addi %mul3A_1205, %add3A_1238 : i32
      %get3A_1240 = arith.index_cast %add3A_1239 : i32 to index
      %get3A_1241 = arith.constant 64 : index
      %get3A_1242 = tpu.vector_load %arg6[%get3A_1240, %get3A_1241] {strides = array<i32>} : memref<200x128xf32, #tpu.memory_space<vmem>>, vector<16xf32>,
      %min3A_1243 = arith.minimumf %scan3A_1192, %get3A_1242 : vector<16xf32>
      %max3A_1244 = arith.maximumf %scan3A_1200, %min3A_1243 : vector<16xf32>
      %max3A_1245 = arith.maximumf %scan3A_1192, %get3A_1242 : vector<16xf32>
      %add3A_1246 = arith.constant 0 : i32
      %add3A_1247 = arith.addi %mul3A_1205, %add3A_1246 : i32
      %get3A_1248 = arith.index_cast %add3A_1247 : i32 to index
      %get3A_1249 = arith.constant 80 : index
      %get3A_1250 = tpu.vector_load %arg6[%get3A_1248, %get3A_1249] {strides = array<i32>} : memref<200x128xf32, #tpu.memory_space<vmem>>, vector<16xf32>,
      %min3A_1251 = arith.minimumf %scan3A_1193, %get3A_1250 : vector<16xf32>
      %max3A_1252 = arith.maximumf %scan3A_1201, %min3A_1251 : vector<16xf32>
      %max3A_1253 = arith.maximumf %scan3A_1193, %get3A_1250 : vector<16xf32>
      %add3A_1254 = arith.constant 0 : i32
      %add3A_1255 = arith.addi %mul3A_1205, %add3A_1254 : i32
      %get3A_1256 = arith.index_cast %add3A_1255 : i32 to index
      %get3A_1257 = arith.constant 96 : index
      %get3A_1258 = tpu.vector_load %arg6[%get3A_1256, %get3A_1257] {strides = array<i32>} : memref<200x128xf32, #tpu.memory_space<vmem>>, vector<16xf32>,
      %min3A_1259 = arith.minimumf %scan3A_1194, %get3A_1258 : vector<16xf32>
      %max3A_1260 = arith.maximumf %scan3A_1202, %min3A_1259 : vector<16xf32>
      %max3A_1261 = arith.maximumf %scan3A_1194, %get3A_1258 : vector<16xf32>
      %add3A_1262 = arith.constant 0 : i32
      %add3A_1263 = arith.addi %mul3A_1205, %add3A_1262 : i32
      %get3A_1264 = arith.index_cast %add3A_1263 : i32 to index
      %get3A_1265 = arith.constant 112 : index
      %get3A_1266 = tpu.vector_load %arg6[%get3A_1264, %get3A_1265] {strides = array<i32>} : memref<200x128xf32, #tpu.memory_space<vmem>>, vector<16xf32>,
      %min3A_1267 = arith.minimumf %scan3A_1195, %get3A_1266 : vector<16xf32>
      %max3A_1268 = arith.maximumf %scan3A_1203, %min3A_1267 : vector<16xf32>
      %max3A_1269 = arith.maximumf %scan3A_1195, %get3A_1266 : vector<16xf32>
      %add3A_1270 = arith.constant 1 : i32
      %add3A_1271 = arith.addi %mul3A_1205, %add3A_1270 : i32
      %get3A_1272 = arith.index_cast %add3A_1271 : i32 to index
      %get3A_1273 = arith.constant 0 : index
      %get3A_1274 = tpu.vector_load %arg6[%get3A_1272, %get3A_1273] {strides = array<i32>} : memref<200x128xf32, #tpu.memory_space<vmem>>, vector<16xf32>,
      %min3A_1275 = arith.minimumf %max3A_1213, %get3A_1274 : vector<16xf32>
      %max3A_1276 = arith.maximumf %max3A_1212, %min3A_1275 : vector<16xf32>
      %max3A_1277 = arith.maximumf %max3A_1213, %get3A_1274 : vector<16xf32>
      %add3A_1278 = arith.constant 1 : i32
      %add3A_1279 = arith.addi %mul3A_1205, %add3A_1278 : i32
      %get3A_1280 = arith.index_cast %add3A_1279 : i32 to index
      %get3A_1281 = arith.constant 16 : index
      %get3A_1282 = tpu.vector_load %arg6[%get3A_1280, %get3A_1281] {strides = array<i32>} : memref<200x128xf32, #tpu.memory_space<vmem>>, vector<16xf32>,
      %min3A_1283 = arith.minimumf %max3A_1221, %get3A_1282 : vector<16xf32>
      %max3A_1284 = arith.maximumf %max3A_1220, %min3A_1283 : vector<16xf32>
      %max3A_1285 = arith.maximumf %max3A_1221, %get3A_1282 : vector<16xf32>
      %add3A_1286 = arith.constant 1 : i32
      %add3A_1287 = arith.addi %mul3A_1205, %add3A_1286 : i32
      %get3A_1288 = arith.index_cast %add3A_1287 : i32 to index
      %get3A_1289 = arith.constant 32 : index
      %get3A_1290 = tpu.vector_load %arg6[%get3A_1288, %get3A_1289] {strides = array<i32>} : memref<200x128xf32, #tpu.memory_space<vmem>>, vector<16xf32>,
      %min3A_1291 = arith.minimumf %max3A_1229, %get3A_1290 : vector<16xf32>
      %max3A_1292 = arith.maximumf %max3A_1228, %min3A_1291 : vector<16xf32>
      %max3A_1293 = arith.maximumf %max3A_1229, %get3A_1290 : vector<16xf32>
      %add3A_1294 = arith.constant 1 : i32
      %add3A_1295 = arith.addi %mul3A_1205, %add3A_1294 : i32
      %get3A_1296 = arith.index_cast %add3A_1295 : i32 to index
      %get3A_1297 = arith.constant 48 : index
      %get3A_1298 = tpu.vector_load %arg6[%get3A_1296, %get3A_1297] {strides = array<i32>} : memref<200x128xf32, #tpu.memory_space<vmem>>, vector<16xf32>,
      %min3A_1299 = arith.minimumf %max3A_1237, %get3A_1298 : vector<16xf32>
      %max3A_1300 = arith.maximumf %max3A_1236, %min3A_1299 : vector<16xf32>
      %max3A_1301 = arith.maximumf %max3A_1237, %get3A_1298 : vector<16xf32>
      %add3A_1302 = arith.constant 1 : i32
      %add3A_1303 = arith.addi %mul3A_1205, %add3A_1302 : i32
      %get3A_1304 = arith.index_cast %add3A_1303 : i32 to index
      %get3A_1305 = arith.constant 64 : index
      %get3A_1306 = tpu.vector_load %arg6[%get3A_1304, %get3A_1305] {strides = array<i32>} : memref<200x128xf32, #tpu.memory_space<vmem>>, vector<16xf32>,
      %min3A_1307 = arith.minimumf %max3A_1245, %get3A_1306 : vector<16xf32>
      %max3A_1308 = arith.maximumf %max3A_1244, %min3A_1307 : vector<16xf32>
      %max3A_1309 = arith.maximumf %max3A_1245, %get3A_1306 : vector<16xf32>
      %add3A_1310 = arith.constant 1 : i32
      %add3A_1311 = arith.addi %mul3A_1205, %add3A_1310 : i32
      %get3A_1312 = arith.index_cast %add3A_1311 : i32 to index
      %get3A_1313 = arith.constant 80 : index
      %get3A_1314 = tpu.vector_load %arg6[%get3A_1312, %get3A_1313] {strides = array<i32>} : memref<200x128xf32, #tpu.memory_space<vmem>>, vector<16xf32>,
      %min3A_1315 = arith.minimumf %max3A_1253, %get3A_1314 : vector<16xf32>
      %max3A_1316 = arith.maximumf %max3A_1252, %min3A_1315 : vector<16xf32>
      %max3A_1317 = arith.maximumf %max3A_1253, %get3A_1314 : vector<16xf32>
      %add3A_1318 = arith.constant 1 : i32
      %add3A_1319 = arith.addi %mul3A_1205, %add3A_1318 : i32
      %get3A_1320 = arith.index_cast %add3A_1319 : i32 to index
      %get3A_1321 = arith.constant 96 : index
      %get3A_1322 = tpu.vector_load %arg6[%get3A_1320, %get3A_1321] {strides = array<i32>} : memref<200x128xf32, #tpu.memory_space<vmem>>, vector<16xf32>,
      %min3A_1323 = arith.minimumf %max3A_1261, %get3A_1322 : vector<16xf32>
      %max3A_1324 = arith.maximumf %max3A_1260, %min3A_1323 : vector<16xf32>
      %max3A_1325 = arith.maximumf %max3A_1261, %get3A_1322 : vector<16xf32>
      %add3A_1326 = arith.constant 1 : i32
      %add3A_1327 = arith.addi %mul3A_1205, %add3A_1326 : i32
      %get3A_1328 = arith.index_cast %add3A_1327 : i32 to index
      %get3A_1329 = arith.constant 112 : index
      %get3A_1330 = tpu.vector_load %arg6[%get3A_1328, %get3A_1329] {strides = array<i32>} : memref<200x128xf32, #tpu.memory_space<vmem>>, vector<16xf32>,
      %min3A_1331 = arith.minimumf %max3A_1269, %get3A_1330 : vector<16xf32>
      %max3A_1332 = arith.maximumf %max3A_1268, %min3A_1331 : vector<16xf32>
      %max3A_1333 = arith.maximumf %max3A_1269, %get3A_1330 : vector<16xf32>
      scf.yield %max3A_1277, %max3A_1285, %max3A_1293, %max3A_1301, %max3A_1309, %max3A_1317, %max3A_1325, %max3A_1333, %max3A_1276, %max3A_1284, %max3A_1292, %max3A_1300, %max3A_1308, %max3A_1316, %max3A_1324, %max3A_1332 : vector<16xf32>, vector<16xf32>, vector<16xf32>, vector<16xf32>, vector<16xf32>, vector<16xf32>, vector<16xf32>, vector<16xf32>, vector<16xf32>, vector<16xf32>, vector<16xf32>, vector<16xf32>, vector<16xf32>, vector<16xf32>, vector<16xf32>, vector<16xf32>
    }
    %scan3A_722 = arith.constant 100 : i32
    %dma_wait3A_723 = arith.constant 0 : i32
    %dma_wait3A_724 = arith.constant 0 : i32
    %dma_wait3A_725 = tpu.memref_slice %arg5[%dma_wait3A_723, %dma_wait3A_724] : memref<200x128xf32, #tpu.memory_space<vmem>> -> memref<200x128xf32, #tpu.memory_space<vmem>>
    %dma_wait3A_726 = arith.constant 640 : i32
    %dma_wait3A_727 = tpu.memref_slice %arg2[%dma_wait3A_726, %multiple_of3A] : memref<1000x4096xf32, #tpu.memory_space<hbm>> -> memref<200x128xf32, #tpu.memory_space<hbm>>
    %dma_wait3A_728 = arith.constant 0 : i32
    %dma_wait3A_729 = arith.constant 0 : i32
    %dma_wait3A_730 = tpu.memref_slice %arg5[%dma_wait3A_728, %dma_wait3A_729] : memref<200x128xf32, #tpu.memory_space<vmem>> -> memref<200x128xf32, #tpu.memory_space<vmem>>
    %dma_wait3A_731 = arith.constant 640 : i32
    %dma_wait3A_732 = tpu.memref_slice %arg2[%dma_wait3A_731, %multiple_of3A] : memref<1000x4096xf32, #tpu.memory_space<hbm>> -> memref<200x128xf32, #tpu.memory_space<hbm>>
    tpu.wait_dma2 semaphore(%arg9 : memref<!tpu.dma_semaphore, #tpu.memory_space<semaphore_mem>>) src(%dma_wait3A_732 : memref<200x128xf32, #tpu.memory_space<hbm>>) dst(%dma_wait3A_730 : memref<200x128xf32, #tpu.memory_space<vmem>>)
    %dma_start3A_733 = arith.constant 0 : i32
    %dma_start3A_734 = arith.constant 0 : i32
    %dma_start3A_735 = tpu.memref_slice %arg6[%dma_start3A_733, %dma_start3A_734] : memref<200x128xf32, #tpu.memory_space<vmem>> -> memref<160x128xf32, #tpu.memory_space<vmem>>
    %dma_start3A_736 = arith.constant 840 : i32
    %dma_start3A_737 = tpu.memref_slice %arg2[%dma_start3A_736, %multiple_of3A] : memref<1000x4096xf32, #tpu.memory_space<hbm>> -> memref<160x128xf32, #tpu.memory_space<hbm>>
    %dma_start3A_738 = arith.constant 0 : i32
    %dma_start3A_739 = arith.constant 0 : i32
    %dma_start3A_740 = tpu.memref_slice %arg6[%dma_start3A_738, %dma_start3A_739] : memref<200x128xf32, #tpu.memory_space<vmem>> -> memref<160x128xf32, #tpu.memory_space<vmem>>
    %dma_start3A_741 = arith.constant 840 : i32
    %dma_start3A_742 = tpu.memref_slice %arg2[%dma_start3A_741, %multiple_of3A] : memref<1000x4096xf32, #tpu.memory_space<hbm>> -> memref<160x128xf32, #tpu.memory_space<hbm>>
    tpu.enqueue_dma source(%dma_start3A_742 : memref<160x128xf32, #tpu.memory_space<hbm>>) target(%dma_start3A_740 : memref<160x128xf32, #tpu.memory_space<vmem>>) target_semaphore(%arg10 : memref<!tpu.dma_semaphore, #tpu.memory_space<semaphore_mem>>)
    %ge3A_743 = arith.constant 640 : i32
    %ge3A_744 = vector.broadcast %ge3A_743 : i32 to vector<16xi32>
    %ge3A_745 = arith.cmpi sge, %get3A_15, %ge3A_744 : vector<16xi32>
    %lt3A_746 = arith.constant 840 : i32
    %lt3A_747 = vector.broadcast %lt3A_746 : i32 to vector<16xi32>
    %lt3A_748 = arith.cmpi slt, %get3A_15, %lt3A_747 : vector<16xi32>
    %and3A_749 = arith.andi %ge3A_745, %lt3A_748 : vector<16xi1>
    %sub3A_750 = arith.constant 640 : i32
    %sub3A_751 = vector.broadcast %sub3A_750 : i32 to vector<16xi32>
    %sub3A_752 = arith.subi %get3A_15, %sub3A_751 : vector<16xi32>
    %jit3A_753 = arith.constant 0 : i32
    %jit3A_754 = arith.constant 199 : i32
    %max3A_755 = vector.broadcast %jit3A_753 : i32 to vector<16xi32>
    %max3A_756 = arith.maxsi %max3A_755, %sub3A_752 : vector<16xi32>
    %min3A_757 = vector.broadcast %jit3A_754 : i32 to vector<16xi32>
    %min3A_758 = arith.minsi %min3A_757, %max3A_756 : vector<16xi32>
    %gather3A_759 = tpu.vector_load_idx %arg5[%min3A_758, %add3A_32] masked %and3A_749 : memref<200x128xf32, #tpu.memory_space<vmem>>[vector<16xi32>, vector<16xi32>], vector<16xf32>, vector<16xi1>
    %select_n3A_760 = arith.select %and3A_749, %gather3A_759, %select_n3A_590 : vector<16xi1>, vector<16xf32>
    tpu.vector_store_idx %arg5[%min3A_758, %add3A_32], %broadcast_in_dim3A_12 masked %and3A_749 : memref<200x128xf32, #tpu.memory_space<vmem>>[vector<16xi32>, vector<16xi32>], vector<16xf32>, vector<16xi1>
    %ge3A_761 = arith.constant 640 : i32
    %ge3A_762 = vector.broadcast %ge3A_761 : i32 to vector<16xi32>
    %ge3A_763 = arith.cmpi sge, %get3A_17, %ge3A_762 : vector<16xi32>
    %lt3A_764 = arith.constant 840 : i32
    %lt3A_765 = vector.broadcast %lt3A_764 : i32 to vector<16xi32>
    %lt3A_766 = arith.cmpi slt, %get3A_17, %lt3A_765 : vector<16xi32>
    %and3A_767 = arith.andi %ge3A_763, %lt3A_766 : vector<16xi1>
    %sub3A_768 = arith.constant 640 : i32
    %sub3A_769 = vector.broadcast %sub3A_768 : i32 to vector<16xi32>
    %sub3A_770 = arith.subi %get3A_17, %sub3A_769 : vector<16xi32>
    %jit3A_771 = arith.constant 0 : i32
    %jit3A_772 = arith.constant 199 : i32
    %max3A_773 = vector.broadcast %jit3A_771 : i32 to vector<16xi32>
    %max3A_774 = arith.maxsi %max3A_773, %sub3A_770 : vector<16xi32>
    %min3A_775 = vector.broadcast %jit3A_772 : i32 to vector<16xi32>
    %min3A_776 = arith.minsi %min3A_775, %max3A_774 : vector<16xi32>
    %gather3A_777 = tpu.vector_load_idx %arg5[%min3A_776, %add3A_35] masked %and3A_767 : memref<200x128xf32, #tpu.memory_space<vmem>>[vector<16xi32>, vector<16xi32>], vector<16xf32>, vector<16xi1>
    %select_n3A_778 = arith.select %and3A_767, %gather3A_777, %select_n3A_608 : vector<16xi1>, vector<16xf32>
    tpu.vector_store_idx %arg5[%min3A_776, %add3A_35], %broadcast_in_dim3A_12 masked %and3A_767 : memref<200x128xf32, #tpu.memory_space<vmem>>[vector<16xi32>, vector<16xi32>], vector<16xf32>, vector<16xi1>
    %ge3A_779 = arith.constant 640 : i32
    %ge3A_780 = vector.broadcast %ge3A_779 : i32 to vector<16xi32>
    %ge3A_781 = arith.cmpi sge, %get3A_19, %ge3A_780 : vector<16xi32>
    %lt3A_782 = arith.constant 840 : i32
    %lt3A_783 = vector.broadcast %lt3A_782 : i32 to vector<16xi32>
    %lt3A_784 = arith.cmpi slt, %get3A_19, %lt3A_783 : vector<16xi32>
    %and3A_785 = arith.andi %ge3A_781, %lt3A_784 : vector<16xi1>
    %sub3A_786 = arith.constant 640 : i32
    %sub3A_787 = vector.broadcast %sub3A_786 : i32 to vector<16xi32>
    %sub3A_788 = arith.subi %get3A_19, %sub3A_787 : vector<16xi32>
    %jit3A_789 = arith.constant 0 : i32
    %jit3A_790 = arith.constant 199 : i32
    %max3A_791 = vector.broadcast %jit3A_789 : i32 to vector<16xi32>
    %max3A_792 = arith.maxsi %max3A_791, %sub3A_788 : vector<16xi32>
    %min3A_793 = vector.broadcast %jit3A_790 : i32 to vector<16xi32>
    %min3A_794 = arith.minsi %min3A_793, %max3A_792 : vector<16xi32>
    %gather3A_795 = tpu.vector_load_idx %arg5[%min3A_794, %add3A_38] masked %and3A_785 : memref<200x128xf32, #tpu.memory_space<vmem>>[vector<16xi32>, vector<16xi32>], vector<16xf32>, vector<16xi1>
    %select_n3A_796 = arith.select %and3A_785, %gather3A_795, %select_n3A_626 : vector<16xi1>, vector<16xf32>
    tpu.vector_store_idx %arg5[%min3A_794, %add3A_38], %broadcast_in_dim3A_12 masked %and3A_785 : memref<200x128xf32, #tpu.memory_space<vmem>>[vector<16xi32>, vector<16xi32>], vector<16xf32>, vector<16xi1>
    %ge3A_797 = arith.constant 640 : i32
    %ge3A_798 = vector.broadcast %ge3A_797 : i32 to vector<16xi32>
    %ge3A_799 = arith.cmpi sge, %get3A_21, %ge3A_798 : vector<16xi32>
    %lt3A_800 = arith.constant 840 : i32
    %lt3A_801 = vector.broadcast %lt3A_800 : i32 to vector<16xi32>
    %lt3A_802 = arith.cmpi slt, %get3A_21, %lt3A_801 : vector<16xi32>
    %and3A_803 = arith.andi %ge3A_799, %lt3A_802 : vector<16xi1>
    %sub3A_804 = arith.constant 640 : i32
    %sub3A_805 = vector.broadcast %sub3A_804 : i32 to vector<16xi32>
    %sub3A_806 = arith.subi %get3A_21, %sub3A_805 : vector<16xi32>
    %jit3A_807 = arith.constant 0 : i32
    %jit3A_808 = arith.constant 199 : i32
    %max3A_809 = vector.broadcast %jit3A_807 : i32 to vector<16xi32>
    %max3A_810 = arith.maxsi %max3A_809, %sub3A_806 : vector<16xi32>
    %min3A_811 = vector.broadcast %jit3A_808 : i32 to vector<16xi32>
    %min3A_812 = arith.minsi %min3A_811, %max3A_810 : vector<16xi32>
    %gather3A_813 = tpu.vector_load_idx %arg5[%min3A_812, %add3A_41] masked %and3A_803 : memref<200x128xf32, #tpu.memory_space<vmem>>[vector<16xi32>, vector<16xi32>], vector<16xf32>, vector<16xi1>
    %select_n3A_814 = arith.select %and3A_803, %gather3A_813, %select_n3A_644 : vector<16xi1>, vector<16xf32>
    tpu.vector_store_idx %arg5[%min3A_812, %add3A_41], %broadcast_in_dim3A_12 masked %and3A_803 : memref<200x128xf32, #tpu.memory_space<vmem>>[vector<16xi32>, vector<16xi32>], vector<16xf32>, vector<16xi1>
    %ge3A_815 = arith.constant 640 : i32
    %ge3A_816 = vector.broadcast %ge3A_815 : i32 to vector<16xi32>
    %ge3A_817 = arith.cmpi sge, %get3A_23, %ge3A_816 : vector<16xi32>
    %lt3A_818 = arith.constant 840 : i32
    %lt3A_819 = vector.broadcast %lt3A_818 : i32 to vector<16xi32>
    %lt3A_820 = arith.cmpi slt, %get3A_23, %lt3A_819 : vector<16xi32>
    %and3A_821 = arith.andi %ge3A_817, %lt3A_820 : vector<16xi1>
    %sub3A_822 = arith.constant 640 : i32
    %sub3A_823 = vector.broadcast %sub3A_822 : i32 to vector<16xi32>
    %sub3A_824 = arith.subi %get3A_23, %sub3A_823 : vector<16xi32>
    %jit3A_825 = arith.constant 0 : i32
    %jit3A_826 = arith.constant 199 : i32
    %max3A_827 = vector.broadcast %jit3A_825 : i32 to vector<16xi32>
    %max3A_828 = arith.maxsi %max3A_827, %sub3A_824 : vector<16xi32>
    %min3A_829 = vector.broadcast %jit3A_826 : i32 to vector<16xi32>
    %min3A_830 = arith.minsi %min3A_829, %max3A_828 : vector<16xi32>
    %gather3A_831 = tpu.vector_load_idx %arg5[%min3A_830, %add3A_44] masked %and3A_821 : memref<200x128xf32, #tpu.memory_space<vmem>>[vector<16xi32>, vector<16xi32>], vector<16xf32>, vector<16xi1>
    %select_n3A_832 = arith.select %and3A_821, %gather3A_831, %select_n3A_662 : vector<16xi1>, vector<16xf32>
    tpu.vector_store_idx %arg5[%min3A_830, %add3A_44], %broadcast_in_dim3A_12 masked %and3A_821 : memref<200x128xf32, #tpu.memory_space<vmem>>[vector<16xi32>, vector<16xi32>], vector<16xf32>, vector<16xi1>
    %ge3A_833 = arith.constant 640 : i32
    %ge3A_834 = vector.broadcast %ge3A_833 : i32 to vector<16xi32>
    %ge3A_835 = arith.cmpi sge, %get3A_25, %ge3A_834 : vector<16xi32>
    %lt3A_836 = arith.constant 840 : i32
    %lt3A_837 = vector.broadcast %lt3A_836 : i32 to vector<16xi32>
    %lt3A_838 = arith.cmpi slt, %get3A_25, %lt3A_837 : vector<16xi32>
    %and3A_839 = arith.andi %ge3A_835, %lt3A_838 : vector<16xi1>
    %sub3A_840 = arith.constant 640 : i32
    %sub3A_841 = vector.broadcast %sub3A_840 : i32 to vector<16xi32>
    %sub3A_842 = arith.subi %get3A_25, %sub3A_841 : vector<16xi32>
    %jit3A_843 = arith.constant 0 : i32
    %jit3A_844 = arith.constant 199 : i32
    %max3A_845 = vector.broadcast %jit3A_843 : i32 to vector<16xi32>
    %max3A_846 = arith.maxsi %max3A_845, %sub3A_842 : vector<16xi32>
    %min3A_847 = vector.broadcast %jit3A_844 : i32 to vector<16xi32>
    %min3A_848 = arith.minsi %min3A_847, %max3A_846 : vector<16xi32>
    %gather3A_849 = tpu.vector_load_idx %arg5[%min3A_848, %add3A_47] masked %and3A_839 : memref<200x128xf32, #tpu.memory_space<vmem>>[vector<16xi32>, vector<16xi32>], vector<16xf32>, vector<16xi1>
    %select_n3A_850 = arith.select %and3A_839, %gather3A_849, %select_n3A_680 : vector<16xi1>, vector<16xf32>
    tpu.vector_store_idx %arg5[%min3A_848, %add3A_47], %broadcast_in_dim3A_12 masked %and3A_839 : memref<200x128xf32, #tpu.memory_space<vmem>>[vector<16xi32>, vector<16xi32>], vector<16xf32>, vector<16xi1>
    %ge3A_851 = arith.constant 640 : i32
    %ge3A_852 = vector.broadcast %ge3A_851 : i32 to vector<16xi32>
    %ge3A_853 = arith.cmpi sge, %get3A_27, %ge3A_852 : vector<16xi32>
    %lt3A_854 = arith.constant 840 : i32
    %lt3A_855 = vector.broadcast %lt3A_854 : i32 to vector<16xi32>
    %lt3A_856 = arith.cmpi slt, %get3A_27, %lt3A_855 : vector<16xi32>
    %and3A_857 = arith.andi %ge3A_853, %lt3A_856 : vector<16xi1>
    %sub3A_858 = arith.constant 640 : i32
    %sub3A_859 = vector.broadcast %sub3A_858 : i32 to vector<16xi32>
    %sub3A_860 = arith.subi %get3A_27, %sub3A_859 : vector<16xi32>
    %jit3A_861 = arith.constant 0 : i32
    %jit3A_862 = arith.constant 199 : i32
    %max3A_863 = vector.broadcast %jit3A_861 : i32 to vector<16xi32>
    %max3A_864 = arith.maxsi %max3A_863, %sub3A_860 : vector<16xi32>
    %min3A_865 = vector.broadcast %jit3A_862 : i32 to vector<16xi32>
    %min3A_866 = arith.minsi %min3A_865, %max3A_864 : vector<16xi32>
    %gather3A_867 = tpu.vector_load_idx %arg5[%min3A_866, %add3A_50] masked %and3A_857 : memref<200x128xf32, #tpu.memory_space<vmem>>[vector<16xi32>, vector<16xi32>], vector<16xf32>, vector<16xi1>
    %select_n3A_868 = arith.select %and3A_857, %gather3A_867, %select_n3A_698 : vector<16xi1>, vector<16xf32>
    tpu.vector_store_idx %arg5[%min3A_866, %add3A_50], %broadcast_in_dim3A_12 masked %and3A_857 : memref<200x128xf32, #tpu.memory_space<vmem>>[vector<16xi32>, vector<16xi32>], vector<16xf32>, vector<16xi1>
    %ge3A_869 = arith.constant 640 : i32
    %ge3A_870 = vector.broadcast %ge3A_869 : i32 to vector<16xi32>
    %ge3A_871 = arith.cmpi sge, %get3A_29, %ge3A_870 : vector<16xi32>
    %lt3A_872 = arith.constant 840 : i32
    %lt3A_873 = vector.broadcast %lt3A_872 : i32 to vector<16xi32>
    %lt3A_874 = arith.cmpi slt, %get3A_29, %lt3A_873 : vector<16xi32>
    %and3A_875 = arith.andi %ge3A_871, %lt3A_874 : vector<16xi1>
    %sub3A_876 = arith.constant 640 : i32
    %sub3A_877 = vector.broadcast %sub3A_876 : i32 to vector<16xi32>
    %sub3A_878 = arith.subi %get3A_29, %sub3A_877 : vector<16xi32>
    %jit3A_879 = arith.constant 0 : i32
    %jit3A_880 = arith.constant 199 : i32
    %max3A_881 = vector.broadcast %jit3A_879 : i32 to vector<16xi32>
    %max3A_882 = arith.maxsi %max3A_881, %sub3A_878 : vector<16xi32>
    %min3A_883 = vector.broadcast %jit3A_880 : i32 to vector<16xi32>
    %min3A_884 = arith.minsi %min3A_883, %max3A_882 : vector<16xi32>
    %gather3A_885 = tpu.vector_load_idx %arg5[%min3A_884, %add3A_53] masked %and3A_875 : memref<200x128xf32, #tpu.memory_space<vmem>>[vector<16xi32>, vector<16xi32>], vector<16xf32>, vector<16xi1>
    %select_n3A_886 = arith.select %and3A_875, %gather3A_885, %select_n3A_716 : vector<16xi1>, vector<16xf32>
    tpu.vector_store_idx %arg5[%min3A_884, %add3A_53], %broadcast_in_dim3A_12 masked %and3A_875 : memref<200x128xf32, #tpu.memory_space<vmem>>[vector<16xi32>, vector<16xi32>], vector<16xf32>, vector<16xi1>
    %scan3A_887 = arith.constant 0 : i32
    %scan3A_888 = arith.constant 100 : i32
    %scan3A_889 = arith.addi %scan3A_887, %scan3A_888 : i32
    %scan3A_890 = arith.constant 1 : i32
    %scan3A_891:16 = scf.for %scan3A_1187 = %scan3A_887 to %scan3A_889 step %scan3A_890 iter_args(%scan3A_1188 = %scan3A_721#0, %scan3A_1189 = %scan3A_721#1, %scan3A_1190 = %scan3A_721#2, %scan3A_1191 = %scan3A_721#3, %scan3A_1192 = %scan3A_721#4, %scan3A_1193 = %scan3A_721#5, %scan3A_1194 = %scan3A_721#6, %scan3A_1195 = %scan3A_721#7, %scan3A_1196 = %scan3A_721#8, %scan3A_1197 = %scan3A_721#9, %scan3A_1198 = %scan3A_721#10, %scan3A_1199 = %scan3A_721#11, %scan3A_1200 = %scan3A_721#12, %scan3A_1201 = %scan3A_721#13, %scan3A_1202 = %scan3A_721#14, %scan3A_1203 = %scan3A_721#15) -> (vector<16xf32>, vector<16xf32>, vector<16xf32>, vector<16xf32>, vector<16xf32>, vector<16xf32>, vector<16xf32>, vector<16xf32>, vector<16xf32>, vector<16xf32>, vector<16xf32>, vector<16xf32>, vector<16xf32>, vector<16xf32>, vector<16xf32>, vector<16xf32>)  : i32 {
      %mul3A_1204 = arith.constant 2 : i32
      %mul3A_1205 = arith.muli %scan3A_1187, %mul3A_1204 : i32
      %add3A_1206 = arith.constant 0 : i32
      %add3A_1207 = arith.addi %mul3A_1205, %add3A_1206 : i32
      %get3A_1208 = arith.index_cast %add3A_1207 : i32 to index
      %get3A_1209 = arith.constant 0 : index
      %get3A_1210 = tpu.vector_load %arg5[%get3A_1208, %get3A_1209] {strides = array<i32>} : memref<200x128xf32, #tpu.memory_space<vmem>>, vector<16xf32>,
      %min3A_1211 = arith.minimumf %scan3A_1188, %get3A_1210 : vector<16xf32>
      %max3A_1212 = arith.maximumf %scan3A_1196, %min3A_1211 : vector<16xf32>
      %max3A_1213 = arith.maximumf %scan3A_1188, %get3A_1210 : vector<16xf32>
      %add3A_1214 = arith.constant 0 : i32
      %add3A_1215 = arith.addi %mul3A_1205, %add3A_1214 : i32
      %get3A_1216 = arith.index_cast %add3A_1215 : i32 to index
      %get3A_1217 = arith.constant 16 : index
      %get3A_1218 = tpu.vector_load %arg5[%get3A_1216, %get3A_1217] {strides = array<i32>} : memref<200x128xf32, #tpu.memory_space<vmem>>, vector<16xf32>,
      %min3A_1219 = arith.minimumf %scan3A_1189, %get3A_1218 : vector<16xf32>
      %max3A_1220 = arith.maximumf %scan3A_1197, %min3A_1219 : vector<16xf32>
      %max3A_1221 = arith.maximumf %scan3A_1189, %get3A_1218 : vector<16xf32>
      %add3A_1222 = arith.constant 0 : i32
      %add3A_1223 = arith.addi %mul3A_1205, %add3A_1222 : i32
      %get3A_1224 = arith.index_cast %add3A_1223 : i32 to index
      %get3A_1225 = arith.constant 32 : index
      %get3A_1226 = tpu.vector_load %arg5[%get3A_1224, %get3A_1225] {strides = array<i32>} : memref<200x128xf32, #tpu.memory_space<vmem>>, vector<16xf32>,
      %min3A_1227 = arith.minimumf %scan3A_1190, %get3A_1226 : vector<16xf32>
      %max3A_1228 = arith.maximumf %scan3A_1198, %min3A_1227 : vector<16xf32>
      %max3A_1229 = arith.maximumf %scan3A_1190, %get3A_1226 : vector<16xf32>
      %add3A_1230 = arith.constant 0 : i32
      %add3A_1231 = arith.addi %mul3A_1205, %add3A_1230 : i32
      %get3A_1232 = arith.index_cast %add3A_1231 : i32 to index
      %get3A_1233 = arith.constant 48 : index
      %get3A_1234 = tpu.vector_load %arg5[%get3A_1232, %get3A_1233] {strides = array<i32>} : memref<200x128xf32, #tpu.memory_space<vmem>>, vector<16xf32>,
      %min3A_1235 = arith.minimumf %scan3A_1191, %get3A_1234 : vector<16xf32>
      %max3A_1236 = arith.maximumf %scan3A_1199, %min3A_1235 : vector<16xf32>
      %max3A_1237 = arith.maximumf %scan3A_1191, %get3A_1234 : vector<16xf32>
      %add3A_1238 = arith.constant 0 : i32
      %add3A_1239 = arith.addi %mul3A_1205, %add3A_1238 : i32
      %get3A_1240 = arith.index_cast %add3A_1239 : i32 to index
      %get3A_1241 = arith.constant 64 : index
      %get3A_1242 = tpu.vector_load %arg5[%get3A_1240, %get3A_1241] {strides = array<i32>} : memref<200x128xf32, #tpu.memory_space<vmem>>, vector<16xf32>,
      %min3A_1243 = arith.minimumf %scan3A_1192, %get3A_1242 : vector<16xf32>
      %max3A_1244 = arith.maximumf %scan3A_1200, %min3A_1243 : vector<16xf32>
      %max3A_1245 = arith.maximumf %scan3A_1192, %get3A_1242 : vector<16xf32>
      %add3A_1246 = arith.constant 0 : i32
      %add3A_1247 = arith.addi %mul3A_1205, %add3A_1246 : i32
      %get3A_1248 = arith.index_cast %add3A_1247 : i32 to index
      %get3A_1249 = arith.constant 80 : index
      %get3A_1250 = tpu.vector_load %arg5[%get3A_1248, %get3A_1249] {strides = array<i32>} : memref<200x128xf32, #tpu.memory_space<vmem>>, vector<16xf32>,
      %min3A_1251 = arith.minimumf %scan3A_1193, %get3A_1250 : vector<16xf32>
      %max3A_1252 = arith.maximumf %scan3A_1201, %min3A_1251 : vector<16xf32>
      %max3A_1253 = arith.maximumf %scan3A_1193, %get3A_1250 : vector<16xf32>
      %add3A_1254 = arith.constant 0 : i32
      %add3A_1255 = arith.addi %mul3A_1205, %add3A_1254 : i32
      %get3A_1256 = arith.index_cast %add3A_1255 : i32 to index
      %get3A_1257 = arith.constant 96 : index
      %get3A_1258 = tpu.vector_load %arg5[%get3A_1256, %get3A_1257] {strides = array<i32>} : memref<200x128xf32, #tpu.memory_space<vmem>>, vector<16xf32>,
      %min3A_1259 = arith.minimumf %scan3A_1194, %get3A_1258 : vector<16xf32>
      %max3A_1260 = arith.maximumf %scan3A_1202, %min3A_1259 : vector<16xf32>
      %max3A_1261 = arith.maximumf %scan3A_1194, %get3A_1258 : vector<16xf32>
      %add3A_1262 = arith.constant 0 : i32
      %add3A_1263 = arith.addi %mul3A_1205, %add3A_1262 : i32
      %get3A_1264 = arith.index_cast %add3A_1263 : i32 to index
      %get3A_1265 = arith.constant 112 : index
      %get3A_1266 = tpu.vector_load %arg5[%get3A_1264, %get3A_1265] {strides = array<i32>} : memref<200x128xf32, #tpu.memory_space<vmem>>, vector<16xf32>,
      %min3A_1267 = arith.minimumf %scan3A_1195, %get3A_1266 : vector<16xf32>
      %max3A_1268 = arith.maximumf %scan3A_1203, %min3A_1267 : vector<16xf32>
      %max3A_1269 = arith.maximumf %scan3A_1195, %get3A_1266 : vector<16xf32>
      %add3A_1270 = arith.constant 1 : i32
      %add3A_1271 = arith.addi %mul3A_1205, %add3A_1270 : i32
      %get3A_1272 = arith.index_cast %add3A_1271 : i32 to index
      %get3A_1273 = arith.constant 0 : index
      %get3A_1274 = tpu.vector_load %arg5[%get3A_1272, %get3A_1273] {strides = array<i32>} : memref<200x128xf32, #tpu.memory_space<vmem>>, vector<16xf32>,
      %min3A_1275 = arith.minimumf %max3A_1213, %get3A_1274 : vector<16xf32>
      %max3A_1276 = arith.maximumf %max3A_1212, %min3A_1275 : vector<16xf32>
      %max3A_1277 = arith.maximumf %max3A_1213, %get3A_1274 : vector<16xf32>
      %add3A_1278 = arith.constant 1 : i32
      %add3A_1279 = arith.addi %mul3A_1205, %add3A_1278 : i32
      %get3A_1280 = arith.index_cast %add3A_1279 : i32 to index
      %get3A_1281 = arith.constant 16 : index
      %get3A_1282 = tpu.vector_load %arg5[%get3A_1280, %get3A_1281] {strides = array<i32>} : memref<200x128xf32, #tpu.memory_space<vmem>>, vector<16xf32>,
      %min3A_1283 = arith.minimumf %max3A_1221, %get3A_1282 : vector<16xf32>
      %max3A_1284 = arith.maximumf %max3A_1220, %min3A_1283 : vector<16xf32>
      %max3A_1285 = arith.maximumf %max3A_1221, %get3A_1282 : vector<16xf32>
      %add3A_1286 = arith.constant 1 : i32
      %add3A_1287 = arith.addi %mul3A_1205, %add3A_1286 : i32
      %get3A_1288 = arith.index_cast %add3A_1287 : i32 to index
      %get3A_1289 = arith.constant 32 : index
      %get3A_1290 = tpu.vector_load %arg5[%get3A_1288, %get3A_1289] {strides = array<i32>} : memref<200x128xf32, #tpu.memory_space<vmem>>, vector<16xf32>,
      %min3A_1291 = arith.minimumf %max3A_1229, %get3A_1290 : vector<16xf32>
      %max3A_1292 = arith.maximumf %max3A_1228, %min3A_1291 : vector<16xf32>
      %max3A_1293 = arith.maximumf %max3A_1229, %get3A_1290 : vector<16xf32>
      %add3A_1294 = arith.constant 1 : i32
      %add3A_1295 = arith.addi %mul3A_1205, %add3A_1294 : i32
      %get3A_1296 = arith.index_cast %add3A_1295 : i32 to index
      %get3A_1297 = arith.constant 48 : index
      %get3A_1298 = tpu.vector_load %arg5[%get3A_1296, %get3A_1297] {strides = array<i32>} : memref<200x128xf32, #tpu.memory_space<vmem>>, vector<16xf32>,
      %min3A_1299 = arith.minimumf %max3A_1237, %get3A_1298 : vector<16xf32>
      %max3A_1300 = arith.maximumf %max3A_1236, %min3A_1299 : vector<16xf32>
      %max3A_1301 = arith.maximumf %max3A_1237, %get3A_1298 : vector<16xf32>
      %add3A_1302 = arith.constant 1 : i32
      %add3A_1303 = arith.addi %mul3A_1205, %add3A_1302 : i32
      %get3A_1304 = arith.index_cast %add3A_1303 : i32 to index
      %get3A_1305 = arith.constant 64 : index
      %get3A_1306 = tpu.vector_load %arg5[%get3A_1304, %get3A_1305] {strides = array<i32>} : memref<200x128xf32, #tpu.memory_space<vmem>>, vector<16xf32>,
      %min3A_1307 = arith.minimumf %max3A_1245, %get3A_1306 : vector<16xf32>
      %max3A_1308 = arith.maximumf %max3A_1244, %min3A_1307 : vector<16xf32>
      %max3A_1309 = arith.maximumf %max3A_1245, %get3A_1306 : vector<16xf32>
      %add3A_1310 = arith.constant 1 : i32
      %add3A_1311 = arith.addi %mul3A_1205, %add3A_1310 : i32
      %get3A_1312 = arith.index_cast %add3A_1311 : i32 to index
      %get3A_1313 = arith.constant 80 : index
      %get3A_1314 = tpu.vector_load %arg5[%get3A_1312, %get3A_1313] {strides = array<i32>} : memref<200x128xf32, #tpu.memory_space<vmem>>, vector<16xf32>,
      %min3A_1315 = arith.minimumf %max3A_1253, %get3A_1314 : vector<16xf32>
      %max3A_1316 = arith.maximumf %max3A_1252, %min3A_1315 : vector<16xf32>
      %max3A_1317 = arith.maximumf %max3A_1253, %get3A_1314 : vector<16xf32>
      %add3A_1318 = arith.constant 1 : i32
      %add3A_1319 = arith.addi %mul3A_1205, %add3A_1318 : i32
      %get3A_1320 = arith.index_cast %add3A_1319 : i32 to index
      %get3A_1321 = arith.constant 96 : index
      %get3A_1322 = tpu.vector_load %arg5[%get3A_1320, %get3A_1321] {strides = array<i32>} : memref<200x128xf32, #tpu.memory_space<vmem>>, vector<16xf32>,
      %min3A_1323 = arith.minimumf %max3A_1261, %get3A_1322 : vector<16xf32>
      %max3A_1324 = arith.maximumf %max3A_1260, %min3A_1323 : vector<16xf32>
      %max3A_1325 = arith.maximumf %max3A_1261, %get3A_1322 : vector<16xf32>
      %add3A_1326 = arith.constant 1 : i32
      %add3A_1327 = arith.addi %mul3A_1205, %add3A_1326 : i32
      %get3A_1328 = arith.index_cast %add3A_1327 : i32 to index
      %get3A_1329 = arith.constant 112 : index
      %get3A_1330 = tpu.vector_load %arg5[%get3A_1328, %get3A_1329] {strides = array<i32>} : memref<200x128xf32, #tpu.memory_space<vmem>>, vector<16xf32>,
      %min3A_1331 = arith.minimumf %max3A_1269, %get3A_1330 : vector<16xf32>
      %max3A_1332 = arith.maximumf %max3A_1268, %min3A_1331 : vector<16xf32>
      %max3A_1333 = arith.maximumf %max3A_1269, %get3A_1330 : vector<16xf32>
      scf.yield %max3A_1277, %max3A_1285, %max3A_1293, %max3A_1301, %max3A_1309, %max3A_1317, %max3A_1325, %max3A_1333, %max3A_1276, %max3A_1284, %max3A_1292, %max3A_1300, %max3A_1308, %max3A_1316, %max3A_1324, %max3A_1332 : vector<16xf32>, vector<16xf32>, vector<16xf32>, vector<16xf32>, vector<16xf32>, vector<16xf32>, vector<16xf32>, vector<16xf32>, vector<16xf32>, vector<16xf32>, vector<16xf32>, vector<16xf32>, vector<16xf32>, vector<16xf32>, vector<16xf32>, vector<16xf32>
    }
    %scan3A_892 = arith.constant 100 : i32
    %dma_wait3A_893 = arith.constant 0 : i32
    %dma_wait3A_894 = arith.constant 0 : i32
    %dma_wait3A_895 = tpu.memref_slice %arg6[%dma_wait3A_893, %dma_wait3A_894] : memref<200x128xf32, #tpu.memory_space<vmem>> -> memref<160x128xf32, #tpu.memory_space<vmem>>
    %dma_wait3A_896 = arith.constant 840 : i32
    %dma_wait3A_897 = tpu.memref_slice %arg2[%dma_wait3A_896, %multiple_of3A] : memref<1000x4096xf32, #tpu.memory_space<hbm>> -> memref<160x128xf32, #tpu.memory_space<hbm>>
    %dma_wait3A_898 = arith.constant 0 : i32
    %dma_wait3A_899 = arith.constant 0 : i32
    %dma_wait3A_900 = tpu.memref_slice %arg6[%dma_wait3A_898, %dma_wait3A_899] : memref<200x128xf32, #tpu.memory_space<vmem>> -> memref<160x128xf32, #tpu.memory_space<vmem>>
    %dma_wait3A_901 = arith.constant 840 : i32
    %dma_wait3A_902 = tpu.memref_slice %arg2[%dma_wait3A_901, %multiple_of3A] : memref<1000x4096xf32, #tpu.memory_space<hbm>> -> memref<160x128xf32, #tpu.memory_space<hbm>>
    tpu.wait_dma2 semaphore(%arg10 : memref<!tpu.dma_semaphore, #tpu.memory_space<semaphore_mem>>) src(%dma_wait3A_902 : memref<160x128xf32, #tpu.memory_space<hbm>>) dst(%dma_wait3A_900 : memref<160x128xf32, #tpu.memory_space<vmem>>)
    %ge3A_903 = arith.constant 840 : i32
    %ge3A_904 = vector.broadcast %ge3A_903 : i32 to vector<16xi32>
    %ge3A_905 = arith.cmpi sge, %get3A_15, %ge3A_904 : vector<16xi32>
    %lt3A_906 = arith.constant 1000 : i32
    %lt3A_907 = vector.broadcast %lt3A_906 : i32 to vector<16xi32>
    %lt3A_908 = arith.cmpi slt, %get3A_15, %lt3A_907 : vector<16xi32>
    %and3A_909 = arith.andi %ge3A_905, %lt3A_908 : vector<16xi1>
    %sub3A_910 = arith.constant 840 : i32
    %sub3A_911 = vector.broadcast %sub3A_910 : i32 to vector<16xi32>
    %sub3A_912 = arith.subi %get3A_15, %sub3A_911 : vector<16xi32>
    %jit3A_913 = arith.constant 0 : i32
    %jit3A_914 = arith.constant 159 : i32
    %max3A_915 = vector.broadcast %jit3A_913 : i32 to vector<16xi32>
    %max3A_916 = arith.maxsi %max3A_915, %sub3A_912 : vector<16xi32>
    %min3A_917 = vector.broadcast %jit3A_914 : i32 to vector<16xi32>
    %min3A_918 = arith.minsi %min3A_917, %max3A_916 : vector<16xi32>
    %gather3A_919 = tpu.vector_load_idx %arg6[%min3A_918, %add3A_32] masked %and3A_909 : memref<200x128xf32, #tpu.memory_space<vmem>>[vector<16xi32>, vector<16xi32>], vector<16xf32>, vector<16xi1>
    %select_n3A_920 = arith.select %and3A_909, %gather3A_919, %select_n3A_760 : vector<16xi1>, vector<16xf32>
    tpu.vector_store_idx %arg6[%min3A_918, %add3A_32], %broadcast_in_dim3A_12 masked %and3A_909 : memref<200x128xf32, #tpu.memory_space<vmem>>[vector<16xi32>, vector<16xi32>], vector<16xf32>, vector<16xi1>
    %ge3A_921 = arith.constant 840 : i32
    %ge3A_922 = vector.broadcast %ge3A_921 : i32 to vector<16xi32>
    %ge3A_923 = arith.cmpi sge, %get3A_17, %ge3A_922 : vector<16xi32>
    %lt3A_924 = arith.constant 1000 : i32
    %lt3A_925 = vector.broadcast %lt3A_924 : i32 to vector<16xi32>
    %lt3A_926 = arith.cmpi slt, %get3A_17, %lt3A_925 : vector<16xi32>
    %and3A_927 = arith.andi %ge3A_923, %lt3A_926 : vector<16xi1>
    %sub3A_928 = arith.constant 840 : i32
    %sub3A_929 = vector.broadcast %sub3A_928 : i32 to vector<16xi32>
    %sub3A_930 = arith.subi %get3A_17, %sub3A_929 : vector<16xi32>
    %jit3A_931 = arith.constant 0 : i32
    %jit3A_932 = arith.constant 159 : i32
    %max3A_933 = vector.broadcast %jit3A_931 : i32 to vector<16xi32>
    %max3A_934 = arith.maxsi %max3A_933, %sub3A_930 : vector<16xi32>
    %min3A_935 = vector.broadcast %jit3A_932 : i32 to vector<16xi32>
    %min3A_936 = arith.minsi %min3A_935, %max3A_934 : vector<16xi32>
    %gather3A_937 = tpu.vector_load_idx %arg6[%min3A_936, %add3A_35] masked %and3A_927 : memref<200x128xf32, #tpu.memory_space<vmem>>[vector<16xi32>, vector<16xi32>], vector<16xf32>, vector<16xi1>
    %select_n3A_938 = arith.select %and3A_927, %gather3A_937, %select_n3A_778 : vector<16xi1>, vector<16xf32>
    tpu.vector_store_idx %arg6[%min3A_936, %add3A_35], %broadcast_in_dim3A_12 masked %and3A_927 : memref<200x128xf32, #tpu.memory_space<vmem>>[vector<16xi32>, vector<16xi32>], vector<16xf32>, vector<16xi1>
    %ge3A_939 = arith.constant 840 : i32
    %ge3A_940 = vector.broadcast %ge3A_939 : i32 to vector<16xi32>
    %ge3A_941 = arith.cmpi sge, %get3A_19, %ge3A_940 : vector<16xi32>
    %lt3A_942 = arith.constant 1000 : i32
    %lt3A_943 = vector.broadcast %lt3A_942 : i32 to vector<16xi32>
    %lt3A_944 = arith.cmpi slt, %get3A_19, %lt3A_943 : vector<16xi32>
    %and3A_945 = arith.andi %ge3A_941, %lt3A_944 : vector<16xi1>
    %sub3A_946 = arith.constant 840 : i32
    %sub3A_947 = vector.broadcast %sub3A_946 : i32 to vector<16xi32>
    %sub3A_948 = arith.subi %get3A_19, %sub3A_947 : vector<16xi32>
    %jit3A_949 = arith.constant 0 : i32
    %jit3A_950 = arith.constant 159 : i32
    %max3A_951 = vector.broadcast %jit3A_949 : i32 to vector<16xi32>
    %max3A_952 = arith.maxsi %max3A_951, %sub3A_948 : vector<16xi32>
    %min3A_953 = vector.broadcast %jit3A_950 : i32 to vector<16xi32>
    %min3A_954 = arith.minsi %min3A_953, %max3A_952 : vector<16xi32>
    %gather3A_955 = tpu.vector_load_idx %arg6[%min3A_954, %add3A_38] masked %and3A_945 : memref<200x128xf32, #tpu.memory_space<vmem>>[vector<16xi32>, vector<16xi32>], vector<16xf32>, vector<16xi1>
    %select_n3A_956 = arith.select %and3A_945, %gather3A_955, %select_n3A_796 : vector<16xi1>, vector<16xf32>
    tpu.vector_store_idx %arg6[%min3A_954, %add3A_38], %broadcast_in_dim3A_12 masked %and3A_945 : memref<200x128xf32, #tpu.memory_space<vmem>>[vector<16xi32>, vector<16xi32>], vector<16xf32>, vector<16xi1>
    %ge3A_957 = arith.constant 840 : i32
    %ge3A_958 = vector.broadcast %ge3A_957 : i32 to vector<16xi32>
    %ge3A_959 = arith.cmpi sge, %get3A_21, %ge3A_958 : vector<16xi32>
    %lt3A_960 = arith.constant 1000 : i32
    %lt3A_961 = vector.broadcast %lt3A_960 : i32 to vector<16xi32>
    %lt3A_962 = arith.cmpi slt, %get3A_21, %lt3A_961 : vector<16xi32>
    %and3A_963 = arith.andi %ge3A_959, %lt3A_962 : vector<16xi1>
    %sub3A_964 = arith.constant 840 : i32
    %sub3A_965 = vector.broadcast %sub3A_964 : i32 to vector<16xi32>
    %sub3A_966 = arith.subi %get3A_21, %sub3A_965 : vector<16xi32>
    %jit3A_967 = arith.constant 0 : i32
    %jit3A_968 = arith.constant 159 : i32
    %max3A_969 = vector.broadcast %jit3A_967 : i32 to vector<16xi32>
    %max3A_970 = arith.maxsi %max3A_969, %sub3A_966 : vector<16xi32>
    %min3A_971 = vector.broadcast %jit3A_968 : i32 to vector<16xi32>
    %min3A_972 = arith.minsi %min3A_971, %max3A_970 : vector<16xi32>
    %gather3A_973 = tpu.vector_load_idx %arg6[%min3A_972, %add3A_41] masked %and3A_963 : memref<200x128xf32, #tpu.memory_space<vmem>>[vector<16xi32>, vector<16xi32>], vector<16xf32>, vector<16xi1>
    %select_n3A_974 = arith.select %and3A_963, %gather3A_973, %select_n3A_814 : vector<16xi1>, vector<16xf32>
    tpu.vector_store_idx %arg6[%min3A_972, %add3A_41], %broadcast_in_dim3A_12 masked %and3A_963 : memref<200x128xf32, #tpu.memory_space<vmem>>[vector<16xi32>, vector<16xi32>], vector<16xf32>, vector<16xi1>
    %ge3A_975 = arith.constant 840 : i32
    %ge3A_976 = vector.broadcast %ge3A_975 : i32 to vector<16xi32>
    %ge3A_977 = arith.cmpi sge, %get3A_23, %ge3A_976 : vector<16xi32>
    %lt3A_978 = arith.constant 1000 : i32
    %lt3A_979 = vector.broadcast %lt3A_978 : i32 to vector<16xi32>
    %lt3A_980 = arith.cmpi slt, %get3A_23, %lt3A_979 : vector<16xi32>
    %and3A_981 = arith.andi %ge3A_977, %lt3A_980 : vector<16xi1>
    %sub3A_982 = arith.constant 840 : i32
    %sub3A_983 = vector.broadcast %sub3A_982 : i32 to vector<16xi32>
    %sub3A_984 = arith.subi %get3A_23, %sub3A_983 : vector<16xi32>
    %jit3A_985 = arith.constant 0 : i32
    %jit3A_986 = arith.constant 159 : i32
    %max3A_987 = vector.broadcast %jit3A_985 : i32 to vector<16xi32>
    %max3A_988 = arith.maxsi %max3A_987, %sub3A_984 : vector<16xi32>
    %min3A_989 = vector.broadcast %jit3A_986 : i32 to vector<16xi32>
    %min3A_990 = arith.minsi %min3A_989, %max3A_988 : vector<16xi32>
    %gather3A_991 = tpu.vector_load_idx %arg6[%min3A_990, %add3A_44] masked %and3A_981 : memref<200x128xf32, #tpu.memory_space<vmem>>[vector<16xi32>, vector<16xi32>], vector<16xf32>, vector<16xi1>
    %select_n3A_992 = arith.select %and3A_981, %gather3A_991, %select_n3A_832 : vector<16xi1>, vector<16xf32>
    tpu.vector_store_idx %arg6[%min3A_990, %add3A_44], %broadcast_in_dim3A_12 masked %and3A_981 : memref<200x128xf32, #tpu.memory_space<vmem>>[vector<16xi32>, vector<16xi32>], vector<16xf32>, vector<16xi1>
    %ge3A_993 = arith.constant 840 : i32
    %ge3A_994 = vector.broadcast %ge3A_993 : i32 to vector<16xi32>
    %ge3A_995 = arith.cmpi sge, %get3A_25, %ge3A_994 : vector<16xi32>
    %lt3A_996 = arith.constant 1000 : i32
    %lt3A_997 = vector.broadcast %lt3A_996 : i32 to vector<16xi32>
    %lt3A_998 = arith.cmpi slt, %get3A_25, %lt3A_997 : vector<16xi32>
    %and3A_999 = arith.andi %ge3A_995, %lt3A_998 : vector<16xi1>
    %sub3A_1000 = arith.constant 840 : i32
    %sub3A_1001 = vector.broadcast %sub3A_1000 : i32 to vector<16xi32>
    %sub3A_1002 = arith.subi %get3A_25, %sub3A_1001 : vector<16xi32>
    %jit3A_1003 = arith.constant 0 : i32
    %jit3A_1004 = arith.constant 159 : i32
    %max3A_1005 = vector.broadcast %jit3A_1003 : i32 to vector<16xi32>
    %max3A_1006 = arith.maxsi %max3A_1005, %sub3A_1002 : vector<16xi32>
    %min3A_1007 = vector.broadcast %jit3A_1004 : i32 to vector<16xi32>
    %min3A_1008 = arith.minsi %min3A_1007, %max3A_1006 : vector<16xi32>
    %gather3A_1009 = tpu.vector_load_idx %arg6[%min3A_1008, %add3A_47] masked %and3A_999 : memref<200x128xf32, #tpu.memory_space<vmem>>[vector<16xi32>, vector<16xi32>], vector<16xf32>, vector<16xi1>
    %select_n3A_1010 = arith.select %and3A_999, %gather3A_1009, %select_n3A_850 : vector<16xi1>, vector<16xf32>
    tpu.vector_store_idx %arg6[%min3A_1008, %add3A_47], %broadcast_in_dim3A_12 masked %and3A_999 : memref<200x128xf32, #tpu.memory_space<vmem>>[vector<16xi32>, vector<16xi32>], vector<16xf32>, vector<16xi1>
    %ge3A_1011 = arith.constant 840 : i32
    %ge3A_1012 = vector.broadcast %ge3A_1011 : i32 to vector<16xi32>
    %ge3A_1013 = arith.cmpi sge, %get3A_27, %ge3A_1012 : vector<16xi32>
    %lt3A_1014 = arith.constant 1000 : i32
    %lt3A_1015 = vector.broadcast %lt3A_1014 : i32 to vector<16xi32>
    %lt3A_1016 = arith.cmpi slt, %get3A_27, %lt3A_1015 : vector<16xi32>
    %and3A_1017 = arith.andi %ge3A_1013, %lt3A_1016 : vector<16xi1>
    %sub3A_1018 = arith.constant 840 : i32
    %sub3A_1019 = vector.broadcast %sub3A_1018 : i32 to vector<16xi32>
    %sub3A_1020 = arith.subi %get3A_27, %sub3A_1019 : vector<16xi32>
    %jit3A_1021 = arith.constant 0 : i32
    %jit3A_1022 = arith.constant 159 : i32
    %max3A_1023 = vector.broadcast %jit3A_1021 : i32 to vector<16xi32>
    %max3A_1024 = arith.maxsi %max3A_1023, %sub3A_1020 : vector<16xi32>
    %min3A_1025 = vector.broadcast %jit3A_1022 : i32 to vector<16xi32>
    %min3A_1026 = arith.minsi %min3A_1025, %max3A_1024 : vector<16xi32>
    %gather3A_1027 = tpu.vector_load_idx %arg6[%min3A_1026, %add3A_50] masked %and3A_1017 : memref<200x128xf32, #tpu.memory_space<vmem>>[vector<16xi32>, vector<16xi32>], vector<16xf32>, vector<16xi1>
    %select_n3A_1028 = arith.select %and3A_1017, %gather3A_1027, %select_n3A_868 : vector<16xi1>, vector<16xf32>
    tpu.vector_store_idx %arg6[%min3A_1026, %add3A_50], %broadcast_in_dim3A_12 masked %and3A_1017 : memref<200x128xf32, #tpu.memory_space<vmem>>[vector<16xi32>, vector<16xi32>], vector<16xf32>, vector<16xi1>
    %ge3A_1029 = arith.constant 840 : i32
    %ge3A_1030 = vector.broadcast %ge3A_1029 : i32 to vector<16xi32>
    %ge3A_1031 = arith.cmpi sge, %get3A_29, %ge3A_1030 : vector<16xi32>
    %lt3A_1032 = arith.constant 1000 : i32
    %lt3A_1033 = vector.broadcast %lt3A_1032 : i32 to vector<16xi32>
    %lt3A_1034 = arith.cmpi slt, %get3A_29, %lt3A_1033 : vector<16xi32>
    %and3A_1035 = arith.andi %ge3A_1031, %lt3A_1034 : vector<16xi1>
    %sub3A_1036 = arith.constant 840 : i32
    %sub3A_1037 = vector.broadcast %sub3A_1036 : i32 to vector<16xi32>
    %sub3A_1038 = arith.subi %get3A_29, %sub3A_1037 : vector<16xi32>
    %jit3A_1039 = arith.constant 0 : i32
    %jit3A_1040 = arith.constant 159 : i32
    %max3A_1041 = vector.broadcast %jit3A_1039 : i32 to vector<16xi32>
    %max3A_1042 = arith.maxsi %max3A_1041, %sub3A_1038 : vector<16xi32>
    %min3A_1043 = vector.broadcast %jit3A_1040 : i32 to vector<16xi32>
    %min3A_1044 = arith.minsi %min3A_1043, %max3A_1042 : vector<16xi32>
    %gather3A_1045 = tpu.vector_load_idx %arg6[%min3A_1044, %add3A_53] masked %and3A_1035 : memref<200x128xf32, #tpu.memory_space<vmem>>[vector<16xi32>, vector<16xi32>], vector<16xf32>, vector<16xi1>
    %select_n3A_1046 = arith.select %and3A_1035, %gather3A_1045, %select_n3A_886 : vector<16xi1>, vector<16xf32>
    tpu.vector_store_idx %arg6[%min3A_1044, %add3A_53], %broadcast_in_dim3A_12 masked %and3A_1035 : memref<200x128xf32, #tpu.memory_space<vmem>>[vector<16xi32>, vector<16xi32>], vector<16xf32>, vector<16xi1>
    %scan3A_1047 = arith.constant 0 : i32
    %scan3A_1048 = arith.constant 80 : i32
    %scan3A_1049 = arith.addi %scan3A_1047, %scan3A_1048 : i32
    %scan3A_1050 = arith.constant 1 : i32
    %scan3A_1051:16 = scf.for %scan3A_1187 = %scan3A_1047 to %scan3A_1049 step %scan3A_1050 iter_args(%scan3A_1188 = %scan3A_891#0, %scan3A_1189 = %scan3A_891#1, %scan3A_1190 = %scan3A_891#2, %scan3A_1191 = %scan3A_891#3, %scan3A_1192 = %scan3A_891#4, %scan3A_1193 = %scan3A_891#5, %scan3A_1194 = %scan3A_891#6, %scan3A_1195 = %scan3A_891#7, %scan3A_1196 = %scan3A_891#8, %scan3A_1197 = %scan3A_891#9, %scan3A_1198 = %scan3A_891#10, %scan3A_1199 = %scan3A_891#11, %scan3A_1200 = %scan3A_891#12, %scan3A_1201 = %scan3A_891#13, %scan3A_1202 = %scan3A_891#14, %scan3A_1203 = %scan3A_891#15) -> (vector<16xf32>, vector<16xf32>, vector<16xf32>, vector<16xf32>, vector<16xf32>, vector<16xf32>, vector<16xf32>, vector<16xf32>, vector<16xf32>, vector<16xf32>, vector<16xf32>, vector<16xf32>, vector<16xf32>, vector<16xf32>, vector<16xf32>, vector<16xf32>)  : i32 {
      %mul3A_1204 = arith.constant 2 : i32
      %mul3A_1205 = arith.muli %scan3A_1187, %mul3A_1204 : i32
      %add3A_1206 = arith.constant 0 : i32
      %add3A_1207 = arith.addi %mul3A_1205, %add3A_1206 : i32
      %get3A_1208 = arith.index_cast %add3A_1207 : i32 to index
      %get3A_1209 = arith.constant 0 : index
      %get3A_1210 = tpu.vector_load %arg6[%get3A_1208, %get3A_1209] {strides = array<i32>} : memref<200x128xf32, #tpu.memory_space<vmem>>, vector<16xf32>,
      %min3A_1211 = arith.minimumf %scan3A_1188, %get3A_1210 : vector<16xf32>
      %max3A_1212 = arith.maximumf %scan3A_1196, %min3A_1211 : vector<16xf32>
      %max3A_1213 = arith.maximumf %scan3A_1188, %get3A_1210 : vector<16xf32>
      %add3A_1214 = arith.constant 0 : i32
      %add3A_1215 = arith.addi %mul3A_1205, %add3A_1214 : i32
      %get3A_1216 = arith.index_cast %add3A_1215 : i32 to index
      %get3A_1217 = arith.constant 16 : index
      %get3A_1218 = tpu.vector_load %arg6[%get3A_1216, %get3A_1217] {strides = array<i32>} : memref<200x128xf32, #tpu.memory_space<vmem>>, vector<16xf32>,
      %min3A_1219 = arith.minimumf %scan3A_1189, %get3A_1218 : vector<16xf32>
      %max3A_1220 = arith.maximumf %scan3A_1197, %min3A_1219 : vector<16xf32>
      %max3A_1221 = arith.maximumf %scan3A_1189, %get3A_1218 : vector<16xf32>
      %add3A_1222 = arith.constant 0 : i32
      %add3A_1223 = arith.addi %mul3A_1205, %add3A_1222 : i32
      %get3A_1224 = arith.index_cast %add3A_1223 : i32 to index
      %get3A_1225 = arith.constant 32 : index
      %get3A_1226 = tpu.vector_load %arg6[%get3A_1224, %get3A_1225] {strides = array<i32>} : memref<200x128xf32, #tpu.memory_space<vmem>>, vector<16xf32>,
      %min3A_1227 = arith.minimumf %scan3A_1190, %get3A_1226 : vector<16xf32>
      %max3A_1228 = arith.maximumf %scan3A_1198, %min3A_1227 : vector<16xf32>
      %max3A_1229 = arith.maximumf %scan3A_1190, %get3A_1226 : vector<16xf32>
      %add3A_1230 = arith.constant 0 : i32
      %add3A_1231 = arith.addi %mul3A_1205, %add3A_1230 : i32
      %get3A_1232 = arith.index_cast %add3A_1231 : i32 to index
      %get3A_1233 = arith.constant 48 : index
      %get3A_1234 = tpu.vector_load %arg6[%get3A_1232, %get3A_1233] {strides = array<i32>} : memref<200x128xf32, #tpu.memory_space<vmem>>, vector<16xf32>,
      %min3A_1235 = arith.minimumf %scan3A_1191, %get3A_1234 : vector<16xf32>
      %max3A_1236 = arith.maximumf %scan3A_1199, %min3A_1235 : vector<16xf32>
      %max3A_1237 = arith.maximumf %scan3A_1191, %get3A_1234 : vector<16xf32>
      %add3A_1238 = arith.constant 0 : i32
      %add3A_1239 = arith.addi %mul3A_1205, %add3A_1238 : i32
      %get3A_1240 = arith.index_cast %add3A_1239 : i32 to index
      %get3A_1241 = arith.constant 64 : index
      %get3A_1242 = tpu.vector_load %arg6[%get3A_1240, %get3A_1241] {strides = array<i32>} : memref<200x128xf32, #tpu.memory_space<vmem>>, vector<16xf32>,
      %min3A_1243 = arith.minimumf %scan3A_1192, %get3A_1242 : vector<16xf32>
      %max3A_1244 = arith.maximumf %scan3A_1200, %min3A_1243 : vector<16xf32>
      %max3A_1245 = arith.maximumf %scan3A_1192, %get3A_1242 : vector<16xf32>
      %add3A_1246 = arith.constant 0 : i32
      %add3A_1247 = arith.addi %mul3A_1205, %add3A_1246 : i32
      %get3A_1248 = arith.index_cast %add3A_1247 : i32 to index
      %get3A_1249 = arith.constant 80 : index
      %get3A_1250 = tpu.vector_load %arg6[%get3A_1248, %get3A_1249] {strides = array<i32>} : memref<200x128xf32, #tpu.memory_space<vmem>>, vector<16xf32>,
      %min3A_1251 = arith.minimumf %scan3A_1193, %get3A_1250 : vector<16xf32>
      %max3A_1252 = arith.maximumf %scan3A_1201, %min3A_1251 : vector<16xf32>
      %max3A_1253 = arith.maximumf %scan3A_1193, %get3A_1250 : vector<16xf32>
      %add3A_1254 = arith.constant 0 : i32
      %add3A_1255 = arith.addi %mul3A_1205, %add3A_1254 : i32
      %get3A_1256 = arith.index_cast %add3A_1255 : i32 to index
      %get3A_1257 = arith.constant 96 : index
      %get3A_1258 = tpu.vector_load %arg6[%get3A_1256, %get3A_1257] {strides = array<i32>} : memref<200x128xf32, #tpu.memory_space<vmem>>, vector<16xf32>,
      %min3A_1259 = arith.minimumf %scan3A_1194, %get3A_1258 : vector<16xf32>
      %max3A_1260 = arith.maximumf %scan3A_1202, %min3A_1259 : vector<16xf32>
      %max3A_1261 = arith.maximumf %scan3A_1194, %get3A_1258 : vector<16xf32>
      %add3A_1262 = arith.constant 0 : i32
      %add3A_1263 = arith.addi %mul3A_1205, %add3A_1262 : i32
      %get3A_1264 = arith.index_cast %add3A_1263 : i32 to index
      %get3A_1265 = arith.constant 112 : index
      %get3A_1266 = tpu.vector_load %arg6[%get3A_1264, %get3A_1265] {strides = array<i32>} : memref<200x128xf32, #tpu.memory_space<vmem>>, vector<16xf32>,
      %min3A_1267 = arith.minimumf %scan3A_1195, %get3A_1266 : vector<16xf32>
      %max3A_1268 = arith.maximumf %scan3A_1203, %min3A_1267 : vector<16xf32>
      %max3A_1269 = arith.maximumf %scan3A_1195, %get3A_1266 : vector<16xf32>
      %add3A_1270 = arith.constant 1 : i32
      %add3A_1271 = arith.addi %mul3A_1205, %add3A_1270 : i32
      %get3A_1272 = arith.index_cast %add3A_1271 : i32 to index
      %get3A_1273 = arith.constant 0 : index
      %get3A_1274 = tpu.vector_load %arg6[%get3A_1272, %get3A_1273] {strides = array<i32>} : memref<200x128xf32, #tpu.memory_space<vmem>>, vector<16xf32>,
      %min3A_1275 = arith.minimumf %max3A_1213, %get3A_1274 : vector<16xf32>
      %max3A_1276 = arith.maximumf %max3A_1212, %min3A_1275 : vector<16xf32>
      %max3A_1277 = arith.maximumf %max3A_1213, %get3A_1274 : vector<16xf32>
      %add3A_1278 = arith.constant 1 : i32
      %add3A_1279 = arith.addi %mul3A_1205, %add3A_1278 : i32
      %get3A_1280 = arith.index_cast %add3A_1279 : i32 to index
      %get3A_1281 = arith.constant 16 : index
      %get3A_1282 = tpu.vector_load %arg6[%get3A_1280, %get3A_1281] {strides = array<i32>} : memref<200x128xf32, #tpu.memory_space<vmem>>, vector<16xf32>,
      %min3A_1283 = arith.minimumf %max3A_1221, %get3A_1282 : vector<16xf32>
      %max3A_1284 = arith.maximumf %max3A_1220, %min3A_1283 : vector<16xf32>
      %max3A_1285 = arith.maximumf %max3A_1221, %get3A_1282 : vector<16xf32>
      %add3A_1286 = arith.constant 1 : i32
      %add3A_1287 = arith.addi %mul3A_1205, %add3A_1286 : i32
      %get3A_1288 = arith.index_cast %add3A_1287 : i32 to index
      %get3A_1289 = arith.constant 32 : index
      %get3A_1290 = tpu.vector_load %arg6[%get3A_1288, %get3A_1289] {strides = array<i32>} : memref<200x128xf32, #tpu.memory_space<vmem>>, vector<16xf32>,
      %min3A_1291 = arith.minimumf %max3A_1229, %get3A_1290 : vector<16xf32>
      %max3A_1292 = arith.maximumf %max3A_1228, %min3A_1291 : vector<16xf32>
      %max3A_1293 = arith.maximumf %max3A_1229, %get3A_1290 : vector<16xf32>
      %add3A_1294 = arith.constant 1 : i32
      %add3A_1295 = arith.addi %mul3A_1205, %add3A_1294 : i32
      %get3A_1296 = arith.index_cast %add3A_1295 : i32 to index
      %get3A_1297 = arith.constant 48 : index
      %get3A_1298 = tpu.vector_load %arg6[%get3A_1296, %get3A_1297] {strides = array<i32>} : memref<200x128xf32, #tpu.memory_space<vmem>>, vector<16xf32>,
      %min3A_1299 = arith.minimumf %max3A_1237, %get3A_1298 : vector<16xf32>
      %max3A_1300 = arith.maximumf %max3A_1236, %min3A_1299 : vector<16xf32>
      %max3A_1301 = arith.maximumf %max3A_1237, %get3A_1298 : vector<16xf32>
      %add3A_1302 = arith.constant 1 : i32
      %add3A_1303 = arith.addi %mul3A_1205, %add3A_1302 : i32
      %get3A_1304 = arith.index_cast %add3A_1303 : i32 to index
      %get3A_1305 = arith.constant 64 : index
      %get3A_1306 = tpu.vector_load %arg6[%get3A_1304, %get3A_1305] {strides = array<i32>} : memref<200x128xf32, #tpu.memory_space<vmem>>, vector<16xf32>,
      %min3A_1307 = arith.minimumf %max3A_1245, %get3A_1306 : vector<16xf32>
      %max3A_1308 = arith.maximumf %max3A_1244, %min3A_1307 : vector<16xf32>
      %max3A_1309 = arith.maximumf %max3A_1245, %get3A_1306 : vector<16xf32>
      %add3A_1310 = arith.constant 1 : i32
      %add3A_1311 = arith.addi %mul3A_1205, %add3A_1310 : i32
      %get3A_1312 = arith.index_cast %add3A_1311 : i32 to index
      %get3A_1313 = arith.constant 80 : index
      %get3A_1314 = tpu.vector_load %arg6[%get3A_1312, %get3A_1313] {strides = array<i32>} : memref<200x128xf32, #tpu.memory_space<vmem>>, vector<16xf32>,
      %min3A_1315 = arith.minimumf %max3A_1253, %get3A_1314 : vector<16xf32>
      %max3A_1316 = arith.maximumf %max3A_1252, %min3A_1315 : vector<16xf32>
      %max3A_1317 = arith.maximumf %max3A_1253, %get3A_1314 : vector<16xf32>
      %add3A_1318 = arith.constant 1 : i32
      %add3A_1319 = arith.addi %mul3A_1205, %add3A_1318 : i32
      %get3A_1320 = arith.index_cast %add3A_1319 : i32 to index
      %get3A_1321 = arith.constant 96 : index
      %get3A_1322 = tpu.vector_load %arg6[%get3A_1320, %get3A_1321] {strides = array<i32>} : memref<200x128xf32, #tpu.memory_space<vmem>>, vector<16xf32>,
      %min3A_1323 = arith.minimumf %max3A_1261, %get3A_1322 : vector<16xf32>
      %max3A_1324 = arith.maximumf %max3A_1260, %min3A_1323 : vector<16xf32>
      %max3A_1325 = arith.maximumf %max3A_1261, %get3A_1322 : vector<16xf32>
      %add3A_1326 = arith.constant 1 : i32
      %add3A_1327 = arith.addi %mul3A_1205, %add3A_1326 : i32
      %get3A_1328 = arith.index_cast %add3A_1327 : i32 to index
      %get3A_1329 = arith.constant 112 : index
      %get3A_1330 = tpu.vector_load %arg6[%get3A_1328, %get3A_1329] {strides = array<i32>} : memref<200x128xf32, #tpu.memory_space<vmem>>, vector<16xf32>,
      %min3A_1331 = arith.minimumf %max3A_1269, %get3A_1330 : vector<16xf32>
      %max3A_1332 = arith.maximumf %max3A_1268, %min3A_1331 : vector<16xf32>
      %max3A_1333 = arith.maximumf %max3A_1269, %get3A_1330 : vector<16xf32>
      scf.yield %max3A_1277, %max3A_1285, %max3A_1293, %max3A_1301, %max3A_1309, %max3A_1317, %max3A_1325, %max3A_1333, %max3A_1276, %max3A_1284, %max3A_1292, %max3A_1300, %max3A_1308, %max3A_1316, %max3A_1324, %max3A_1332 : vector<16xf32>, vector<16xf32>, vector<16xf32>, vector<16xf32>, vector<16xf32>, vector<16xf32>, vector<16xf32>, vector<16xf32>, vector<16xf32>, vector<16xf32>, vector<16xf32>, vector<16xf32>, vector<16xf32>, vector<16xf32>, vector<16xf32>, vector<16xf32>
    }
    %scan3A_1052 = arith.constant 80 : i32
    %sub3A_1053 = arith.subf %scan3A_1051#0, %select_n3A_920 : vector<16xf32>
    %add3A_1054 = arith.constant 5.000000e-01 : f32
    %add3A_1055 = vector.broadcast %add3A_1054 : f32 to vector<16xf32>
    %add3A_1056 = arith.addf %sub3A_1053, %add3A_1055 : vector<16xf32>
    %max3A_1057 = arith.constant 0.000000e+00 : f32
    %max3A_1058 = vector.broadcast %max3A_1057 : f32 to vector<16xf32>
    %max3A_1059 = arith.maximumf %add3A_1056, %max3A_1058 : vector<16xf32>
    %sub3A_1060 = arith.subf %scan3A_1051#8, %select_n3A_920 : vector<16xf32>
    %add3A_1061 = arith.constant 5.000000e-01 : f32
    %add3A_1062 = vector.broadcast %add3A_1061 : f32 to vector<16xf32>
    %add3A_1063 = arith.addf %sub3A_1060, %add3A_1062 : vector<16xf32>
    %max3A_1064 = arith.constant 0.000000e+00 : f32
    %max3A_1065 = vector.broadcast %max3A_1064 : f32 to vector<16xf32>
    %max3A_1066 = arith.maximumf %add3A_1063, %max3A_1065 : vector<16xf32>
    %add3A_1067 = arith.addf %max3A_1059, %max3A_1066 : vector<16xf32>
    %add3A_1068 = arith.addf %broadcast_in_dim3A_12, %add3A_1067 : vector<16xf32>
    %sub3A_1069 = arith.subf %scan3A_1051#1, %select_n3A_938 : vector<16xf32>
    %add3A_1070 = arith.constant 5.000000e-01 : f32
    %add3A_1071 = vector.broadcast %add3A_1070 : f32 to vector<16xf32>
    %add3A_1072 = arith.addf %sub3A_1069, %add3A_1071 : vector<16xf32>
    %max3A_1073 = arith.constant 0.000000e+00 : f32
    %max3A_1074 = vector.broadcast %max3A_1073 : f32 to vector<16xf32>
    %max3A_1075 = arith.maximumf %add3A_1072, %max3A_1074 : vector<16xf32>
    %sub3A_1076 = arith.subf %scan3A_1051#9, %select_n3A_938 : vector<16xf32>
    %add3A_1077 = arith.constant 5.000000e-01 : f32
    %add3A_1078 = vector.broadcast %add3A_1077 : f32 to vector<16xf32>
    %add3A_1079 = arith.addf %sub3A_1076, %add3A_1078 : vector<16xf32>
    %max3A_1080 = arith.constant 0.000000e+00 : f32
    %max3A_1081 = vector.broadcast %max3A_1080 : f32 to vector<16xf32>
    %max3A_1082 = arith.maximumf %add3A_1079, %max3A_1081 : vector<16xf32>
    %add3A_1083 = arith.addf %max3A_1075, %max3A_1082 : vector<16xf32>
    %add3A_1084 = arith.addf %add3A_1068, %add3A_1083 : vector<16xf32>
    %sub3A_1085 = arith.subf %scan3A_1051#2, %select_n3A_956 : vector<16xf32>
    %add3A_1086 = arith.constant 5.000000e-01 : f32
    %add3A_1087 = vector.broadcast %add3A_1086 : f32 to vector<16xf32>
    %add3A_1088 = arith.addf %sub3A_1085, %add3A_1087 : vector<16xf32>
    %max3A_1089 = arith.constant 0.000000e+00 : f32
    %max3A_1090 = vector.broadcast %max3A_1089 : f32 to vector<16xf32>
    %max3A_1091 = arith.maximumf %add3A_1088, %max3A_1090 : vector<16xf32>
    %sub3A_1092 = arith.subf %scan3A_1051#10, %select_n3A_956 : vector<16xf32>
    %add3A_1093 = arith.constant 5.000000e-01 : f32
    %add3A_1094 = vector.broadcast %add3A_1093 : f32 to vector<16xf32>
    %add3A_1095 = arith.addf %sub3A_1092, %add3A_1094 : vector<16xf32>
    %max3A_1096 = arith.constant 0.000000e+00 : f32
    %max3A_1097 = vector.broadcast %max3A_1096 : f32 to vector<16xf32>
    %max3A_1098 = arith.maximumf %add3A_1095, %max3A_1097 : vector<16xf32>
    %add3A_1099 = arith.addf %max3A_1091, %max3A_1098 : vector<16xf32>
    %add3A_1100 = arith.addf %add3A_1084, %add3A_1099 : vector<16xf32>
    %sub3A_1101 = arith.subf %scan3A_1051#3, %select_n3A_974 : vector<16xf32>
    %add3A_1102 = arith.constant 5.000000e-01 : f32
    %add3A_1103 = vector.broadcast %add3A_1102 : f32 to vector<16xf32>
    %add3A_1104 = arith.addf %sub3A_1101, %add3A_1103 : vector<16xf32>
    %max3A_1105 = arith.constant 0.000000e+00 : f32
    %max3A_1106 = vector.broadcast %max3A_1105 : f32 to vector<16xf32>
    %max3A_1107 = arith.maximumf %add3A_1104, %max3A_1106 : vector<16xf32>
    %sub3A_1108 = arith.subf %scan3A_1051#11, %select_n3A_974 : vector<16xf32>
    %add3A_1109 = arith.constant 5.000000e-01 : f32
    %add3A_1110 = vector.broadcast %add3A_1109 : f32 to vector<16xf32>
    %add3A_1111 = arith.addf %sub3A_1108, %add3A_1110 : vector<16xf32>
    %max3A_1112 = arith.constant 0.000000e+00 : f32
    %max3A_1113 = vector.broadcast %max3A_1112 : f32 to vector<16xf32>
    %max3A_1114 = arith.maximumf %add3A_1111, %max3A_1113 : vector<16xf32>
    %add3A_1115 = arith.addf %max3A_1107, %max3A_1114 : vector<16xf32>
    %add3A_1116 = arith.addf %add3A_1100, %add3A_1115 : vector<16xf32>
    %sub3A_1117 = arith.subf %scan3A_1051#4, %select_n3A_992 : vector<16xf32>
    %add3A_1118 = arith.constant 5.000000e-01 : f32
    %add3A_1119 = vector.broadcast %add3A_1118 : f32 to vector<16xf32>
    %add3A_1120 = arith.addf %sub3A_1117, %add3A_1119 : vector<16xf32>
    %max3A_1121 = arith.constant 0.000000e+00 : f32
    %max3A_1122 = vector.broadcast %max3A_1121 : f32 to vector<16xf32>
    %max3A_1123 = arith.maximumf %add3A_1120, %max3A_1122 : vector<16xf32>
    %sub3A_1124 = arith.subf %scan3A_1051#12, %select_n3A_992 : vector<16xf32>
    %add3A_1125 = arith.constant 5.000000e-01 : f32
    %add3A_1126 = vector.broadcast %add3A_1125 : f32 to vector<16xf32>
    %add3A_1127 = arith.addf %sub3A_1124, %add3A_1126 : vector<16xf32>
    %max3A_1128 = arith.constant 0.000000e+00 : f32
    %max3A_1129 = vector.broadcast %max3A_1128 : f32 to vector<16xf32>
    %max3A_1130 = arith.maximumf %add3A_1127, %max3A_1129 : vector<16xf32>
    %add3A_1131 = arith.addf %max3A_1123, %max3A_1130 : vector<16xf32>
    %add3A_1132 = arith.addf %add3A_1116, %add3A_1131 : vector<16xf32>
    %sub3A_1133 = arith.subf %scan3A_1051#5, %select_n3A_1010 : vector<16xf32>
    %add3A_1134 = arith.constant 5.000000e-01 : f32
    %add3A_1135 = vector.broadcast %add3A_1134 : f32 to vector<16xf32>
    %add3A_1136 = arith.addf %sub3A_1133, %add3A_1135 : vector<16xf32>
    %max3A_1137 = arith.constant 0.000000e+00 : f32
    %max3A_1138 = vector.broadcast %max3A_1137 : f32 to vector<16xf32>
    %max3A_1139 = arith.maximumf %add3A_1136, %max3A_1138 : vector<16xf32>
    %sub3A_1140 = arith.subf %scan3A_1051#13, %select_n3A_1010 : vector<16xf32>
    %add3A_1141 = arith.constant 5.000000e-01 : f32
    %add3A_1142 = vector.broadcast %add3A_1141 : f32 to vector<16xf32>
    %add3A_1143 = arith.addf %sub3A_1140, %add3A_1142 : vector<16xf32>
    %max3A_1144 = arith.constant 0.000000e+00 : f32
    %max3A_1145 = vector.broadcast %max3A_1144 : f32 to vector<16xf32>
    %max3A_1146 = arith.maximumf %add3A_1143, %max3A_1145 : vector<16xf32>
    %add3A_1147 = arith.addf %max3A_1139, %max3A_1146 : vector<16xf32>
    %add3A_1148 = arith.addf %add3A_1132, %add3A_1147 : vector<16xf32>
    %sub3A_1149 = arith.subf %scan3A_1051#6, %select_n3A_1028 : vector<16xf32>
    %add3A_1150 = arith.constant 5.000000e-01 : f32
    %add3A_1151 = vector.broadcast %add3A_1150 : f32 to vector<16xf32>
    %add3A_1152 = arith.addf %sub3A_1149, %add3A_1151 : vector<16xf32>
    %max3A_1153 = arith.constant 0.000000e+00 : f32
    %max3A_1154 = vector.broadcast %max3A_1153 : f32 to vector<16xf32>
    %max3A_1155 = arith.maximumf %add3A_1152, %max3A_1154 : vector<16xf32>
    %sub3A_1156 = arith.subf %scan3A_1051#14, %select_n3A_1028 : vector<16xf32>
    %add3A_1157 = arith.constant 5.000000e-01 : f32
    %add3A_1158 = vector.broadcast %add3A_1157 : f32 to vector<16xf32>
    %add3A_1159 = arith.addf %sub3A_1156, %add3A_1158 : vector<16xf32>
    %max3A_1160 = arith.constant 0.000000e+00 : f32
    %max3A_1161 = vector.broadcast %max3A_1160 : f32 to vector<16xf32>
    %max3A_1162 = arith.maximumf %add3A_1159, %max3A_1161 : vector<16xf32>
    %add3A_1163 = arith.addf %max3A_1155, %max3A_1162 : vector<16xf32>
    %add3A_1164 = arith.addf %add3A_1148, %add3A_1163 : vector<16xf32>
    %sub3A_1165 = arith.subf %scan3A_1051#7, %select_n3A_1046 : vector<16xf32>
    %add3A_1166 = arith.constant 5.000000e-01 : f32
    %add3A_1167 = vector.broadcast %add3A_1166 : f32 to vector<16xf32>
    %add3A_1168 = arith.addf %sub3A_1165, %add3A_1167 : vector<16xf32>
    %max3A_1169 = arith.constant 0.000000e+00 : f32
    %max3A_1170 = vector.broadcast %max3A_1169 : f32 to vector<16xf32>
    %max3A_1171 = arith.maximumf %add3A_1168, %max3A_1170 : vector<16xf32>
    %sub3A_1172 = arith.subf %scan3A_1051#15, %select_n3A_1046 : vector<16xf32>
    %add3A_1173 = arith.constant 5.000000e-01 : f32
    %add3A_1174 = vector.broadcast %add3A_1173 : f32 to vector<16xf32>
    %add3A_1175 = arith.addf %sub3A_1172, %add3A_1174 : vector<16xf32>
    %max3A_1176 = arith.constant 0.000000e+00 : f32
    %max3A_1177 = vector.broadcast %max3A_1176 : f32 to vector<16xf32>
    %max3A_1178 = arith.maximumf %add3A_1175, %max3A_1177 : vector<16xf32>
    %add3A_1179 = arith.addf %max3A_1171, %max3A_1178 : vector<16xf32>
    %add3A_1180 = arith.addf %add3A_1164, %add3A_1179 : vector<16xf32>
    %mul3A_1181 = arith.constant 2.000000e+00 : f32
    %mul3A_1182 = vector.broadcast %mul3A_1181 : f32 to vector<16xf32>
    %mul3A_1183 = arith.mulf %add3A_1180, %mul3A_1182 : vector<16xf32>
    %swap3A = arith.constant 0 : index
    %swap3A_1184 = tpu.vector_load %arg8[%swap3A] {strides = array<i32>} : memref<16xf32, #tpu.memory_space<vmem>>, vector<16xf32>,
    tpu.vector_store %arg8[%swap3A], %mul3A_1183 {strides = array<i32>} : memref<16xf32, #tpu.memory_space<vmem>>, vector<16xf32>,
    %mul3A_1185 = arith.constant 16 : i32
    %mul3A_1186 = arith.muli %add3A, %mul3A_1185 : i32
    "tpu.region"() ({
      %run_scoped3A = tpu.sem_alloc : memref<!tpu.dma_semaphore, #tpu.memory_space<semaphore_mem>>
      %dma_start3A_1187 = tpu.memref_slice %arg4[%mul3A_1186] : memref<512xf32, #tpu.memory_space<hbm>> -> memref<16xf32, #tpu.memory_space<hbm>>
      %dma_start3A_1188 = tpu.memref_slice %arg4[%mul3A_1186] : memref<512xf32, #tpu.memory_space<hbm>> -> memref<16xf32, #tpu.memory_space<hbm>>
      tpu.enqueue_dma source(%arg8 : memref<16xf32, #tpu.memory_space<vmem>>) target(%dma_start3A_1188 : memref<16xf32, #tpu.memory_space<hbm>>) target_semaphore(%run_scoped3A : memref<!tpu.dma_semaphore, #tpu.memory_space<semaphore_mem>>)
      %dma_wait3A_1189 = tpu.memref_slice %arg4[%mul3A_1186] : memref<512xf32, #tpu.memory_space<hbm>> -> memref<16xf32, #tpu.memory_space<hbm>>
      %dma_wait3A_1190 = tpu.memref_slice %arg4[%mul3A_1186] : memref<512xf32, #tpu.memory_space<hbm>> -> memref<16xf32, #tpu.memory_space<hbm>>
      tpu.wait_dma2 semaphore(%run_scoped3A : memref<!tpu.dma_semaphore, #tpu.memory_space<semaphore_mem>>) src(%arg8 : memref<16xf32, #tpu.memory_space<vmem>>) dst(%dma_wait3A_1190 : memref<16xf32, #tpu.memory_space<hbm>>)
      tpu.yield
    }) : () -> ()
    return
  }
}

</mosaic_0001>

<sc_bundles>
// kernel: kernel.3.cloned.1.call-start
scs
__scs_entry_jumppad:
0x0: {  	(pc) =	sbr.rel $0x88, $3  }
0x1: {  	(tag) =	ssettag $0x0;
	lr =	simm.s32 $0x1  }
0x2: {  	[smem:$0x3F9F] =	sst lr;
	_ =	strace $0xD0000000  }
0x3: {  	_ = 	snop  }
0x4: {  	_ = 	snop  }
0x5: {  	_ = 	snop  }
0x6: {  	_ = 	snop  }
0x7: {  	_ = 	snop  }
__scs_overlays_trampoline_lowered:
0x8: {  	[smem:$0x3FAE] =	sst s0  }
0x9: {  	[smem:$0x3FAF] =	sst s1  }
0xa: {  	[smem:$0x3FB0] =	sst s2  }
0xb: {  	[smem:$0x3FB1] =	sst s3  }
0xc: {  	[smem:$0x3FB2] =	sst s4  }
0xd: {  	[smem:$0x3FB3] =	sst s5  }
0xe: {  	[smem:$0x3FB4] =	sst s6  }
0xf: {  	[smem:$0x3FB5] =	sst s7  }
0x10: {  	[smem:$0x3FB6] =	sst s8  }
0x11: {  	[smem:$0x3FB7] =	sst s9;
	s0 =	simm.s32 @!p0 $0x0  }
0x12: {  	s1 =	sld [smem:$0x3F9D];
	s0 =	simm.s32 @p0 $0x1  }
0x13: {  	[smem:$0x3FB8] =	sst s0;
	s0 =	simm.s32 @!p1 $0x0  }
0x14: {  	s2 =	sld [smem:$0x3F9C];
	s0 =	simm.s32 @p1 $0x1  }
0x15: {  	[smem:$0x3FB9] =	sst s0;
	s0 =	simm.s32 @!p2 $0x0  }
0x16: {  	s3 =	sld [smem:$0x3FDB];
	s0 =	simm.s32 @p2 $0x1  }
0x17: {  	s4 =	simm.s32 $0x1BF5;
	[smem:$0x3FBB] =	sst s0  }
0x18: {  	s0 =	sld [smem:$0x3F9E];
	_ =	swait.ge [sflag:s4], $0x0  }
0x19: {  	s7 =	sld [smem:$0x3F9F]  }
0x1a: {  	s8 =	sadd.s32 $0xFFFFE003, lr  }
0x1b: {  	s9 =	sadd.s32 $0xFFFFFEF7, lr;
	s5 =	simm.s32 $0xFFFFFFFF;
	p2 =	slt.u32 s8, $0xFFFFF086  }
0x1c: {  	p1 =	slt.u32 s9, $0xF7A;
	s5 =	simm.s32 @!p2 $0x0  }
0x1d: {  	s5 =	simm.s32 @p1 $0x1;
	p0 =	seq.s32 s7, s2  }
0x1e: {  	s7 =	smul.u32 @!p0 $0xF7A, s2;
	p2 =	seq.s32 @!p0 s5, $0x0  }
0x1f: {  	s9 =	smul.u32 $0xF7A, s1;
	s8 =	simm.s32 @!p0 $0x1BF5;
	p2 =	por !p2, p0  }
0x20: {  	[sflag:s8] =	ssyncset.s32 @!p0 $0xFFFFF086;
	s6 =	sadd.s32 @!p0 s3, s7;
	s7 =	simm.s32 @!p0 $0x108  }
0x21: {  	s3 =	sadd.s32 s3, s9;
	s6 =	sadd.s32 @!p0 $0x88, s6;
	s7 =	simm.s32 @p2 $0x1082  }
0x22: {  	[simem:s7], [sflag:s8] =	dma.local @!p0 [hbm:s6], $0xF7A  }
0x23: {  	s9 =	sor.u32 $0xD0000000, s2;
	s6 =	simm.s32 $0x108;
	_ =	swait.ge @!p0 [sflag:s8], $0x0  }
0x24: {  	s3 =	sadd.s32 $0x88, s3;
	s6 =	simm.s32 @!p1 $0x1082;
	[sflag:s4] =	ssyncset.s32 $0xFFFFF086  }
0x25: {  	[simem:s6], [sflag:s4] =	dma.local [hbm:s3], $0xF7A  }
0x26: {  	[smem:$0x3F9F] =	sst s1;
	(tag) =	ssettag s2;
	_ =	strace s9  }
0x27: {  	s1 =	sld [smem:$0x3FAF]  }
0x28: {  	s2 =	sld [smem:$0x3FB0]  }
0x29: {  	s4 =	sld [smem:$0x3FB2]  }
0x2a: {  	p0 =	seq.s32 s5, $0x0;
	s5 =	sld [smem:$0x3FB3]  }
0x2b: {  	s6 =	sld [smem:$0x3FB4]  }
0x2c: {  	s7 =	sld [smem:$0x3FB5]  }
0x2d: {  	s3 =	simm.s32 $0x108;
	s8 =	sld [smem:$0x3FB6]  }
0x2e: {  	s3 =	simm.s32 @!p0 $0x1082;
	s9 =	sld [smem:$0x3FB7]  }
0x2f: {  	lr =	sadd.s32 s0, s3;
	s0 =	sld [smem:$0x3FAE]  }
0x30: {  	s3 =	sld [smem:$0x3FB1]  }
0x31: {  	[smem:$0x3FBA] =	sst s10  }
0x32: {  	s10 =	sld [smem:$0x3FB8];
	_ =	sdelay $0x3  }
0x33: {  	p0 =	seq.s32 s10, $0x1;
	s10 =	sld [smem:$0x3FBA];
	_ =	sdelay $0x3  }
0x34: {  	[smem:$0x3FBA] =	sst s10  }
0x35: {  	s10 =	sld [smem:$0x3FB9];
	_ =	sdelay $0x3  }
0x36: {  	p1 =	seq.s32 s10, $0x1;
	s10 =	sld [smem:$0x3FBA];
	_ =	sdelay $0x3  }
0x37: {  	[smem:$0x3FBA] =	sst s10  }
0x38: {  	s10 =	sld [smem:$0x3FBB]  }
0x39: {  	_ = 	snop;
	(pc) =	sbr.ind lr, $3  }
0x3a: {  	_ = 	snop  }
0x3b: {  	_ = 	snop  }
0x3c: {  	p2 =	seq.s32 s10, $0x1;
	s10 =	sld [smem:$0x3FBA]  }
0x3d: {  	_ =	shalt  }
0x3e: {  	_ =	shalt  }
0x3f: {  	_ =	shalt  }
0x40: {  	_ =	shalt  }
0x41: {  	_ =	shalt  }
0x42: {  	_ =	shalt  }
0x43: {  	_ =	shalt  }
0x44: {  	_ =	shalt  }
0x45: {  	_ =	shalt  }
0x46: {  	_ =	shalt  }
0x47: {  	_ =	shalt  }
0x48: {  	_ =	shalt  }
0x49: {  	_ =	shalt  }
0x4a: {  	_ =	shalt  }
0x4b: {  	_ =	shalt  }
0x4c: {  	_ =	shalt  }
0x4d: {  	_ =	shalt  }
0x4e: {  	_ =	shalt  }
0x4f: {  	_ =	shalt  }
0x50: {  	_ =	shalt  }
0x51: {  	_ =	shalt  }
0x52: {  	_ =	shalt  }
0x53: {  	_ =	shalt  }
0x54: {  	_ =	shalt  }
0x55: {  	_ =	shalt  }
0x56: {  	_ =	shalt  }
0x57: {  	_ =	shalt  }
0x58: {  	_ =	shalt  }
0x59: {  	_ =	shalt  }
0x5a: {  	_ =	shalt  }
0x5b: {  	_ =	shalt  }
0x5c: {  	_ =	shalt  }
0x5d: {  	_ =	shalt  }
0x5e: {  	_ =	shalt  }
0x5f: {  	_ =	shalt  }
0x60: {  	_ =	shalt  }
0x61: {  	_ =	shalt  }
0x62: {  	_ =	shalt  }
0x63: {  	_ =	shalt  }
0x64: {  	_ =	shalt  }
0x65: {  	_ =	shalt  }
0x66: {  	_ =	shalt  }
0x67: {  	_ =	shalt  }
0x68: {  	_ =	shalt  }
0x69: {  	_ =	shalt  }
0x6a: {  	_ =	shalt  }
0x6b: {  	_ =	shalt  }
0x6c: {  	_ =	shalt  }
0x6d: {  	_ =	shalt  }
0x6e: {  	_ =	shalt  }
0x6f: {  	_ =	shalt  }
0x70: {  	_ =	shalt  }
0x71: {  	_ =	shalt  }
0x72: {  	_ =	shalt  }
0x73: {  	_ =	shalt  }
0x74: {  	_ =	shalt  }
0x75: {  	_ =	shalt  }
0x76: {  	_ =	shalt  }
0x77: {  	_ =	shalt  }
0x78: {  	_ =	shalt  }
0x79: {  	_ =	shalt  }
0x7a: {  	_ =	shalt  }
0x7b: {  	_ =	shalt  }
0x7c: {  	_ =	shalt  }
0x7d: {  	_ =	shalt  }
0x7e: {  	_ =	shalt  }
0x7f: {  	_ =	shalt  }
0x80: {  	_ =	shalt  }
0x81: {  	_ =	shalt  }
0x82: {  	_ =	shalt  }
0x83: {  	_ =	shalt  }
0x84: {  	_ =	shalt  }
0x85: {  	_ =	shalt  }
0x86: {  	_ =	shalt  }
0x87: {  	_ =	shalt  }
.Lfunc_end0:
.L_simem_size_0:
called_computation_lowered:
.L_overlay_start_0:
0x88: {  	s2 =	sld [smem:$0x3FD9]  }
0x89: {  	s3 =	sld [smem:$0x3FFE];
	_ =	sdelay $0x1  }
0x8a: {  	s1 =	srdreg.scid  }
0x8b: {  	s0 =	sand.u32 $0x1, s1  }
0x8c: {  	s17 =	sshll.u32 s0, $0xA;
	s2 =	sadd.s32 s3, s2  }
0x8d: {  	s2 =	sadd.s32 s2, s17  }
0x8e: {  	[smem:$0x3FC6] =	sst s2  }
0x8f: {  	_ = 	snop  }
0x90: {  	s2 =	sld [smem:$0x3FC9]  }
0x91: {  	s18 =	sld [smem:$0x3FC8];
	(tm) =	ssettm $0x1  }
0x92: {  	s4 =	sld [smem:$0x3FFB];
	_ =	sdelay $0x3  }
0x93: {  	_ =	strace s4  }
0x94: {  	s4 =	sld [smem:$0x3FFC];
	_ =	sdelay $0x3  }
0x95: {  	_ =	strace s4  }
0x96: {  	s4 =	sld [smem:$0x3FFD];
	_ =	sdelay $0x3  }
0x97: {  	_ =	strace s4  }
0x98: {  	_ =	strace $0x8FFFFFFF  }
0x99: {  	s19 =	sld [smem:$0x3FDB];
	_ =	sdelay $0x1  }
0x9a: {  	s5 =	simm.s32 $_scs_section_size  }
0x9b: {  	s6 =	simm.s32 $_size__tile_overlayer_lowered;
	s7 =	simm.s32 $_tile_overlayer_lowered  }
0x9c: {  	s22 =	simm.s32 $0x1BFF;
	s21 =	sshll.u32 s7, $0x1;
	s4 =	sadd.s32 s5, s19  }
0x9d: {  	s8 =	simm.s32 $0x0;
	s20 =	sshll.u32 s6, $0x1;
	s6 =	sadd.s32 s21, s4  }
0x9e: {  	[timem:s8], [sflag:s22] =	dma.local [hbm:s6], s20  }
0x9f: {  	_ =	swait.ge [sflag:s22], s20  }
0xa0: {  	s5 =	ssub.s32 $0x0, s20;
	[sflag:s22] =	ssyncset.done $0x0  }
0xa1: {  	[sflag:s22] =	ssyncadd.s32 s5;
	_ =	sdelay $0x1  }
0xa2: {  	s23 =	simm.s32 $0x1B8B  }
0xa3: {  	_ =	swait.ge [sflag:s23], $0x1  }
0xa4: {  	[sflag:s23] =	ssyncset.done $0x0  }
0xa5: {  	s25 =	simm.s32 $0x1B8E;
	s24 =	sld [smem:$0x3FFE];
	[sflag:s23] =	ssyncadd.s32 $0xFFFFFFFF  }
0xa6: {  	s26 =	simm.s32 $execute0_lowered;
	[smem:$0x3FD2] =	sst s25  }
0xa7: {  	s6 =	sshll.u32 s26, $0x1;
	_ =	strace $0x80000046;
	[dreg:$0x1] =	wrdreg $0xFFFFFFFF  }
0xa8: {  	s28 =	simm.s32 $_size_execute0_lowered;
	s4 =	sadd.s32 s4, s6;
	[dreg:$0x0] =	wrdreg $0x0  }
0xa9: {  	s6 =	sshll.u32 s28, $0x1;
	[dreg:$0x2] =	wrdreg s4  }
0xaa: {  	[dreg:$0x3] =	wrdreg s6  }
0xab: {  	[dreg:$0x4] =	wrdreg $0xC0  }
0xac: {  	_ =	task [dreg:s8], $0x5FFFF  }
0xad: {  	[dreg:$0x1] =	wrdreg $0xFFFFFFFF  }
0xae: {  	[dreg:$0x0] =	wrdreg $0x60  }
0xaf: {  	[dreg:$0x2] =	wrdreg s2  }
0xb0: {  	[dreg:$0x3] =	wrdreg s18  }
0xb1: {  	[dreg:$0x4] =	wrdreg s24  }
0xb2: {  	[dreg:$0x5] =	wrdreg $0x9  }
0xb3: {  	_ =	task.clear_ibuf [dreg:s8], $0x6FFFF;
	_ =	strace $0x90000046  }
0xb4: {  	s29 =	simm.s32 $0x9;
	_ =	strace $0x80000048  }
0xb5: {  	_ =	swait.ge [sflag:s29], $0x1  }
0xb6: {  	[sflag:s29] =	ssyncadd.s32 $0xFFFFFFFF  }
0xb7: {  	_ =	strace $0x90000048  }
0xb8: {  	_ =	sfence  }
0xb9: {  	s30 =	sld [smem:$0x0];
	_ =	sdelay $0x2  }
0xba: {  	s31 =	sshll.u32 s1, $0xD;
	s1 =	sshrl.u32 s1, $0x2  }
0xbb: {  	s3 =	sand.u32 $0x4000, s31;
	s1 =	sadd.s32 s1, s30  }
0xbc: {  	s0 =	sor.u32 s3, s0;
	s1 =	sshll.u32 s1, $0x11  }
0xbd: {  	s0 =	sor.u32 s1, s0  }
0xbe: {  	s0 =	sadd.s32 $0x8F2B, s0  }
0xbf: {  	[sflag:s0] =	ssyncadd.remote.s32 $0x1  }
0xc0: {  	_ =	sfence.sel $0xFFFF  }
0xc1: {  	[dreg:$0x0] =	wrdreg $0xFFFFFFFF;
	(pc) =	sbr.abs _section_cstart, $3  }
0xc2: {  	[dreg:$0x1] =	wrdreg $0xFFFFFFFF  }
0xc3: {  	_ =	task.clear_ibuf [dreg:s8], $0x2FFFF;
	_ =	strace $0x9FFFFFFF  }
0xc4: {  	(tm) =	ssettm $0x7FFFFFFF  }
0xc5: {  	_ =	shalt  }
tec
execute0_lowered:
.L_overlay_start_1:
0x0: {  	(tag) =	ssettag $0x1  }
0x1: {  	s3 =	rddreg [dreg:$0x0]  }
0x2: {  	s4 =	rddreg [dreg:$0x1]  }
0x3: {  	s10 =	rddreg [dreg:$0x2]  }
0x4: {  	s0 =	rddreg [dreg:$0x3]  }
0x5: {  	s5 =	srdreg.scid;
	s1 =	stileid.u32  }
0x6: {  	s2 =	simm.s32 $0x0;
	s13 =	simm.s32 $0x3;
	s14 =	simm.s32 $0x400  }
0x7: {  	s15 =	simm.s32 $0x8000;
	s16 =	simm.s32 $0x1;
	s17 =	simm.s32 $0x6400  }
0x8: {  	s18 =	simm.s32 $0x2;
	s19 =	simm.s32 $0xC880;
	s20 =	simm.s32 $0x0  }
0x9: {  	s5 =	sand.u32 $0x1, s5;
	s6 =	sshll.u32 s1, $0x1;
	[smem:$0x7FF] =	sst s2  }
0xa: {  	s7 =	ssub.s32 $0x2, s5;
	s9 =	sor.u32 s5, s6;
	_ =	strace $0x80000047  }
0xb: {  	s30 =	sshrl.u32 s7, $0x1;
	s6 =	sshll.u32 s9, $0x7;
	s31 =	sshll.u32 s9, $0x4  }
0xc: {  	v56 =	vlaneseq.u32;
	s12 =	sshll.u32 s9, $0x1;
	s11 =	ssub.s32 s7, s30;
	s3 =	sadd.s32 s3, s6  }
0xd: {  	v1 =	vimm.f32 $0.0e+00;
	v2 =	vor.u32 $0x10, v56;
	s4 =	sadd.s32 s4, s31;
	s10 =	sadd.s32 s10, s12;
	s12 =	simm.s32 $0xC800  }
0xe: {  	v3 =	vor.u32 $0x20, v56;
	v4 =	vor.u32 $0x30, v56;
	v5 =	vor.u32 $0x40, v56;
	s5 =	sadd.s32 $0x5000, s3;
	s6 =	sadd.s32 $0x1E000, s3;
	s7 =	sadd.s32 $0x37000, s3  }
0xf: {  	v6 =	vor.u32 $0x50, v56;
	v7 =	vor.u32 $0x60, v56;
	v8 =	vor.u32 $0x70, v56;
	s8 =	sadd.s32 $0x50000, s3;
	s9 =	sadd.s32 $0x69000, s3;
	s11 =	smax.u32 s11, $0x1  }
.LBB2_1:
0x10: {  	[tilespmem:s12], [sflag:$0x3] =	stream.linear.gather [hbm4b:s4+s2], $0x80, $0x38;
	[tilespmem:$0xC900] =	vst v63  }
0x11: {  	_ =	swait.ge [sflag:s13], $0x80  }
0x12: {  	[sflag:s13] =	ssyncset.done $0x0  }
0x13: {  	[sflag:s13] =	ssyncadd.s32 $0xFFFFFF80  }
0x14: {  	[tilespmem:s2], [sflag:$0x1] =	stream.strided.gather [hbm4b:s3+s14], $0x1400, s15, s14, $0x38;
	[tilespmem:$0xC900] =	vst v63  }
0x15: {  	v24 =	vld [tilespmem:$0xC800];
	_ =	sdelay $0x3  }
0x16: {  	v23 =	vld [tilespmem:$0xC810]  }
0x17: {  	v22 =	vld [tilespmem:$0xC820];
	vm0 =	vgt.s32 v24, $0x0  }
0x18: {  	v21 =	vld [tilespmem:$0xC830];
	v0 =	vnsel vm0, $0x0, v24  }
0x19: {  	v20 =	vld [tilespmem:$0xC840];
	v0 =	vmin.u32 v0, $0x27  }
0x1a: {  	v19 =	vld [tilespmem:$0xC850];
	vm1 =	vlt.u32 v24, $0x28;
	v0 =	vshll.u32 v0, $0x7  }
0x1b: {  	v18 =	vld [tilespmem:$0xC860];
	v0 =	vor.u32 v56, v0  }
0x1c: {  	v17 =	vld [tilespmem:$0xC870];
	_ =	swait.ge [sflag:s16], $0x1400  }
0x1d: {  	[sflag:s16] =	ssyncset.done $0x0;
	vm5 =	vgt.s32 v23, $0x0  }
0x1e: {  	[sflag:s16] =	ssyncadd.s32 $0xFFFFEC00;
	v9 =	vnsel vm5, $0x0, v23  }
0x1f: {  	[tilespmem:s17], [sflag:$0x2] =	stream.strided.gather [hbm4b:s5+s14], $0x6400, s15, s14, $0x38;
	v9 =	vmin.u32 v9, $0x27;
	[tilespmem:$0xC900] =	vst v63  }
0x20: {  	vm2 =	vlt.u32 v23, $0x28;
	v9 =	vshll.u32 v9, $0x7;
	v12 =	vld.idx.msk [tilespmem:v0+s2+$0x0], vm1  }
0x21: {  	v9 =	vor.u32 v2, v9  }
0x22: {  	vm7 =	vgt.s32 v21, $0x0  }
0x23: {  	vm6 =	vgt.s32 v22, $0x0;
	vm3 =	vlt.u32 v22, $0x28;
	v11 =	vnsel vm7, $0x0, v21  }
0x24: {  	vm8 =	vgt.s32 v20, $0x0;
	v10 =	vnsel vm6, $0x0, v22;
	v11 =	vmin.u32 v11, $0x27;
	[tilespmem:v0+s2+$0x0] =	vst.idx.msk vm1, v1  }
0x25: {  	v10 =	vmin.u32 v10, $0x27;
	v11 =	vshll.u32 v11, $0x7;
	[tilespmem:$0x1FF00] =	vst v12;
	v12 =	vnsel vm8, $0x0, v20  }
0x26: {  	v10 =	vshll.u32 v10, $0x7;
	v0 =	vor.u32 v4, v11;
	v11 =	vmin.u32 v12, $0x27;
	v12 =	vld.idx.msk [tilespmem:v9+s2+$0x0], vm2  }
0x27: {  	v10 =	vor.u32 v3, v10;
	_ =	sdelay $0x2  }
0x28: {  	vm9 =	vgt.s32 v19, $0x0;
	[tilespmem:v9+s2+$0x0] =	vst.idx.msk vm2, v1  }
0x29: {  	v11 =	vshll.u32 v11, $0x7;
	[tilespmem:$0x1FF20] =	vst v12;
	v12 =	vnsel vm9, $0x0, v19  }
0x2a: {  	vm4 =	vlt.u32 v21, $0x28;
	v9 =	vor.u32 v5, v11;
	v11 =	vmin.u32 v12, $0x27;
	v12 =	vld.idx.msk [tilespmem:v10+s2+$0x0], vm3;
	_ =	sdelay $0x3  }
0x2b: {  	vm11 =	vgt.s32 v18, $0x0;
	[tilespmem:v10+s2+$0x0] =	vst.idx.msk vm3, v1  }
0x2c: {  	v11 =	vshll.u32 v11, $0x7;
	[tilespmem:$0x1FF40] =	vst v12;
	v12 =	vnsel vm11, $0x0, v18  }
0x2d: {  	v10 =	vor.u32 v6, v11;
	v11 =	vmin.u32 v12, $0x27;
	v12 =	vld.idx.msk [tilespmem:v0+s2+$0x0], vm4  }
0x2e: {  	vm10 =	vlt.u32 v20, $0x28  }
0x2f: {  	v13 =	vimm.s32 $0x0  }
0x30: {  	v13 =	vsel vm1, $0xFFFFFFFF, v13  }
0x31: {  	vm12 =	vlt.u32 v19, $0x28;
	vm13 =	vgt.s32 v17, $0x0;
	vm14 =	vlt.u32 v18, $0x28;
	[tilespmem:$0x1FF10] =	vst v13  }
0x32: {  	v13 =	vimm.s32 $0x0;
	v11 =	vshll.u32 v11, $0x7;
	[tilespmem:$0x1FF60] =	vst v12;
	v12 =	vnsel vm13, $0x0, v17  }
0x33: {  	v13 =	vsel vm2, $0xFFFFFFFF, v13;
	[tilespmem:v0+s2+$0x0] =	vst.idx.msk vm4, v1;
	v0 =	vor.u32 v7, v11;
	v11 =	vmin.u32 v12, $0x27  }
0x34: {  	vm15 =	vlt.u32 v17, $0x28;
	[tilespmem:$0x1FF30] =	vst v13;
	v13 =	vimm.s32 $0x0;
	v12 =	vld.idx.msk [tilespmem:v9+s2+$0x0], vm10;
	v11 =	vshll.u32 v11, $0x7  }
0x35: {  	v13 =	vsel vm3, $0xFFFFFFFF, v13;
	[tilespmem:v9+s2+$0x0] =	vst.idx.msk vm10, v1;
	v9 =	vor.u32 v8, v11  }
0x36: {  	[tilespmem:$0x1FF50] =	vst v13  }
0x37: {  	v11 =	vld.idx.msk [tilespmem:v10+s2+$0x0], vm12;
	[tilespmem:v10+s2+$0x0] =	vst.idx.msk vm12, v1  }
0x38: {  	v10 =	vld.idx.msk [tilespmem:v0+s2+$0x0], vm14;
	[tilespmem:v0+s2+$0x0] =	vst.idx.msk vm14, v1  }
0x39: {  	[tilespmem:$0x1FF80] =	vst v12;
	v12 =	vimm.s32 $0x0  }
0x3a: {  	s21 =	simm.s32 $0x0;
	v13 =	vimm.s32 $0x0;
	v12 =	vsel vm10, $0xFFFFFFFF, v12;
	v0 =	vld.idx.msk [tilespmem:v9+s2+$0x0], vm15;
	[tilespmem:v9+s2+$0x0] =	vst.idx.msk vm15, v1  }
0x3b: {  	v13 =	vsel vm4, $0xFFFFFFFF, v13;
	[tilespmem:$0x1FF90] =	vst v12;
	v12 =	vld [tilespmem:s21+$0x70]  }
0x3c: {  	[tilespmem:$0x1FF70] =	vst v13;
	v13 =	vld [tilespmem:s21+$0x30]  }
0x3d: {  	v14 =	vld [tilespmem:s21+$0x60]  }
0x3e: {  	[tilespmem:$0x1FFA0] =	vst v11;
	v11 =	vimm.s32 $0x0;
	v16 =	vld [tilespmem:s21+$0x0]  }
0x3f: {  	v11 =	vsel vm12, $0xFFFFFFFF, v11;
	v40 =	vld [tilespmem:s21+$0xD0];
	[tilespmem:$0x1FFE0] =	vst v0;
	v0 =	vimm.s32 $0x0  }
0x40: {  	[tilespmem:$0x1FFB0] =	vst v11;
	v11 =	vld [tilespmem:s21+$0x50];
	v0 =	vsel vm15, $0xFFFFFFFF, v0  }
0x41: {  	v35 =	vimm.f32 $-Inf;
	v28 =	vimm.f32 $-Inf;
	v27 =	vimm.f32 $-Inf;
	[tilespmem:$0x1FFF0] =	vst v0;
	v0 =	vld [tilespmem:s21+$0x20]  }
0x42: {  	v41 =	vimm.f32 $-Inf;
	v42 =	vimm.f32 $-Inf;
	[tilespmem:$0x1FFC0] =	vst v10;
	v10 =	vimm.s32 $0x0;
	v9 =	vld [tilespmem:s21+$0xA0]  }
0x43: {  	v10 =	vsel vm14, $0xFFFFFFFF, v10;
	v37 =	vmin.f32 v35, v13;
	v44 =	vmin.f32 v35, v14  }
0x44: {  	[tilespmem:$0x1FFD0] =	vst v10;
	v10 =	vld [tilespmem:s21+$0xF0];
	v29 =	vmax.f32 v35, v14;
	v43 =	vmin.f32 v35, v16;
	v45 =	vmin.f32 v35, v12  }
0x45: {  	v38 =	vld [tilespmem:s21+$0xE0];
	v14 =	vimm.f32 $-Inf;
	v39 =	vmin.f32 v35, v11;
	v32 =	vmax.f32 v35, v11  }
0x46: {  	v11 =	vld [tilespmem:s21+$0x10];
	v31 =	vmin.f32 v32, v40;
	v15 =	vmin.f32 v35, v0;
	v0 =	vmax.f32 v35, v0  }
0x47: {  	v26 =	vld [tilespmem:s21+$0xB0];
	v15 =	vmax.f32 v35, v15;
	v25 =	vmin.f32 v0, v9;
	v36 =	vmax.f32 v0, v9  }
0x48: {  	v30 =	vld [tilespmem:s21+$0x90];
	v33 =	vmax.f32 v15, v25;
	v25 =	vmax.f32 v35, v13;
	v13 =	vmax.f32 v35, v12  }
0x49: {  	v9 =	vmax.f32 v35, v16;
	v16 =	vimm.f32 $-Inf;
	v15 =	vld [tilespmem:s21+$0x40];
	v0 =	vmin.f32 v13, v10  }
0x4a: {  	s22 =	simm.s32 $0x400;
	v12 =	vld [tilespmem:s21+$0x80];
	v34 =	vmax.f32 v13, v10;
	v10 =	vimm.f32 $-Inf;
	v13 =	vimm.f32 $-Inf  }
.LBB2_2:
0x4b: {  	p0 =	sne.s32 s22, $0x4C00;
	v46 =	vmax.f32 v35, v11;
	v28 =	vmax.f32 v28, v44;
	v44 =	vld [tilespmem:s21+$0xC0];
	s21 =	sshra.s32 s22, $0x2;
	s22 =	sadd.s32 $0x400, s22;
	v32 =	vmax.f32 v32, v40  }
0x4c: {  	v27 =	vmax.f32 v27, v45;
	v47 =	vmin.f32 v29, v38;
	v40 =	vld [tilespmem:s21+$0x20];
	v45 =	vmax.f32 v25, v26  }
0x4d: {  	v41 =	vmax.f32 v41, v43;
	v10 =	vmax.f32 v10, v39;
	v28 =	vmax.f32 v28, v47;
	v48 =	vld [tilespmem:s21+$0xF0]  }
0x4e: {  	v29 =	vmax.f32 v29, v38;
	v10 =	vmax.f32 v10, v31;
	v39 =	vmax.f32 v14, v15;
	v43 =	vld [tilespmem:s21+$0xA0]  }
0x4f: {  	v37 =	vmax.f32 v42, v37;
	v27 =	vmax.f32 v27, v0;
	v31 =	vld [tilespmem:s21+$0x70];
	v38 =	vmin.f32 v46, v30  }
0x50: {  	v11 =	vmin.f32 v35, v11;
	v25 =	vmin.f32 v25, v26;
	v47 =	vmax.f32 v9, v12;
	v0 =	vld [tilespmem:s21+$0x60]  }
0x51: {  	v11 =	vmax.f32 v16, v11;
	v35 =	vmax.f32 v46, v30;
	v30 =	vmin.f32 v39, v44;
	v26 =	vld [tilespmem:s21+$0x50]  }
0x52: {  	v14 =	vmin.f32 v14, v15;
	v16 =	vmin.f32 v36, v40;
	v36 =	vmax.f32 v36, v40;
	v46 =	vld [tilespmem:s21+$0x30]  }
0x53: {  	v13 =	vmax.f32 v13, v14;
	v15 =	vmax.f32 v33, v16;
	v16 =	vmin.f32 v36, v43;
	v40 =	vld [tilespmem:s21+$0xD0]  }
0x54: {  	v42 =	vmax.f32 v37, v25;
	v49 =	vld [tilespmem:s21+$0x0];
	v33 =	vmax.f32 v15, v16;
	v16 =	vmax.f32 v11, v38  }
0x55: {  	v9 =	vmin.f32 v9, v12;
	v14 =	vmax.f32 v39, v44;
	v13 =	vmax.f32 v13, v30;
	v11 =	vld [tilespmem:s21+$0x10]  }
.Ltmp0:
0x56: {  	v41 =	vmax.f32 v41, v9;
	v36 =	vmax.f32 v36, v43;
	v39 =	vmin.f32 v32, v26;
	v38 =	vld [tilespmem:s21+$0xE0];
	(pc) =	sbr.rel @p0 .LBB2_2-.Ltmp0, $4  }
0x57: {  	v44 =	vmin.f32 v29, v0;
	v32 =	vmax.f32 v32, v26;
	v37 =	vmin.f32 v45, v46;
	v26 =	vld [tilespmem:s21+$0xB0]  }
0x58: {  	v29 =	vmax.f32 v29, v0;
	v25 =	vmax.f32 v45, v46;
	v46 =	vmax.f32 v34, v31;
	v15 =	vld [tilespmem:s21+$0x40]  }
0x59: {  	v45 =	vmin.f32 v34, v31;
	v31 =	vmin.f32 v32, v40;
	v43 =	vmin.f32 v47, v49;
	v12 =	vld [tilespmem:s21+$0x80]  }
0x5a: {  	v0 =	vmin.f32 v46, v48;
	v34 =	vmax.f32 v46, v48;
	v9 =	vmax.f32 v47, v49;
	v30 =	vld [tilespmem:s21+$0x90]  }
0x5b: {  	v46 =	vadd.s32 $0xFFFFFFD8, v24  }
0x5c: {  	v48 =	vadd.s32 $0xFFFFFFD8, v23;
	v49 =	vadd.s32 $0xFFFFFFD8, v22;
	v51 =	vadd.s32 $0xFFFFFFD8, v21  }
0x5d: {  	v52 =	vadd.s32 $0xFFFFFFD8, v20;
	v63 =	vadd.s32 $0xFFFFFFD8, v19;
	v54 =	vimm.s32 $0x0  }
0x5e: {  	v28 =	vmax.f32 v28, v44;
	v32 =	vmax.f32 v32, v40;
	vm0 =	vgt.s32 v46, $0x0  }
0x5f: {  	vm5 =	vgt.s32 v48, $0x0;
	vm1 =	vlt.u32 v46, $0xC8;
	vm2 =	vlt.u32 v48, $0xC8  }
0x60: {  	vm6 =	vgt.s32 v49, $0x0;
	vm3 =	vlt.u32 v49, $0xC8;
	vm7 =	vgt.s32 v51, $0x0  }
0x61: {  	vm8 =	vgt.s32 v52, $0x0;
	vm4 =	vlt.u32 v51, $0xC8;
	vm9 =	vlt.u32 v52, $0xC8  }
0x62: {  	vm10 =	vgt.s32 v63, $0x0;
	vm11 =	vlt.u32 v63, $0xC8;
	v47 =	vnsel vm0, $0x0, v46  }
0x63: {  	v59 =	vnsel vm5, $0x0, v48;
	v50 =	vnsel vm6, $0x0, v49;
	v61 =	vnsel vm7, $0x0, v51  }
0x64: {  	v62 =	vnsel vm8, $0x0, v52;
	v54 =	vsel vm1, $0xFFFFFFFF, v54;
	v52 =	vadd.s32 $0xFFFFFFD8, v18  }
0x65: {  	v47 =	vmin.u32 v47, $0xC7;
	v60 =	vmin.u32 v50, $0xC7;
	v50 =	vmin.u32 v61, $0xC7  }
0x66: {  	v51 =	vmin.u32 v62, $0xC7;
	v58 =	vshll.u32 v47, $0x7;
	v47 =	vmin.u32 v59, $0xC7  }
0x67: {  	vm12 =	vgt.s32 v52, $0x0;
	v46 =	vor.u32 v56, v58;
	v47 =	vshll.u32 v47, $0x7  }
0x68: {  	v48 =	vld [tilespmem:s21+$0xC0];
	_ =	swait.ge [sflag:s18], $0x6400;
	vm14 =	vlt.u32 v52, $0xC8;
	v49 =	vshll.u32 v60, $0x7;
	v47 =	vor.u32 v2, v47  }
0x69: {  	[sflag:s18] =	ssyncset.done $0x0;
	v50 =	vshll.u32 v50, $0x7;
	v55 =	vshll.u32 v51, $0x7;
	v49 =	vor.u32 v3, v49  }
0x6a: {  	s31 =	simm.s32 $0x0;
	[tilespmem:$0x1FE10] =	vst v54;
	[sflag:s18] =	ssyncadd.s32 $0xFFFF9C00;
	v59 =	vimm.s32 $0x0;
	v62 =	vnsel vm12, $0x0, v52;
	v50 =	vor.u32 v4, v50  }
0x6b: {  	[tilespmem:s31], [sflag:$0x1] =	stream.strided.gather [hbm4b:s6+s14], $0x6400, s15, s14, $0x38;
	v58 =	vnsel vm10, $0x0, v63;
	v54 =	vsel vm2, $0xFFFFFFFF, v59;
	v63 =	vadd.s32 $0xFFFFFFD8, v17;
	[tilespmem:$0xC900] =	vst v63  }
0x6c: {  	v60 =	vmin.u32 v58, $0xC7;
	vm13 =	vgt.s32 v63, $0x0;
	v53 =	vld.idx.msk [tilespmem:v46+s17+$0x0], vm1;
	[tilespmem:v46+s17+$0x0] =	vst.idx.msk vm1, v1;
	v46 =	vor.u32 v5, v55  }
0x6d: {  	v58 =	vmin.u32 v62, $0xC7;
	v57 =	vld.idx.msk [tilespmem:v47+s17+$0x0], vm2;
	[tilespmem:v47+s17+$0x0] =	vst.idx.msk vm2, v1;
	v47 =	vshll.u32 v60, $0x7;
	v60 =	vnsel vm13, $0x0, v63  }
0x6e: {  	v61 =	vld.idx.msk [tilespmem:v49+s17+$0x0], vm3;
	[tilespmem:v49+s17+$0x0] =	vst.idx.msk vm3, v1;
	v47 =	vor.u32 v6, v47;
	v49 =	vshll.u32 v58, $0x7;
	v62 =	vmin.u32 v60, $0xC7  }
0x6f: {  	vm15 =	vlt.u32 v63, $0xC8;
	v59 =	vld.idx.msk [tilespmem:v50+s17+$0x0], vm4;
	[tilespmem:v50+s17+$0x0] =	vst.idx.msk vm4, v1;
	v49 =	vor.u32 v7, v49;
	v50 =	vshll.u32 v62, $0x7  }
0x70: {  	v44 =	vmax.f32 v35, v11;
	v27 =	vmax.f32 v27, v45;
	[tilespmem:$0x1FE30] =	vst v54;
	v55 =	vor.u32 v8, v50  }
0x71: {  	v45 =	vmax.f32 v41, v43;
	v10 =	vmax.f32 v10, v39;
	v63 =	vld.idx.msk [tilespmem:v46+s17+$0x0], vm9;
	[tilespmem:v46+s17+$0x0] =	vst.idx.msk vm9, v1  }
0x72: {  	v41 =	vmax.f32 v10, v31;
	v31 =	vmax.f32 v29, v38;
	[tilespmem:$0x1FE20] =	vst v57;
	v57 =	vimm.s32 $0x0  }
0x73: {  	v10 =	vmax.f32 v27, v0;
	v54 =	vsel vm3, $0xFFFFFFFF, v57;
	v57 =	vld.idx.msk [tilespmem:v47+s17+$0x0], vm11;
	[tilespmem:v47+s17+$0x0] =	vst.idx.msk vm11, v1  }
0x74: {  	v0 =	vmin.f32 v35, v11;
	v11 =	vmin.f32 v25, v26;
	v47 =	vld.idx.msk [tilespmem:v49+s17+$0x0], vm14;
	[tilespmem:v49+s17+$0x0] =	vst.idx.msk vm14, v1  }
0x75: {  	s21 =	simm.s32 $0x0;
	v0 =	vmax.f32 v16, v0;
	v43 =	vmax.f32 v44, v30;
	v60 =	vld.idx.msk [tilespmem:v55+s17+$0x0], vm15;
	[tilespmem:v55+s17+$0x0] =	vst.idx.msk vm15, v1  }
0x76: {  	v58 =	vimm.s32 $0x0;
	v62 =	vmin.f32 v29, v38;
	v29 =	vmin.f32 v44, v30;
	[tilespmem:$0x1FE40] =	vst v61;
	v49 =	vld [tilespmem:s21+$0x6420]  }
0x77: {  	v50 =	vsel vm11, $0xFFFFFFFF, v58;
	v46 =	vmax.f32 v0, v29;
	v61 =	vimm.s32 $0x0;
	[tilespmem:$0x1FE50] =	vst v54;
	v39 =	vld [tilespmem:s21+$0x64F0]  }
0x78: {  	[tilespmem:$0x1FE60] =	vst v59;
	v52 =	vsel vm4, $0xFFFFFFFF, v61;
	v54 =	vimm.s32 $0x0;
	v61 =	vimm.s32 $0x0;
	v58 =	vld [tilespmem:s21+$0x64A0]  }
0x79: {  	v59 =	vimm.s32 $0x0;
	v51 =	vsel vm9, $0xFFFFFFFF, v54;
	v40 =	vsel vm15, $0xFFFFFFFF, v61;
	[tilespmem:$0x1FE80] =	vst v63;
	v61 =	vld [tilespmem:s21+$0x6460]  }
0x7a: {  	[tilespmem:$0x1FEF0] =	vst v40;
	v63 =	vmax.f32 v25, v26;
	v40 =	vmax.f32 v28, v62;
	v28 =	vmax.f32 v42, v37;
	v0 =	vld [tilespmem:s21+$0x6430]  }
0x7b: {  	v62 =	vld [tilespmem:s21+$0x6400];
	v11 =	vmax.f32 v28, v11;
	[tilespmem:$0x1FEA0] =	vst v57;
	v57 =	vmax.f32 v14, v15;
	v14 =	vmin.f32 v14, v15  }
0x7c: {  	v27 =	vld [tilespmem:s21+$0x64E0];
	[tilespmem:$0x1FEC0] =	vst v47;
	v47 =	vsel vm14, $0xFFFFFFFF, v59;
	v16 =	vmin.f32 v57, v48;
	v13 =	vmax.f32 v13, v14  }
0x7d: {  	v15 =	vld [tilespmem:s21+$0x6450];
	[tilespmem:$0x1FEE0] =	vst v60;
	v60 =	vmax.f32 v9, v12;
	v9 =	vmin.f32 v9, v12;
	v44 =	vmax.f32 v13, v16  }
0x7e: {  	v59 =	vld [tilespmem:s21+$0x6470];
	[tilespmem:$0x1FED0] =	vst v47;
	v47 =	vmax.f32 v57, v48;
	v12 =	vmin.f32 v36, v49;
	v14 =	vmax.f32 v36, v49  }
0x7f: {  	v28 =	vld [tilespmem:s21+$0x64D0];
	v30 =	vmax.f32 v45, v9;
	v26 =	vmin.f32 v63, v0;
	v37 =	vmin.f32 v31, v61  }
0x80: {  	v13 =	vld [tilespmem:s21+$0x6410];
	v25 =	vmax.f32 v63, v0;
	v9 =	vmax.f32 v33, v12;
	v12 =	vmin.f32 v14, v58  }
0x81: {  	[tilespmem:$0x1FE00] =	vst v53;
	v16 =	vld [tilespmem:s21+$0x64B0];
	v0 =	vmax.f32 v31, v61;
	v36 =	vmin.f32 v60, v62;
	v42 =	vmax.f32 v9, v12  }
0x82: {  	[tilespmem:$0x1FEB0] =	vst v50;
	v31 =	vld [tilespmem:s21+$0x6490];
	v29 =	vmin.f32 v32, v15;
	v9 =	vmax.f32 v14, v58;
	v35 =	vmax.f32 v32, v15  }
0x83: {  	[tilespmem:$0x1FE70] =	vst v52;
	v15 =	vld [tilespmem:s21+$0x6440];
	v14 =	vmax.f32 v60, v62;
	v63 =	vmax.f32 v34, v59;
	v34 =	vmin.f32 v34, v59  }
0x84: {  	s22 =	simm.s32 $0x400;
	[tilespmem:$0x1FE90] =	vst v51;
	v12 =	vld [tilespmem:s21+$0x6480];
	v33 =	vmin.f32 v35, v28;
	v32 =	vmin.f32 v63, v39;
	v45 =	vmax.f32 v63, v39  }
.LBB2_4:
0x85: {  	p0 =	sne.s32 s22, $0x18C00;
	v38 =	vmax.f32 v43, v13;
	v37 =	vmax.f32 v40, v37;
	v39 =	vld [tilespmem:s21+$0x64C0];
	s21 =	sshra.s32 s22, $0x2;
	s22 =	sadd.s32 $0x400, s22;
	v35 =	vmax.f32 v35, v28  }
0x86: {  	v10 =	vmax.f32 v10, v34;
	v40 =	vmin.f32 v0, v27;
	v28 =	vld [tilespmem:s21+$0x6420];
	v34 =	vmax.f32 v25, v16  }
0x87: {  	v30 =	vmax.f32 v30, v36;
	v29 =	vmax.f32 v41, v29;
	v40 =	vmax.f32 v37, v40;
	v48 =	vld [tilespmem:s21+$0x64F0]  }
0x88: {  	v0 =	vmax.f32 v0, v27;
	v41 =	vmax.f32 v29, v33;
	v37 =	vmax.f32 v47, v15;
	v36 =	vld [tilespmem:s21+$0x64A0]  }
0x89: {  	v11 =	vmax.f32 v11, v26;
	v10 =	vmax.f32 v10, v32;
	v33 =	vld [tilespmem:s21+$0x6470];
	v26 =	vmin.f32 v38, v31  }
0x8a: {  	v13 =	vmin.f32 v43, v13;
	v16 =	vmin.f32 v25, v16;
	v49 =	vmax.f32 v14, v12;
	v32 =	vld [tilespmem:s21+$0x6460]  }
0x8b: {  	v13 =	vmax.f32 v46, v13;
	v43 =	vmax.f32 v38, v31;
	v27 =	vmin.f32 v37, v39;
	v25 =	vld [tilespmem:s21+$0x6450]  }
0x8c: {  	v15 =	vmin.f32 v47, v15;
	v29 =	vmin.f32 v9, v28;
	v9 =	vmax.f32 v9, v28;
	v31 =	vld [tilespmem:s21+$0x6430]  }
0x8d: {  	v15 =	vmax.f32 v44, v15;
	v29 =	vmax.f32 v42, v29;
	v38 =	vmin.f32 v9, v36;
	v28 =	vld [tilespmem:s21+$0x64D0]  }
0x8e: {  	v11 =	vmax.f32 v11, v16;
	v46 =	vmax.f32 v13, v26;
	v50 =	vld [tilespmem:s21+$0x6400];
	v42 =	vmax.f32 v29, v38  }
0x8f: {  	v12 =	vmin.f32 v14, v12;
	v47 =	vmax.f32 v37, v39;
	v44 =	vmax.f32 v15, v27;
	v13 =	vld [tilespmem:s21+$0x6410]  }
.Ltmp1:
0x90: {  	v30 =	vmax.f32 v30, v12;
	v9 =	vmax.f32 v9, v36;
	v29 =	vmin.f32 v35, v25;
	v27 =	vld [tilespmem:s21+$0x64E0];
	(pc) =	sbr.rel @p0 .LBB2_4-.Ltmp1, $4  }
0x91: {  	v37 =	vmin.f32 v0, v32;
	v35 =	vmax.f32 v35, v25;
	v26 =	vmin.f32 v34, v31;
	v16 =	vld [tilespmem:s21+$0x64B0]  }
0x92: {  	v38 =	vmax.f32 v45, v33;
	v0 =	vmax.f32 v0, v32;
	v25 =	vmax.f32 v34, v31;
	v15 =	vld [tilespmem:s21+$0x6440]  }
0x93: {  	v34 =	vmin.f32 v45, v33;
	v33 =	vmin.f32 v35, v28;
	v36 =	vmin.f32 v49, v50;
	v12 =	vld [tilespmem:s21+$0x6480]  }
0x94: {  	v32 =	vmin.f32 v38, v48;
	v45 =	vmax.f32 v38, v48;
	v14 =	vmax.f32 v49, v50;
	v31 =	vld [tilespmem:s21+$0x6490]  }
0x95: {  	v38 =	vadd.s32 $0xFFFFFF10, v24  }
0x96: {  	v48 =	vadd.s32 $0xFFFFFF10, v23;
	v49 =	vadd.s32 $0xFFFFFF10, v22;
	v51 =	vadd.s32 $0xFFFFFF10, v21  }
0x97: {  	v52 =	vadd.s32 $0xFFFFFF10, v20;
	v63 =	vadd.s32 $0xFFFFFF10, v19;
	v54 =	vimm.s32 $0x0  }
0x98: {  	vm0 =	vgt.s32 v38, $0x0;
	vm5 =	vgt.s32 v48, $0x0;
	vm1 =	vlt.u32 v38, $0xC8  }
0x99: {  	vm2 =	vlt.u32 v48, $0xC8;
	vm6 =	vgt.s32 v49, $0x0;
	vm3 =	vlt.u32 v49, $0xC8  }
0x9a: {  	vm7 =	vgt.s32 v51, $0x0;
	vm8 =	vgt.s32 v52, $0x0;
	vm4 =	vlt.u32 v51, $0xC8  }
0x9b: {  	vm9 =	vlt.u32 v52, $0xC8;
	vm10 =	vgt.s32 v63, $0x0;
	vm11 =	vlt.u32 v63, $0xC8  }
0x9c: {  	v39 =	vnsel vm0, $0x0, v38;
	v59 =	vnsel vm5, $0x0, v48;
	v60 =	vnsel vm6, $0x0, v49  }
0x9d: {  	v61 =	vnsel vm7, $0x0, v51;
	v62 =	vnsel vm8, $0x0, v52;
	v39 =	vmin.u32 v39, $0xC7  }
0x9e: {  	v54 =	vsel vm1, $0xFFFFFFFF, v54;
	v52 =	vadd.s32 $0xFFFFFF10, v18;
	v58 =	vshll.u32 v39, $0x7  }
0x9f: {  	v50 =	vld [tilespmem:s21+$0x64C0];
	_ =	swait.ge [sflag:s16], $0x6400;
	v48 =	vmin.u32 v60, $0xC7;
	v39 =	vmin.u32 v59, $0xC7;
	v38 =	vor.u32 v56, v58  }
0xa0: {  	[sflag:s16] =	ssyncset.done $0x0;
	v49 =	vmin.u32 v61, $0xC7;
	v51 =	vmin.u32 v62, $0xC7;
	v39 =	vshll.u32 v39, $0x7  }
0xa1: {  	[sflag:s16] =	ssyncadd.s32 $0xFFFF9C00;
	vm12 =	vgt.s32 v52, $0x0;
	v48 =	vshll.u32 v48, $0x7;
	v39 =	vor.u32 v2, v39  }
0xa2: {  	[tilespmem:s17], [sflag:$0x2] =	stream.strided.gather [hbm4b:s7+s14], $0x6400, s15, s14, $0x38;
	v49 =	vshll.u32 v49, $0x7;
	v55 =	vshll.u32 v51, $0x7;
	v48 =	vor.u32 v3, v48;
	[tilespmem:$0xC900] =	vst v63  }
0xa3: {  	s31 =	simm.s32 $0x0;
	[tilespmem:$0x1FD10] =	vst v54;
	v59 =	vimm.s32 $0x0;
	v49 =	vor.u32 v4, v49;
	v58 =	vnsel vm10, $0x0, v63  }
0xa4: {  	v54 =	vsel vm2, $0xFFFFFFFF, v59;
	v63 =	vadd.s32 $0xFFFFFF10, v17;
	v53 =	vld.idx.msk [tilespmem:v38+s31+$0x0], vm1;
	[tilespmem:v38+s31+$0x0] =	vst.idx.msk vm1, v1;
	v38 =	vor.u32 v5, v55  }
0xa5: {  	vm14 =	vlt.u32 v52, $0xC8;
	[tilespmem:$0x1FD30] =	vst v54;
	v60 =	vmin.u32 v58, $0xC7;
	vm13 =	vgt.s32 v63, $0x0  }
0xa6: {  	v62 =	vnsel vm12, $0x0, v52;
	v57 =	vld.idx.msk [tilespmem:v39+s31+$0x0], vm2;
	[tilespmem:v39+s31+$0x0] =	vst.idx.msk vm2, v1;
	v39 =	vshll.u32 v60, $0x7;
	v60 =	vnsel vm13, $0x0, v63  }
0xa7: {  	v58 =	vmin.u32 v62, $0xC7;
	v61 =	vld.idx.msk [tilespmem:v48+s31+$0x0], vm3;
	[tilespmem:v48+s31+$0x0] =	vst.idx.msk vm3, v1;
	v39 =	vor.u32 v6, v39;
	v62 =	vmin.u32 v60, $0xC7  }
0xa8: {  	v48 =	vshll.u32 v58, $0x7;
	v58 =	vimm.s32 $0x0;
	v59 =	vld.idx.msk [tilespmem:v49+s31+$0x0], vm4;
	[tilespmem:v49+s31+$0x0] =	vst.idx.msk vm4, v1;
	v49 =	vshll.u32 v62, $0x7  }
0xa9: {  	vm15 =	vlt.u32 v63, $0xC8;
	v55 =	vor.u32 v8, v49;
	v49 =	vsel vm11, $0xFFFFFFFF, v58;
	v63 =	vld.idx.msk [tilespmem:v38+s31+$0x0], vm9;
	[tilespmem:v38+s31+$0x0] =	vst.idx.msk vm9, v1  }
0xaa: {  	v48 =	vor.u32 v7, v48;
	[tilespmem:$0x1FDB0] =	vst v49  }
0xab: {  	v37 =	vmax.f32 v40, v37;
	[tilespmem:$0x1FD20] =	vst v57  }
0xac: {  	v35 =	vmax.f32 v35, v28;
	v28 =	vmax.f32 v43, v13;
	v57 =	vimm.s32 $0x0;
	[tilespmem:$0x1FD40] =	vst v61  }
0xad: {  	v10 =	vmax.f32 v10, v34;
	v54 =	vsel vm3, $0xFFFFFFFF, v57;
	v57 =	vld.idx.msk [tilespmem:v39+s31+$0x0], vm11;
	[tilespmem:v39+s31+$0x0] =	vst.idx.msk vm11, v1  }
0xae: {  	v30 =	vmax.f32 v30, v36;
	v29 =	vmax.f32 v41, v29;
	v11 =	vmax.f32 v11, v26;
	[tilespmem:$0x1FD50] =	vst v54  }
0xaf: {  	v13 =	vmin.f32 v43, v13;
	v10 =	vmax.f32 v10, v32;
	v39 =	vld.idx.msk [tilespmem:v48+s31+$0x0], vm14;
	[tilespmem:v48+s31+$0x0] =	vst.idx.msk vm14, v1  }
0xb0: {  	s21 =	simm.s32 $0x0;
	v13 =	vmax.f32 v46, v13;
	v26 =	vmin.f32 v28, v31;
	v60 =	vld.idx.msk [tilespmem:v55+s31+$0x0], vm15;
	[tilespmem:v55+s31+$0x0] =	vst.idx.msk vm15, v1  }
0xb1: {  	v62 =	vmin.f32 v0, v27;
	v0 =	vmax.f32 v0, v27;
	v54 =	vimm.s32 $0x0;
	[tilespmem:$0x1FD80] =	vst v63;
	v63 =	vld [tilespmem:s21+$0x20]  }
0xb2: {  	v49 =	vmax.f32 v29, v33;
	v61 =	vimm.s32 $0x0;
	[tilespmem:$0x1FD60] =	vst v59;
	v51 =	vsel vm9, $0xFFFFFFFF, v54;
	v58 =	vld [tilespmem:s21+$0xF0]  }
0xb3: {  	v52 =	vsel vm4, $0xFFFFFFFF, v61;
	v59 =	vimm.s32 $0x0;
	v61 =	vimm.s32 $0x0;
	[tilespmem:$0x1FD90] =	vst v51;
	v27 =	vld [tilespmem:s21+$0xA0]  }
0xb4: {  	v48 =	vmax.f32 v37, v62;
	v54 =	vmax.f32 v13, v26;
	v62 =	vld [tilespmem:s21+$0x60];
	v51 =	vmax.f32 v28, v31;
	[tilespmem:$0x1FDA0] =	vst v57  }
0xb5: {  	v13 =	vld [tilespmem:s21+$0x30];
	v57 =	vmax.f32 v25, v16;
	v16 =	vmin.f32 v25, v16;
	[tilespmem:$0x1FDC0] =	vst v39;
	v39 =	vsel vm14, $0xFFFFFFFF, v59  }
0xb6: {  	v31 =	vld [tilespmem:s21+$0x0];
	v59 =	vmax.f32 v47, v15;
	v15 =	vmin.f32 v47, v15;
	v11 =	vmax.f32 v11, v16  }
0xb7: {  	v25 =	vld [tilespmem:s21+$0x50];
	[tilespmem:$0x1FDD0] =	vst v39;
	v39 =	vsel vm15, $0xFFFFFFFF, v61;
	v61 =	vmax.f32 v14, v12;
	v28 =	vmin.f32 v59, v50  }
0xb8: {  	[tilespmem:$0x1FD70] =	vst v52;
	v16 =	vld [tilespmem:s21+$0xB0];
	v15 =	vmax.f32 v44, v15;
	v12 =	vmin.f32 v14, v12;
	v55 =	vmax.f32 v59, v50  }
0xb9: {  	[tilespmem:$0x1FDE0] =	vst v60;
	v60 =	vld [tilespmem:s21+$0x70];
	v52 =	vmax.f32 v15, v28;
	v14 =	vmin.f32 v9, v63;
	v9 =	vmax.f32 v9, v63  }
0xba: {  	v28 =	vld [tilespmem:s21+$0xD0];
	v30 =	vmax.f32 v30, v12;
	v26 =	vmin.f32 v57, v13;
	v36 =	vmin.f32 v0, v62  }
0xbb: {  	v12 =	vld [tilespmem:s21+$0x10];
	v0 =	vmax.f32 v0, v62;
	v14 =	vmax.f32 v42, v14;
	v15 =	vmin.f32 v9, v27  }
0xbc: {  	v9 =	vmax.f32 v9, v27;
	v27 =	vld [tilespmem:s21+$0xE0];
	v50 =	vmax.f32 v14, v15;
	v29 =	vmin.f32 v35, v25  }
0xbd: {  	v34 =	vmax.f32 v35, v25;
	v25 =	vmax.f32 v57, v13;
	v15 =	vld [tilespmem:s21+$0x40];
	v35 =	vmin.f32 v61, v31  }
0xbe: {  	[tilespmem:$0x1FD00] =	vst v53;
	v13 =	vld [tilespmem:s21+$0x80];
	v14 =	vmax.f32 v61, v31;
	v63 =	vmax.f32 v45, v60;
	v37 =	vmin.f32 v45, v60  }
0xbf: {  	s22 =	simm.s32 $0x400;
	[tilespmem:$0x1FDF0] =	vst v39;
	v31 =	vld [tilespmem:s21+$0x90];
	v33 =	vmin.f32 v34, v28;
	v32 =	vmin.f32 v63, v58;
	v53 =	vmax.f32 v63, v58  }
.LBB2_6:
0xc0: {  	p0 =	sne.s32 s22, $0x18C00;
	v38 =	vmax.f32 v51, v12;
	v36 =	vmax.f32 v48, v36;
	v39 =	vld [tilespmem:s21+$0xC0];
	s21 =	sshra.s32 s22, $0x2;
	s22 =	sadd.s32 $0x400, s22;
	v34 =	vmax.f32 v34, v28  }
0xc1: {  	v10 =	vmax.f32 v10, v37;
	v40 =	vmin.f32 v0, v27;
	v28 =	vld [tilespmem:s21+$0x20];
	v37 =	vmax.f32 v25, v16  }
0xc2: {  	v30 =	vmax.f32 v30, v35;
	v29 =	vmax.f32 v49, v29;
	v48 =	vmax.f32 v36, v40;
	v41 =	vld [tilespmem:s21+$0xF0]  }
0xc3: {  	v0 =	vmax.f32 v0, v27;
	v49 =	vmax.f32 v29, v33;
	v36 =	vmax.f32 v55, v15;
	v35 =	vld [tilespmem:s21+$0xA0]  }
0xc4: {  	v11 =	vmax.f32 v11, v26;
	v10 =	vmax.f32 v10, v32;
	v33 =	vld [tilespmem:s21+$0x70];
	v26 =	vmin.f32 v38, v31  }
0xc5: {  	v12 =	vmin.f32 v51, v12;
	v16 =	vmin.f32 v25, v16;
	v40 =	vmax.f32 v14, v13;
	v32 =	vld [tilespmem:s21+$0x60]  }
0xc6: {  	v12 =	vmax.f32 v54, v12;
	v51 =	vmax.f32 v38, v31;
	v27 =	vmin.f32 v36, v39;
	v25 =	vld [tilespmem:s21+$0x50]  }
0xc7: {  	v15 =	vmin.f32 v55, v15;
	v29 =	vmin.f32 v9, v28;
	v9 =	vmax.f32 v9, v28;
	v31 =	vld [tilespmem:s21+$0x30]  }
0xc8: {  	v15 =	vmax.f32 v52, v15;
	v29 =	vmax.f32 v50, v29;
	v38 =	vmin.f32 v9, v35;
	v28 =	vld [tilespmem:s21+$0xD0]  }
0xc9: {  	v11 =	vmax.f32 v11, v16;
	v54 =	vmax.f32 v12, v26;
	v42 =	vld [tilespmem:s21+$0x0];
	v50 =	vmax.f32 v29, v38  }
0xca: {  	v13 =	vmin.f32 v14, v13;
	v55 =	vmax.f32 v36, v39;
	v52 =	vmax.f32 v15, v27;
	v12 =	vld [tilespmem:s21+$0x10]  }
.Ltmp2:
0xcb: {  	v30 =	vmax.f32 v30, v13;
	v9 =	vmax.f32 v9, v35;
	v29 =	vmin.f32 v34, v25;
	v27 =	vld [tilespmem:s21+$0xE0];
	(pc) =	sbr.rel @p0 .LBB2_6-.Ltmp2, $4  }
0xcc: {  	v36 =	vmin.f32 v0, v32;
	v34 =	vmax.f32 v34, v25;
	v26 =	vmin.f32 v37, v31;
	v16 =	vld [tilespmem:s21+$0xB0]  }
0xcd: {  	v38 =	vmax.f32 v53, v33;
	v0 =	vmax.f32 v0, v32;
	v25 =	vmax.f32 v37, v31;
	v15 =	vld [tilespmem:s21+$0x40]  }
0xce: {  	v37 =	vmin.f32 v53, v33;
	v33 =	vmin.f32 v34, v28;
	v35 =	vmin.f32 v40, v42;
	v13 =	vld [tilespmem:s21+$0x80]  }
0xcf: {  	v32 =	vmin.f32 v38, v41;
	v53 =	vmax.f32 v38, v41;
	v14 =	vmax.f32 v40, v42;
	v31 =	vld [tilespmem:s21+$0x90]  }
0xd0: {  	v38 =	vadd.s32 $0xFFFFFE48, v24;
	v40 =	vadd.s32 $0xFFFFFE48, v23;
	v41 =	vadd.s32 $0xFFFFFE48, v22  }
0xd1: {  	v43 =	vadd.s32 $0xFFFFFE48, v21;
	v44 =	vadd.s32 $0xFFFFFE48, v20;
	v63 =	vadd.s32 $0xFFFFFE48, v19  }
0xd2: {  	vm0 =	vgt.s32 v38, $0x0;
	vm5 =	vgt.s32 v40, $0x0;
	vm1 =	vlt.u32 v38, $0xC8  }
0xd3: {  	vm2 =	vlt.u32 v40, $0xC8;
	vm6 =	vgt.s32 v41, $0x0;
	v39 =	vnsel vm0, $0x0, v38  }
0xd4: {  	vm3 =	vlt.u32 v41, $0xC8;
	vm7 =	vgt.s32 v43, $0x0;
	v39 =	vmin.u32 v39, $0xC7  }
0xd5: {  	vm8 =	vgt.s32 v44, $0x0;
	v47 =	vnsel vm5, $0x0, v40;
	v46 =	vshll.u32 v39, $0x7  }
0xd6: {  	vm4 =	vlt.u32 v43, $0xC8;
	v39 =	vmin.u32 v47, $0xC7;
	v38 =	vor.u32 v56, v46  }
0xd7: {  	vm9 =	vlt.u32 v44, $0xC8;
	v40 =	vld [tilespmem:s21+$0xC0];
	v42 =	vnsel vm6, $0x0, v41;
	_ =	swait.ge [sflag:s18], $0x6400;
	v39 =	vshll.u32 v39, $0x7  }
0xd8: {  	v58 =	vnsel vm7, $0x0, v43;
	v57 =	vmin.u32 v42, $0xC7;
	[sflag:s18] =	ssyncset.done $0x0;
	v39 =	vor.u32 v2, v39  }
0xd9: {  	s31 =	simm.s32 $0x0;
	v60 =	vnsel vm8, $0x0, v44;
	v41 =	vshll.u32 v57, $0x7;
	[sflag:s18] =	ssyncadd.s32 $0xFFFF9C00;
	v56 =	vimm.s32 $0x0  }
0xda: {  	v59 =	vmin.u32 v58, $0xC7;
	v45 =	vor.u32 v3, v41;
	[tilespmem:s31], [sflag:$0x1] =	stream.strided.gather [hbm4b:s8+s14], $0x6400, s15, s14, $0x38;
	v41 =	vsel vm1, $0xFFFFFFFF, v56;
	[tilespmem:$0xC900] =	vst v63  }
0xdb: {  	v62 =	vmin.u32 v60, $0xC7;
	v60 =	vimm.s32 $0x0;
	v42 =	vshll.u32 v59, $0x7;
	[tilespmem:$0x1FC20] =	vst v41;
	v61 =	vld.idx.msk [tilespmem:v38+s17+$0x0], vm1  }
0xdc: {  	vm10 =	vgt.s32 v63, $0x0;
	v46 =	vor.u32 v4, v42;
	v41 =	vsel vm2, $0xFFFFFFFF, v60;
	[tilespmem:v38+s17+$0x0] =	vst.idx.msk vm1, v1  }
0xdd: {  	vm11 =	vlt.u32 v63, $0xC8;
	v57 =	vshll.u32 v62, $0x7;
	v47 =	vadd.s32 $0xFFFFFE48, v18;
	[tilespmem:$0x1FC40] =	vst v41;
	v58 =	vld.idx.msk [tilespmem:v39+s17+$0x0], vm2  }
0xde: {  	v59 =	vnsel vm10, $0x0, v63;
	vm12 =	vgt.s32 v47, $0x0;
	v38 =	vor.u32 v5, v57;
	[tilespmem:v39+s17+$0x0] =	vst.idx.msk vm2, v1  }
0xdf: {  	vm14 =	vlt.u32 v47, $0xC8;
	v63 =	vnsel vm12, $0x0, v47;
	v56 =	vadd.s32 $0xFFFFFE48, v17;
	v62 =	vld.idx.msk [tilespmem:v45+s17+$0x0], vm3;
	[tilespmem:v45+s17+$0x0] =	vst.idx.msk vm3, v1  }
0xe0: {  	vm13 =	vgt.s32 v56, $0x0;
	vm15 =	vlt.u32 v56, $0xC8;
	[tilespmem:$0x1FC10] =	vst v61;
	v61 =	vmin.u32 v59, $0xC7  }
0xe1: {  	v60 =	vld.idx.msk [tilespmem:v46+s17+$0x0], vm4;
	[tilespmem:v46+s17+$0x0] =	vst.idx.msk vm4, v1;
	v59 =	vmin.u32 v63, $0xC7;
	v39 =	vshll.u32 v61, $0x7;
	v61 =	vnsel vm13, $0x0, v56  }
0xe2: {  	[tilespmem:$0x1FC30] =	vst v58;
	v45 =	vshll.u32 v59, $0x7;
	v39 =	vor.u32 v6, v39;
	v63 =	vmin.u32 v61, $0xC7  }
0xe3: {  	v58 =	vimm.s32 $0x0;
	v56 =	vld.idx.msk [tilespmem:v38+s17+$0x0], vm9;
	[tilespmem:v38+s17+$0x0] =	vst.idx.msk vm9, v1;
	v57 =	vor.u32 v7, v45;
	v46 =	vshll.u32 v63, $0x7  }
0xe4: {  	[tilespmem:$0x1FC50] =	vst v62;
	v41 =	vsel vm3, $0xFFFFFFFF, v58;
	v59 =	vor.u32 v8, v46  }
0xe5: {  	v36 =	vmax.f32 v48, v36;
	v34 =	vmax.f32 v34, v28;
	[tilespmem:$0x1FC60] =	vst v41  }
0xe6: {  	v28 =	vmax.f32 v51, v12;
	v10 =	vmax.f32 v10, v37;
	v30 =	vmax.f32 v30, v35;
	[tilespmem:$0x1FC70] =	vst v60  }
0xe7: {  	v29 =	vmax.f32 v49, v29;
	v26 =	vmax.f32 v11, v26;
	v60 =	vld.idx.msk [tilespmem:v39+s17+$0x0], vm11;
	[tilespmem:v39+s17+$0x0] =	vst.idx.msk vm11, v1  }
0xe8: {  	v11 =	vmax.f32 v10, v32;
	v10 =	vmin.f32 v51, v12;
	v62 =	vimm.s32 $0x0;
	v39 =	vld.idx.msk [tilespmem:v57+s17+$0x0], vm14;
	[tilespmem:v57+s17+$0x0] =	vst.idx.msk vm14, v1  }
0xe9: {  	v12 =	vmin.f32 v25, v16;
	s21 =	simm.s32 $0x0;
	v58 =	vimm.s32 $0x0;
	v41 =	vsel vm4, $0xFFFFFFFF, v62;
	v48 =	vld.idx.msk [tilespmem:v59+s17+$0x0], vm15;
	[tilespmem:v59+s17+$0x0] =	vst.idx.msk vm15, v1  }
0xea: {  	v43 =	vmax.f32 v25, v16;
	v61 =	vimm.s32 $0x0;
	[tilespmem:$0x1FC80] =	vst v41;
	v41 =	vsel vm9, $0xFFFFFFFF, v58;
	v42 =	vld [tilespmem:s21+$0x6420]  }
0xeb: {  	v10 =	vmax.f32 v54, v10;
	v12 =	vmax.f32 v26, v12;
	[tilespmem:$0x1FCA0] =	vst v41;
	v41 =	vsel vm11, $0xFFFFFFFF, v61;
	v44 =	vld [tilespmem:s21+$0x64F0]  }
0xec: {  	v47 =	vmax.f32 v14, v13;
	[tilespmem:$0x1FCC0] =	vst v41;
	v41 =	vmin.f32 v0, v27;
	v0 =	vmax.f32 v0, v27;
	v27 =	vld [tilespmem:s21+$0x64A0]  }
0xed: {  	v45 =	vmax.f32 v55, v15;
	v15 =	vmin.f32 v55, v15;
	v62 =	vimm.s32 $0x0;
	v46 =	vld [tilespmem:s21+$0x6470]  }
0xee: {  	v63 =	vimm.s32 $0x0;
	v25 =	vmin.f32 v45, v40;
	v15 =	vmax.f32 v52, v15;
	[tilespmem:$0x1FC90] =	vst v56;
	v16 =	vld [tilespmem:s21+$0x6450]  }
0xef: {  	v56 =	vmax.f32 v36, v41;
	v57 =	vmax.f32 v29, v33;
	v29 =	vmin.f32 v28, v31;
	v51 =	vld [tilespmem:s21+$0x6460];
	[tilespmem:$0x1FCB0] =	vst v60  }
0xf0: {  	v59 =	vmax.f32 v28, v31;
	v31 =	vld [tilespmem:s21+$0x6430];
	v60 =	vmax.f32 v15, v25;
	[tilespmem:$0x1FCD0] =	vst v39;
	v39 =	vsel vm14, $0xFFFFFFFF, v62  }
0xf1: {  	v28 =	vld [tilespmem:s21+$0x64D0];
	v62 =	vmax.f32 v10, v29;
	v10 =	vmin.f32 v14, v13;
	[tilespmem:$0x1FCE0] =	vst v39;
	v39 =	vsel vm15, $0xFFFFFFFF, v63  }
0xf2: {  	v15 =	vld [tilespmem:s21+$0x6400];
	v63 =	vmax.f32 v45, v40;
	v30 =	vmax.f32 v30, v10;
	v13 =	vmin.f32 v9, v42  }
0xf3: {  	v25 =	vld [tilespmem:s21+$0x64B0];
	v9 =	vmax.f32 v9, v42;
	v29 =	vmin.f32 v34, v16;
	v34 =	vmax.f32 v34, v16  }
0xf4: {  	v14 =	vld [tilespmem:s21+$0x6410];
	v36 =	vmin.f32 v0, v51;
	v10 =	vmax.f32 v50, v13;
	v13 =	vmin.f32 v9, v27  }
0xf5: {  	v26 =	vmax.f32 v43, v31;
	v58 =	vmax.f32 v10, v13;
	v10 =	vmax.f32 v9, v27;
	v27 =	vld [tilespmem:s21+$0x64E0]  }
0xf6: {  	v16 =	vld [tilespmem:s21+$0x6440];
	v0 =	vmax.f32 v0, v51;
	v61 =	vmax.f32 v53, v46;
	v37 =	vmin.f32 v53, v46  }
0xf7: {  	v33 =	vmin.f32 v34, v28;
	v32 =	vmin.f32 v61, v44;
	v61 =	vmax.f32 v61, v44;
	v9 =	vld [tilespmem:s21+$0x6480]  }
0xf8: {  	s22 =	simm.s32 $0x400;
	[tilespmem:$0x1FCF0] =	vst v39;
	v13 =	vmin.f32 v43, v31;
	v35 =	vmin.f32 v47, v15;
	v15 =	vmax.f32 v47, v15;
	v31 =	vld [tilespmem:s21+$0x6490]  }
.LBB2_8:
0xf9: {  	p0 =	sne.s32 s22, $0x18C00;
	v38 =	vmax.f32 v59, v14;
	v36 =	vmax.f32 v56, v36;
	v39 =	vld [tilespmem:s21+$0x64C0];
	s21 =	sshra.s32 s22, $0x2;
	s22 =	sadd.s32 $0x400, s22;
	v34 =	vmax.f32 v34, v28  }
0xfa: {  	v11 =	vmax.f32 v11, v37;
	v40 =	vmin.f32 v0, v27;
	v28 =	vld [tilespmem:s21+$0x6420];
	v37 =	vmax.f32 v26, v25  }
0xfb: {  	v30 =	vmax.f32 v30, v35;
	v29 =	vmax.f32 v57, v29;
	v56 =	vmax.f32 v36, v40;
	v49 =	vld [tilespmem:s21+$0x64F0]  }
0xfc: {  	v0 =	vmax.f32 v0, v27;
	v57 =	vmax.f32 v29, v33;
	v36 =	vmax.f32 v63, v16;
	v35 =	vld [tilespmem:s21+$0x64A0]  }
0xfd: {  	v12 =	vmax.f32 v12, v13;
	v11 =	vmax.f32 v11, v32;
	v33 =	vld [tilespmem:s21+$0x6470];
	v13 =	vmin.f32 v38, v31  }
0xfe: {  	v14 =	vmin.f32 v59, v14;
	v25 =	vmin.f32 v26, v25;
	v40 =	vmax.f32 v15, v9;
	v32 =	vld [tilespmem:s21+$0x6460]  }
0xff: {  	v14 =	vmax.f32 v62, v14;
	v59 =	vmax.f32 v38, v31;
	v27 =	vmin.f32 v36, v39;
	v26 =	vld [tilespmem:s21+$0x6450]  }
0x100: {  	v16 =	vmin.f32 v63, v16;
	v29 =	vmin.f32 v10, v28;
	v10 =	vmax.f32 v10, v28;
	v31 =	vld [tilespmem:s21+$0x6430]  }
0x101: {  	v16 =	vmax.f32 v60, v16;
	v29 =	vmax.f32 v58, v29;
	v38 =	vmin.f32 v10, v35;
	v28 =	vld [tilespmem:s21+$0x64D0]  }
0x102: {  	v12 =	vmax.f32 v12, v25;
	v62 =	vmax.f32 v14, v13;
	v50 =	vld [tilespmem:s21+$0x6400];
	v58 =	vmax.f32 v29, v38  }
0x103: {  	v9 =	vmin.f32 v15, v9;
	v63 =	vmax.f32 v36, v39;
	v60 =	vmax.f32 v16, v27;
	v14 =	vld [tilespmem:s21+$0x6410]  }
.Ltmp3:
0x104: {  	v30 =	vmax.f32 v30, v9;
	v10 =	vmax.f32 v10, v35;
	v29 =	vmin.f32 v34, v26;
	v27 =	vld [tilespmem:s21+$0x64E0];
	(pc) =	sbr.rel @p0 .LBB2_8-.Ltmp3, $4  }
0x105: {  	v36 =	vmin.f32 v0, v32;
	v34 =	vmax.f32 v34, v26;
	v13 =	vmin.f32 v37, v31;
	v25 =	vld [tilespmem:s21+$0x64B0]  }
0x106: {  	v38 =	vmax.f32 v61, v33;
	v0 =	vmax.f32 v0, v32;
	v26 =	vmax.f32 v37, v31;
	v16 =	vld [tilespmem:s21+$0x6440]  }
0x107: {  	v37 =	vmin.f32 v61, v33;
	v33 =	vmin.f32 v34, v28;
	v35 =	vmin.f32 v40, v50;
	v9 =	vld [tilespmem:s21+$0x6480]  }
0x108: {  	v32 =	vmin.f32 v38, v49;
	v61 =	vmax.f32 v38, v49;
	v15 =	vmax.f32 v40, v50;
	v31 =	vld [tilespmem:s21+$0x6490]  }
0x109: {  	v38 =	vadd.s32 $0xFFFFFD80, v24  }
0x10a: {  	v40 =	vadd.s32 $0xFFFFFD80, v23;
	v41 =	vlaneseq.u32;
	v49 =	vadd.s32 $0xFFFFFD80, v22  }
0x10b: {  	v50 =	vadd.s32 $0xFFFFFD80, v21;
	v51 =	vadd.s32 $0xFFFFFD80, v20;
	v42 =	vimm.s32 $0x0  }
0x10c: {  	vm0 =	vgt.s32 v38, $0x0;
	vm1 =	vgt.s32 v40, $0x0;
	vm2 =	vgt.s32 v49, $0x0  }
0x10d: {  	vm3 =	vgt.s32 v50, $0x0;
	vm4 =	vgt.s32 v51, $0x0;
	v39 =	vnsel vm0, $0x0, v38  }
0x10e: {  	vm0 =	vlt.u32 v38, $0xC8;
	v55 =	vnsel vm1, $0x0, v40;
	vm1 =	vlt.u32 v40, $0xC8  }
0x10f: {  	v44 =	vnsel vm2, $0x0, v49;
	vm2 =	vlt.u32 v49, $0xC8;
	v45 =	vnsel vm3, $0x0, v50  }
0x110: {  	vm3 =	vlt.u32 v50, $0xC8;
	v52 =	vnsel vm4, $0x0, v51;
	vm4 =	vlt.u32 v51, $0xC8  }
0x111: {  	v39 =	vmin.u32 v39, $0xC7;
	v40 =	vmin.u32 v44, $0xC7;
	v49 =	vmin.u32 v45, $0xC7  }
0x112: {  	v47 =	vmin.u32 v52, $0xC7;
	v45 =	vadd.s32 $0xFFFFFD80, v19;
	v42 =	vsel vm0, $0xFFFFFFFF, v42  }
0x113: {  	v54 =	vshll.u32 v39, $0x7;
	v39 =	vmin.u32 v55, $0xC7;
	v40 =	vshll.u32 v40, $0x7  }
0x114: {  	v46 =	vshll.u32 v49, $0x7;
	v38 =	vor.u32 v41, v54;
	v39 =	vshll.u32 v39, $0x7  }
0x115: {  	vm5 =	vgt.s32 v45, $0x0;
	v55 =	vadd.s32 $0xFFFFFD80, v17;
	v41 =	vld [tilespmem:s21+$0x64C0];
	_ =	swait.ge [sflag:s16], $0x6400;
	v39 =	vor.u32 v2, v39  }
0x116: {  	v40 =	vor.u32 v3, v40;
	v53 =	vor.u32 v4, v46;
	v46 =	vshll.u32 v47, $0x7;
	[sflag:s16] =	ssyncset.done $0x0  }
0x117: {  	s31 =	simm.s32 $0x0;
	v47 =	vnsel vm5, $0x0, v45;
	v54 =	vadd.s32 $0xFFFFFD80, v18;
	vm5 =	vlt.u32 v45, $0xC8;
	[tilespmem:$0x1FC00] =	vst v42;
	[sflag:s16] =	ssyncadd.s32 $0xFFFF9C00  }
0x118: {  	vm7 =	vgt.s32 v55, $0x0;
	v42 =	vmin.u32 v47, $0xC7;
	vm6 =	vgt.s32 v54, $0x0;
	[tilespmem:s17], [sflag:$0x2] =	stream.strided.gather [hbm4b:s9+s14], $0x5000, s15, s14, $0x38;
	[tilespmem:$0xC900] =	vst v63  }
0x119: {  	v45 =	vnsel vm7, $0x0, v55;
	v43 =	vnsel vm6, $0x0, v54;
	vm6 =	vlt.u32 v54, $0xC8;
	v49 =	vld.idx.msk [tilespmem:v38+s31+$0x0], vm0;
	[tilespmem:v38+s31+$0x0] =	vst.idx.msk vm0, v1  }
0x11a: {  	v44 =	vmin.u32 v43, $0xC7;
	v38 =	vor.u32 v5, v46;
	v50 =	vld.idx.msk [tilespmem:v39+s31+$0x0], vm1;
	[tilespmem:v39+s31+$0x0] =	vst.idx.msk vm1, v1;
	v39 =	vshll.u32 v42, $0x7  }
0x11b: {  	v54 =	vmin.u32 v45, $0xC7;
	v51 =	vld.idx.msk [tilespmem:v40+s31+$0x0], vm2;
	[tilespmem:v40+s31+$0x0] =	vst.idx.msk vm2, v1;
	v39 =	vor.u32 v6, v39;
	v40 =	vshll.u32 v44, $0x7  }
0x11c: {  	vm7 =	vlt.u32 v55, $0xC8;
	v54 =	vshll.u32 v54, $0x7;
	v40 =	vor.u32 v7, v40  }
0x11d: {  	v46 =	vor.u32 v8, v54  }
0x11e: {  	v52 =	vld.idx.msk [tilespmem:v53+s31+$0x0], vm3;
	[tilespmem:v53+s31+$0x0] =	vst.idx.msk vm3, v1  }
0x11f: {  	v53 =	vld.idx.msk [tilespmem:v38+s31+$0x0], vm4;
	[tilespmem:v38+s31+$0x0] =	vst.idx.msk vm4, v1  }
0x120: {  	v54 =	vld.idx.msk [tilespmem:v39+s31+$0x0], vm5;
	[tilespmem:v39+s31+$0x0] =	vst.idx.msk vm5, v1  }
0x121: {  	v36 =	vmax.f32 v56, v36;
	v55 =	vld.idx.msk [tilespmem:v40+s31+$0x0], vm6;
	[tilespmem:v40+s31+$0x0] =	vst.idx.msk vm6, v1  }
0x122: {  	v28 =	vmax.f32 v34, v28;
	v34 =	vmax.f32 v59, v14;
	s21 =	simm.s32 $0x0;
	v56 =	vld.idx.msk [tilespmem:v46+s31+$0x0], vm7;
	[tilespmem:v46+s31+$0x0] =	vst.idx.msk vm7, v1  }
0x123: {  	v37 =	vmax.f32 v11, v37;
	v11 =	vmin.f32 v0, v27;
	v30 =	vmax.f32 v30, v35;
	v35 =	vld [tilespmem:s21+$0x20]  }
0x124: {  	v29 =	vmax.f32 v57, v29;
	v14 =	vmin.f32 v59, v14;
	v11 =	vmax.f32 v36, v11;
	v42 =	vld [tilespmem:s21+$0xF0]  }
0x125: {  	v57 =	vmax.f32 v29, v33;
	v33 =	vmax.f32 v0, v27;
	v0 =	vmax.f32 v12, v13;
	v27 =	vld [tilespmem:s21+$0xA0]  }
0x126: {  	v13 =	vmax.f32 v37, v32;
	v38 =	vmax.f32 v26, v25;
	v25 =	vmin.f32 v26, v25;
	v26 =	vld [tilespmem:s21+$0x50]  }
0x127: {  	v14 =	vmax.f32 v62, v14;
	v36 =	vmax.f32 v63, v16;
	v16 =	vmin.f32 v63, v16;
	v47 =	vld [tilespmem:s21+$0x30]  }
0x128: {  	v16 =	vmax.f32 v60, v16;
	v12 =	vmin.f32 v34, v31;
	v59 =	vmax.f32 v34, v31;
	v40 =	vld [tilespmem:s21+$0x70]  }
0x129: {  	v62 =	vmax.f32 v14, v12;
	v43 =	vmax.f32 v15, v9;
	v29 =	vmin.f32 v36, v41;
	v44 =	vld [tilespmem:s21+$0x60]  }
0x12a: {  	v60 =	vmax.f32 v16, v29;
	v14 =	vmax.f32 v0, v25;
	v0 =	vmin.f32 v15, v9;
	v25 =	vld [tilespmem:s21+$0x0]  }
0x12b: {  	v9 =	vmax.f32 v36, v41;
	v0 =	vmax.f32 v30, v0;
	v31 =	vld [tilespmem:s21+$0xD0];
	v12 =	vmin.f32 v10, v35  }
0x12c: {  	v16 =	vld [tilespmem:s21+$0x10];
	v10 =	vmax.f32 v10, v35;
	v32 =	vmin.f32 v28, v26;
	v29 =	vmin.f32 v38, v47  }
0x12d: {  	v30 =	vld [tilespmem:s21+$0xE0];
	v37 =	vmax.f32 v28, v26;
	v12 =	vmax.f32 v58, v12;
	v15 =	vmin.f32 v10, v27  }
0x12e: {  	v39 =	vmin.f32 v33, v44;
	v58 =	vmax.f32 v12, v15;
	v12 =	vmax.f32 v10, v27;
	v27 =	vld [tilespmem:s21+$0xB0]  }
0x12f: {  	v28 =	vmax.f32 v38, v47;
	v26 =	vld [tilespmem:s21+$0x40];
	v34 =	vmax.f32 v33, v44;
	v38 =	vmin.f32 v43, v25  }
0x130: {  	v25 =	vmax.f32 v43, v25;
	v33 =	vld [tilespmem:s21+$0x90];
	v36 =	vmin.f32 v37, v31;
	v10 =	vmax.f32 v61, v40  }
0x131: {  	s22 =	simm.s32 $0x400;
	v40 =	vmin.f32 v61, v40;
	v15 =	vld [tilespmem:s21+$0x80];
	v35 =	vmin.f32 v10, v42;
	v61 =	vmax.f32 v10, v42  }
.LBB2_10:
0x132: {  	p0 =	sne.s32 s22, $0x18C00;
	v10 =	vmax.f32 v59, v16;
	v11 =	vmax.f32 v11, v39;
	v39 =	vld [tilespmem:s21+$0xC0];
	s21 =	sshra.s32 s22, $0x2;
	s22 =	sadd.s32 $0x400, s22;
	v37 =	vmax.f32 v37, v31  }
0x133: {  	v13 =	vmax.f32 v13, v40;
	v41 =	vmin.f32 v34, v30;
	v31 =	vld [tilespmem:s21+$0x20];
	v40 =	vmax.f32 v28, v27  }
0x134: {  	v0 =	vmax.f32 v0, v38;
	v32 =	vmax.f32 v57, v32;
	v11 =	vmax.f32 v11, v41;
	v42 =	vld [tilespmem:s21+$0xF0]  }
0x135: {  	v34 =	vmax.f32 v34, v30;
	v57 =	vmax.f32 v32, v36;
	v41 =	vmax.f32 v9, v26;
	v38 =	vld [tilespmem:s21+$0xA0]  }
0x136: {  	v14 =	vmax.f32 v14, v29;
	v13 =	vmax.f32 v13, v35;
	v36 =	vld [tilespmem:s21+$0x70];
	v29 =	vmin.f32 v10, v33  }
0x137: {  	v16 =	vmin.f32 v59, v16;
	v27 =	vmin.f32 v28, v27;
	v43 =	vmax.f32 v25, v15;
	v35 =	vld [tilespmem:s21+$0x60]  }
0x138: {  	v16 =	vmax.f32 v62, v16;
	v59 =	vmax.f32 v10, v33;
	v10 =	vmin.f32 v41, v39;
	v28 =	vld [tilespmem:s21+$0x50]  }
0x139: {  	v9 =	vmin.f32 v9, v26;
	v30 =	vmin.f32 v12, v31;
	v12 =	vmax.f32 v12, v31;
	v33 =	vld [tilespmem:s21+$0x30]  }
0x13a: {  	v9 =	vmax.f32 v60, v9;
	v26 =	vmax.f32 v58, v30;
	v30 =	vmin.f32 v12, v38;
	v31 =	vld [tilespmem:s21+$0xD0]  }
0x13b: {  	v14 =	vmax.f32 v14, v27;
	v62 =	vmax.f32 v16, v29;
	v44 =	vld [tilespmem:s21+$0x0];
	v58 =	vmax.f32 v26, v30  }
0x13c: {  	v15 =	vmin.f32 v25, v15;
	v60 =	vmax.f32 v9, v10;
	v9 =	vmax.f32 v41, v39;
	v16 =	vld [tilespmem:s21+$0x10]  }
.Ltmp4:
0x13d: {  	v0 =	vmax.f32 v0, v15;
	v12 =	vmax.f32 v12, v38;
	v32 =	vmin.f32 v37, v28;
	v30 =	vld [tilespmem:s21+$0xE0];
	(pc) =	sbr.rel @p0 .LBB2_10-.Ltmp4, $4  }
0x13e: {  	v39 =	vmin.f32 v34, v35;
	v37 =	vmax.f32 v37, v28;
	v29 =	vmin.f32 v40, v33;
	v27 =	vld [tilespmem:s21+$0xB0]  }
0x13f: {  	v10 =	vmax.f32 v61, v36;
	v34 =	vmax.f32 v34, v35;
	v28 =	vmax.f32 v40, v33;
	v26 =	vld [tilespmem:s21+$0x40]  }
0x140: {  	v40 =	vmin.f32 v61, v36;
	v36 =	vmin.f32 v37, v31;
	v38 =	vmin.f32 v43, v44;
	v15 =	vld [tilespmem:s21+$0x80]  }
0x141: {  	v35 =	vmin.f32 v10, v42;
	v61 =	vmax.f32 v10, v42;
	v25 =	vmax.f32 v43, v44;
	v33 =	vld [tilespmem:s21+$0x90]  }
0x142: {  	v10 =	vadd.s32 $0xFFFFFCB8, v24;
	v23 =	vadd.s32 $0xFFFFFCB8, v23;
	v41 =	vlaneseq.u32  }
0x143: {  	v22 =	vadd.s32 $0xFFFFFCB8, v22;
	v21 =	vadd.s32 $0xFFFFFCB8, v21;
	v42 =	vadd.s32 $0xFFFFFCB8, v20  }
0x144: {  	v18 =	vadd.s32 $0xFFFFFCB8, v18;
	v17 =	vadd.s32 $0xFFFFFCB8, v17;
	vm8 =	vgt.s32 v10, $0x0  }
0x145: {  	vm9 =	vgt.s32 v23, $0x0;
	vm10 =	vgt.s32 v22, $0x0;
	v24 =	vnsel vm8, $0x0, v10  }
0x146: {  	vm11 =	vgt.s32 v21, $0x0;
	vm12 =	vgt.s32 v42, $0x0;
	v24 =	vmin.u32 v24, $0x9F  }
0x147: {  	vm8 =	vlt.u32 v10, $0xA0;
	v10 =	vshll.u32 v24, $0x7;
	v24 =	vnsel vm9, $0x0, v23  }
0x148: {  	vm14 =	vgt.s32 v18, $0x0;
	vm15 =	vgt.s32 v17, $0x0;
	v24 =	vmin.u32 v24, $0x9F  }
0x149: {  	vm9 =	vlt.u32 v23, $0xA0;
	v10 =	vor.u32 v41, v10;
	v23 =	vshll.u32 v24, $0x7  }
0x14a: {  	v24 =	vnsel vm10, $0x0, v22;
	vm10 =	vlt.u32 v22, $0xA0;
	v23 =	vor.u32 v2, v23  }
0x14b: {  	v22 =	vmin.u32 v24, $0x9F;
	v24 =	vnsel vm11, $0x0, v21;
	vm11 =	vlt.u32 v21, $0xA0  }
0x14c: {  	v41 =	vld [tilespmem:s21+$0xC0];
	_ =	swait.ge [sflag:s18], $0x5000;
	v22 =	vshll.u32 v22, $0x7;
	v20 =	vmin.u32 v24, $0x9F;
	v24 =	vadd.s32 $0xFFFFFCB8, v19  }
0x14d: {  	[sflag:s18] =	ssyncset.done $0x0;
	v43 =	vor.u32 v3, v22;
	v21 =	vshll.u32 v20, $0x7;
	v22 =	vnsel vm12, $0x0, v42  }
0x14e: {  	[sflag:s18] =	ssyncadd.s32 $0xFFFFB000;
	vm13 =	vgt.s32 v24, $0x0;
	v21 =	vor.u32 v4, v21;
	v22 =	vmin.u32 v22, $0x9F  }
0x14f: {  	vm12 =	vlt.u32 v42, $0xA0;
	v20 =	vld.idx.msk [tilespmem:v10+s17+$0x0], vm8;
	[tilespmem:v10+s17+$0x0] =	vst.idx.msk vm8, v1;
	v10 =	vshll.u32 v22, $0x7;
	v22 =	vnsel vm13, $0x0, v24  }
0x150: {  	vm13 =	vlt.u32 v24, $0xA0;
	v24 =	vnsel vm14, $0x0, v18;
	vm14 =	vlt.u32 v18, $0xA0  }
0x151: {  	v19 =	vld.idx.msk [tilespmem:v23+s17+$0x0], vm9;
	v10 =	vor.u32 v5, v10;
	[tilespmem:v23+s17+$0x0] =	vst.idx.msk vm9, v1;
	v23 =	vmin.u32 v22, $0x9F;
	v24 =	vmin.u32 v24, $0x9F  }
0x152: {  	v23 =	vshll.u32 v23, $0x7;
	v18 =	vshll.u32 v24, $0x7;
	v24 =	vnsel vm15, $0x0, v17;
	v22 =	vld.idx.msk [tilespmem:v43+s17+$0x0], vm10;
	[tilespmem:v43+s17+$0x0] =	vst.idx.msk vm10, v1  }
0x153: {  	v45 =	vor.u32 v6, v23;
	v23 =	vld.idx.msk [tilespmem:v21+s17+$0x0], vm11;
	[tilespmem:v21+s17+$0x0] =	vst.idx.msk vm11, v1;
	v21 =	vmin.u32 v24, $0x9F  }
0x154: {  	vm15 =	vlt.u32 v17, $0xA0;
	v18 =	vor.u32 v7, v18;
	v17 =	vshll.u32 v21, $0x7  }
0x155: {  	v17 =	vor.u32 v8, v17;
	_ =	sdelay $0x1  }
0x156: {  	v24 =	vld.idx.msk [tilespmem:v10+s17+$0x0], vm12;
	[tilespmem:v10+s17+$0x0] =	vst.idx.msk vm12, v1  }
0x157: {  	v63 =	vld.idx.msk [tilespmem:v45+s17+$0x0], vm13;
	[tilespmem:v45+s17+$0x0] =	vst.idx.msk vm13, v1  }
0x158: {  	v46 =	vmax.f32 v59, v16;
	v10 =	vld.idx.msk [tilespmem:v18+s17+$0x0], vm14;
	[tilespmem:v18+s17+$0x0] =	vst.idx.msk vm14, v1  }
0x159: {  	v13 =	vmax.f32 v13, v40;
	s21 =	simm.s32 $0x0;
	v18 =	vmax.f32 v11, v39;
	v11 =	vld.idx.msk [tilespmem:v17+s17+$0x0], vm15;
	[tilespmem:v17+s17+$0x0] =	vst.idx.msk vm15, v1  }
0x15a: {  	v0 =	vmax.f32 v0, v38;
	v32 =	vmax.f32 v57, v32;
	v14 =	vmax.f32 v14, v29;
	v38 =	vld [tilespmem:s21+$0x6420]  }
0x15b: {  	v47 =	vmax.f32 v9, v26;
	v39 =	vmax.f32 v28, v27;
	v17 =	vmin.f32 v34, v30;
	v42 =	vld [tilespmem:s21+$0x64F0]  }
0x15c: {  	v21 =	vmax.f32 v18, v17;
	v17 =	vmax.f32 v32, v36;
	v32 =	vmax.f32 v34, v30;
	v30 =	vld [tilespmem:s21+$0x64A0]  }
0x15d: {  	v18 =	vmax.f32 v13, v35;
	v13 =	vmin.f32 v59, v16;
	v16 =	vmin.f32 v28, v27;
	v27 =	vld [tilespmem:s21+$0x6460]  }
0x15e: {  	v9 =	vmin.f32 v9, v26;
	v29 =	vmin.f32 v46, v33;
	v57 =	vmax.f32 v46, v33;
	v46 =	vld [tilespmem:s21+$0x6450]  }
0x15f: {  	v31 =	vmax.f32 v37, v31;
	v9 =	vmax.f32 v60, v9;
	v26 =	vmin.f32 v47, v41;
	v36 =	vld [tilespmem:s21+$0x6470]  }
0x160: {  	v13 =	vmax.f32 v62, v13;
	v59 =	vmax.f32 v14, v16;
	v16 =	vmax.f32 v47, v41;
	v47 =	vld [tilespmem:s21+$0x6400]  }
0x161: {  	v45 =	vmax.f32 v25, v15;
	v15 =	vmin.f32 v25, v15;
	v28 =	vmax.f32 v13, v29;
	v29 =	vld [tilespmem:s21+$0x6430]  }
0x162: {  	v34 =	vld [tilespmem:s21+$0x6410];
	v13 =	vmax.f32 v9, v26;
	v9 =	vmin.f32 v12, v38;
	v26 =	vmax.f32 v12, v38  }
0x163: {  	v14 =	vld [tilespmem:s21+$0x64D0];
	v38 =	vmax.f32 v0, v15;
	v25 =	vmin.f32 v31, v46;
	v33 =	vmin.f32 v32, v27  }
0x164: {  	v15 =	vld [tilespmem:s21+$0x64E0];
	v27 =	vmax.f32 v32, v27;
	v0 =	vmax.f32 v58, v9;
	v9 =	vmin.f32 v26, v30  }
0x165: {  	v26 =	vmax.f32 v26, v30;
	v30 =	vmax.f32 v31, v46;
	v58 =	vld [tilespmem:s21+$0x64B0];
	v40 =	vmin.f32 v45, v47  }
0x166: {  	v31 =	vld [tilespmem:s21+$0x6440];
	v37 =	vmax.f32 v45, v47;
	v12 =	vmax.f32 v0, v9;
	v60 =	vmin.f32 v39, v29  }
0x167: {  	v35 =	vmax.f32 v39, v29;
	v9 =	vmax.f32 v61, v36;
	v0 =	vmin.f32 v61, v36;
	v36 =	vld [tilespmem:s21+$0x6480]  }
0x168: {  	s22 =	simm.s32 $0x400;
	v32 =	vmin.f32 v30, v14;
	v39 =	vld [tilespmem:s21+$0x6490];
	v29 =	vmin.f32 v9, v42;
	v9 =	vmax.f32 v9, v42  }
.LBB2_12:
0x169: {  	p0 =	sne.s32 s22, $0x13C00;
	v41 =	vmax.f32 v57, v34;
	v21 =	vmax.f32 v21, v33;
	v33 =	vld [tilespmem:s21+$0x64C0];
	s21 =	sshra.s32 s22, $0x2;
	s22 =	sadd.s32 $0x400, s22;
	v30 =	vmax.f32 v30, v14  }
0x16a: {  	v0 =	vmax.f32 v18, v0;
	v18 =	vmin.f32 v27, v15;
	v14 =	vld [tilespmem:s21+$0x6420];
	v42 =	vmax.f32 v35, v58  }
0x16b: {  	v38 =	vmax.f32 v38, v40;
	v17 =	vmax.f32 v17, v25;
	v21 =	vmax.f32 v21, v18;
	v43 =	vld [tilespmem:s21+$0x64F0]  }
0x16c: {  	v27 =	vmax.f32 v27, v15;
	v17 =	vmax.f32 v17, v32;
	v25 =	vmax.f32 v16, v31;
	v40 =	vld [tilespmem:s21+$0x64A0]  }
0x16d: {  	v15 =	vmax.f32 v59, v60;
	v18 =	vmax.f32 v0, v29;
	v32 =	vld [tilespmem:s21+$0x6470];
	v44 =	vmin.f32 v41, v39  }
0x16e: {  	v29 =	vmin.f32 v57, v34;
	v34 =	vmin.f32 v35, v58;
	v61 =	vmax.f32 v37, v36;
	v0 =	vld [tilespmem:s21+$0x6460]  }
0x16f: {  	v28 =	vmax.f32 v28, v29;
	v57 =	vmax.f32 v41, v39;
	v29 =	vmin.f32 v25, v33;
	v35 =	vld [tilespmem:s21+$0x6450]  }
0x170: {  	v16 =	vmin.f32 v16, v31;
	v39 =	vmin.f32 v26, v14;
	v26 =	vmax.f32 v26, v14;
	v41 =	vld [tilespmem:s21+$0x6430]  }
0x171: {  	v13 =	vmax.f32 v13, v16;
	v12 =	vmax.f32 v12, v39;
	v31 =	vmin.f32 v26, v40;
	v14 =	vld [tilespmem:s21+$0x64D0]  }
0x172: {  	v59 =	vmax.f32 v15, v34;
	v28 =	vmax.f32 v28, v44;
	v39 =	vld [tilespmem:s21+$0x6400];
	v12 =	vmax.f32 v12, v31  }
0x173: {  	v16 =	vmax.f32 v25, v33;
	v13 =	vmax.f32 v13, v29;
	v31 =	vmin.f32 v37, v36;
	v34 =	vld [tilespmem:s21+$0x6410]  }
.Ltmp5:
0x174: {  	v26 =	vmax.f32 v26, v40;
	v38 =	vmax.f32 v38, v31;
	v25 =	vmin.f32 v30, v35;
	v15 =	vld [tilespmem:s21+$0x64E0];
	(pc) =	sbr.rel @p0 .LBB2_12-.Ltmp5, $4  }
0x175: {  	v33 =	vmin.f32 v27, v0;
	v30 =	vmax.f32 v30, v35;
	v60 =	vmin.f32 v42, v41;
	v58 =	vld [tilespmem:s21+$0x64B0]  }
0x176: {  	v27 =	vmax.f32 v27, v0;
	v35 =	vmax.f32 v42, v41;
	v41 =	vmax.f32 v9, v32;
	v31 =	vld [tilespmem:s21+$0x6440]  }
0x177: {  	v0 =	vmin.f32 v9, v32;
	v32 =	vmin.f32 v30, v14;
	v40 =	vmin.f32 v61, v39;
	v36 =	vld [tilespmem:s21+$0x6480]  }
0x178: {  	v29 =	vmin.f32 v41, v43;
	v9 =	vmax.f32 v41, v43;
	v37 =	vmax.f32 v61, v39;
	v39 =	vld [tilespmem:s21+$0x6490]  }
0x179: {  	v41 =	vld [tilespmem:$0x1FF10]  }
0x17a: {  	v46 =	vld [tilespmem:$0x1FF00]  }
0x17b: {  	v42 =	vld [tilespmem:$0x1FF30]  }
0x17c: {  	v47 =	vld [tilespmem:$0x1FF20]  }
0x17d: {  	v43 =	vld [tilespmem:$0x1FF50]  }
0x17e: {  	v61 =	vld [tilespmem:$0x1FF40]  }
0x17f: {  	v44 =	vld [tilespmem:$0x1FF70]  }
0x180: {  	v62 =	vld [tilespmem:$0x1FF60]  }
0x181: {  	vm0 =	vnez.u8 v41  }
0x182: {  	v41 =	vnsel vm0, $0x0, v46;
	vm0 =	vnez.u8 v42  }
0x183: {  	v45 =	vld [tilespmem:$0x1FF90];
	v42 =	vnsel vm0, $0x0, v47;
	vm0 =	vnez.u8 v43  }
0x184: {  	v43 =	vnsel vm0, $0x0, v61;
	vm0 =	vnez.u8 v44;
	v61 =	vld [tilespmem:$0x1FF80]  }
0x185: {  	v44 =	vnsel vm0, $0x0, v62;
	v62 =	vld [tilespmem:$0x1FFB0];
	_ =	sdelay $0x3  }
0x186: {  	vm0 =	vnez.u8 v45;
	v45 =	vld [tilespmem:$0x1FFD0]  }
0x187: {  	v61 =	vnsel vm0, $0x0, v61;
	vm0 =	vnez.u8 v62;
	v62 =	vld [tilespmem:$0x1FFA0];
	_ =	sdelay $0x3  }
0x188: {  	v46 =	vld [tilespmem:$0x1FFF0]  }
0x189: {  	v62 =	vnsel vm0, $0x0, v62;
	vm0 =	vnez.u8 v45;
	v45 =	vld [tilespmem:$0x1FFC0];
	_ =	sdelay $0x3  }
0x18a: {  	v47 =	vld [tilespmem:$0x1FE10]  }
0x18b: {  	v45 =	vnsel vm0, $0x0, v45;
	vm0 =	vnez.u8 v46;
	v46 =	vld [tilespmem:$0x1FFE0];
	_ =	sdelay $0x4  }
0x18c: {  	v46 =	vnsel vm0, $0x0, v46;
	vm0 =	vnez.u8 v47;
	v47 =	vld [tilespmem:$0x1FE00];
	_ =	sdelay $0x4  }
0x18d: {  	v41 =	vsel vm0, v47, v41;
	v47 =	vld [tilespmem:$0x1FE30];
	_ =	sdelay $0x4  }
0x18e: {  	vm0 =	vnez.u8 v47;
	v47 =	vld [tilespmem:$0x1FE20];
	_ =	sdelay $0x4  }
0x18f: {  	v42 =	vsel vm0, v47, v42;
	v47 =	vld [tilespmem:$0x1FE50];
	_ =	sdelay $0x4  }
0x190: {  	vm0 =	vnez.u8 v47;
	v47 =	vld [tilespmem:$0x1FE40];
	_ =	sdelay $0x4  }
0x191: {  	v43 =	vsel vm0, v47, v43;
	v47 =	vld [tilespmem:$0x1FE70];
	_ =	sdelay $0x4  }
0x192: {  	vm0 =	vnez.u8 v47;
	v47 =	vld [tilespmem:$0x1FE60];
	_ =	sdelay $0x4  }
0x193: {  	v44 =	vsel vm0, v47, v44;
	v47 =	vld [tilespmem:$0x1FE90];
	_ =	sdelay $0x4  }
0x194: {  	vm0 =	vnez.u8 v47;
	v47 =	vld [tilespmem:$0x1FE80];
	_ =	sdelay $0x4  }
0x195: {  	v61 =	vsel vm0, v47, v61;
	v47 =	vld [tilespmem:$0x1FEB0];
	_ =	sdelay $0x4  }
0x196: {  	vm0 =	vnez.u8 v47;
	v47 =	vld [tilespmem:$0x1FEA0];
	_ =	sdelay $0x4  }
0x197: {  	v62 =	vsel vm0, v47, v62;
	v47 =	vld [tilespmem:$0x1FED0];
	_ =	sdelay $0x4  }
0x198: {  	vm0 =	vnez.u8 v47;
	v47 =	vld [tilespmem:$0x1FEC0];
	_ =	sdelay $0x4  }
0x199: {  	v45 =	vsel vm0, v47, v45;
	v47 =	vld [tilespmem:$0x1FEF0];
	_ =	sdelay $0x4  }
0x19a: {  	vm0 =	vnez.u8 v47;
	v47 =	vld [tilespmem:$0x1FEE0];
	_ =	sdelay $0x4  }
0x19b: {  	v46 =	vsel vm0, v47, v46;
	v47 =	vld [tilespmem:$0x1FD10];
	_ =	sdelay $0x4  }
0x19c: {  	vm0 =	vnez.u8 v47;
	v47 =	vld [tilespmem:$0x1FD00];
	_ =	sdelay $0x4  }
0x19d: {  	v41 =	vsel vm0, v47, v41;
	v47 =	vld [tilespmem:$0x1FD30];
	_ =	sdelay $0x4  }
0x19e: {  	vm0 =	vnez.u8 v47;
	v47 =	vld [tilespmem:$0x1FD20];
	_ =	sdelay $0x4  }
0x19f: {  	v42 =	vsel vm0, v47, v42;
	v47 =	vld [tilespmem:$0x1FD50];
	_ =	sdelay $0x4  }
0x1a0: {  	vm0 =	vnez.u8 v47;
	v47 =	vld [tilespmem:$0x1FD40];
	_ =	sdelay $0x4  }
0x1a1: {  	v43 =	vsel vm0, v47, v43;
	v47 =	vld [tilespmem:$0x1FD70];
	_ =	sdelay $0x4  }
0x1a2: {  	vm0 =	vnez.u8 v47;
	v47 =	vld [tilespmem:$0x1FD60];
	_ =	sdelay $0x4  }
0x1a3: {  	v44 =	vsel vm0, v47, v44;
	v47 =	vld [tilespmem:$0x1FD90];
	_ =	sdelay $0x4  }
0x1a4: {  	vm0 =	vnez.u8 v47;
	v47 =	vld [tilespmem:$0x1FD80];
	_ =	sdelay $0x4  }
0x1a5: {  	v61 =	vsel vm0, v47, v61;
	v47 =	vld [tilespmem:$0x1FDB0];
	_ =	sdelay $0x4  }
0x1a6: {  	vm0 =	vnez.u8 v47;
	v47 =	vld [tilespmem:$0x1FDA0];
	_ =	sdelay $0x4  }
0x1a7: {  	v62 =	vsel vm0, v47, v62;
	v47 =	vld [tilespmem:$0x1FDD0];
	_ =	sdelay $0x4  }
0x1a8: {  	vm0 =	vnez.u8 v47;
	v47 =	vld [tilespmem:$0x1FDC0];
	_ =	sdelay $0x4  }
0x1a9: {  	v45 =	vsel vm0, v47, v45;
	v47 =	vld [tilespmem:$0x1FDF0];
	_ =	sdelay $0x4  }
0x1aa: {  	vm0 =	vnez.u8 v47;
	v47 =	vld [tilespmem:$0x1FDE0];
	_ =	sdelay $0x4  }
0x1ab: {  	v46 =	vsel vm0, v47, v46;
	v47 =	vld [tilespmem:$0x1FC20];
	_ =	sdelay $0x4  }
0x1ac: {  	vm0 =	vnez.u8 v47;
	v47 =	vld [tilespmem:$0x1FC10];
	_ =	sdelay $0x4  }
0x1ad: {  	v41 =	vsel vm0, v47, v41;
	v47 =	vld [tilespmem:$0x1FC40];
	_ =	sdelay $0x4  }
0x1ae: {  	vm0 =	vnez.u8 v47;
	v47 =	vld [tilespmem:$0x1FC30];
	_ =	sdelay $0x4  }
0x1af: {  	v42 =	vsel vm0, v47, v42;
	v47 =	vld [tilespmem:$0x1FC60];
	_ =	sdelay $0x4  }
0x1b0: {  	vm0 =	vnez.u8 v47;
	v47 =	vld [tilespmem:$0x1FC50];
	_ =	sdelay $0x4  }
0x1b1: {  	v43 =	vsel vm0, v47, v43;
	v47 =	vld [tilespmem:$0x1FC80];
	_ =	sdelay $0x4  }
0x1b2: {  	vm0 =	vnez.u8 v47;
	v47 =	vld [tilespmem:$0x1FC70];
	_ =	sdelay $0x4  }
0x1b3: {  	v44 =	vsel vm0, v47, v44;
	v47 =	vld [tilespmem:$0x1FCA0];
	_ =	sdelay $0x4  }
0x1b4: {  	vm0 =	vnez.u8 v47;
	v47 =	vld [tilespmem:$0x1FC90];
	_ =	sdelay $0x4  }
0x1b5: {  	v61 =	vsel vm0, v47, v61;
	v47 =	vld [tilespmem:$0x1FCC0];
	_ =	sdelay $0x4  }
0x1b6: {  	vm0 =	vnez.u8 v47;
	v47 =	vld [tilespmem:$0x1FCB0];
	_ =	sdelay $0x4  }
0x1b7: {  	v62 =	vsel vm0, v47, v62;
	v47 =	vld [tilespmem:$0x1FCE0];
	_ =	sdelay $0x4  }
0x1b8: {  	vm0 =	vnez.u8 v47;
	v47 =	vld [tilespmem:$0x1FCD0]  }
0x1b9: {  	v38 =	vmax.f32 v38, v40  }
0x1ba: {  	v17 =	vmax.f32 v17, v25;
	v14 =	vmax.f32 v30, v14;
	v0 =	vmax.f32 v18, v0  }
0x1bb: {  	v17 =	vmax.f32 v17, v32;
	v0 =	vmax.f32 v0, v29;
	v43 =	vsel vm2, v51, v43  }
0x1bc: {  	v42 =	vsel vm1, v50, v42;
	v50 =	vmax.f32 v57, v34;
	v22 =	vsel vm10, v22, v43  }
0x1bd: {  	v19 =	vsel vm9, v19, v42;
	v12 =	vsub.f32 v12, v22;
	v45 =	vsel vm0, v47, v45;
	v47 =	vld [tilespmem:$0x1FCF0]  }
0x1be: {  	v42 =	vmax.f32 v59, v60;
	v59 =	vmin.f32 v27, v15;
	v60 =	vmax.f32 v27, v15  }
0x1bf: {  	v51 =	vmin.f32 v57, v34;
	v12 =	vadd.f32 $5.000000000e-01, v12;
	v44 =	vsel vm3, v52, v44  }
0x1c0: {  	v57 =	vmax.f32 v50, v39;
	v28 =	vmax.f32 v28, v51;
	v23 =	vsel vm11, v23, v44;
	v44 =	vld [tilespmem:s21+$0x64C0]  }
0x1c1: {  	v43 =	vmin.f32 v35, v58;
	v26 =	vsub.f32 v26, v22;
	v12 =	vmax.f32 v12, $0.0e+00  }
0x1c2: {  	v52 =	vmax.f32 v37, v36;
	v61 =	vsel vm4, v53, v61;
	vm0 =	vnez.u8 v47  }
0x1c3: {  	v53 =	vmin.f32 v37, v36;
	v45 =	vsel vm6, v55, v45;
	v46 =	vsel vm0, v48, v46;
	v48 =	vld [tilespmem:$0x1FC00]  }
0x1c4: {  	v24 =	vsel vm12, v24, v61;
	v10 =	vsel vm14, v10, v45;
	v45 =	vmax.f32 v16, v31  }
0x1c5: {  	v62 =	vsel vm5, v54, v62;
	v54 =	vmax.f32 v38, v53;
	v53 =	vmax.f32 v45, v44  }
0x1c6: {  	v15 =	vsub.f32 v60, v10;
	v46 =	vsel vm7, v56, v46;
	v56 =	vmin.f32 v50, v39  }
0x1c7: {  	v50 =	vadd.f32 $5.000000000e-01, v26;
	v11 =	vsel vm15, v11, v46;
	v28 =	vmax.f32 v28, v56  }
0x1c8: {  	v56 =	vsub.f32 v53, v24;
	v9 =	vsub.f32 v9, v11;
	vm0 =	vnez.u8 v48  }
0x1c9: {  	v0 =	vsub.f32 v0, v11;
	v11 =	vadd.f32 $5.000000000e-01, v15;
	v41 =	vsel vm0, v49, v41  }
0x1ca: {  	v20 =	vsel vm8, v20, v41;
	v41 =	vsel vm13, v63, v62;
	v62 =	vsub.f32 v57, v19  }
0x1cb: {  	v19 =	vsub.f32 v28, v19;
	v63 =	vmax.f32 v35, v58;
	v58 =	vadd.f32 $5.000000000e-01, v56  }
0x1cc: {  	v46 =	vmin.f32 v16, v31;
	v55 =	vsub.f32 v52, v20;
	v20 =	vsub.f32 v54, v20  }
0x1cd: {  	v13 =	vmax.f32 v13, v46;
	v51 =	vsub.f32 v63, v23;
	v14 =	vsub.f32 v14, v41  }
0x1ce: {  	v49 =	vmax.f32 v42, v43;
	v17 =	vsub.f32 v17, v41;
	v36 =	vadd.f32 $5.000000000e-01, v62  }
0x1cf: {  	v54 =	vmax.f32 v50, $0.0e+00;
	v19 =	vadd.f32 $5.000000000e-01, v19;
	v61 =	vadd.f32 $5.000000000e-01, v55  }
0x1d0: {  	v52 =	vmin.f32 v45, v44;
	v12 =	vadd.f32 v12, v54;
	v20 =	vadd.f32 $5.000000000e-01, v20  }
0x1d1: {  	v47 =	vmax.f32 v36, $0.0e+00;
	v19 =	vmax.f32 v19, $0.0e+00;
	v34 =	vmax.f32 v61, $0.0e+00  }
0x1d2: {  	v20 =	vmax.f32 v20, $0.0e+00;
	v48 =	vadd.f32 v19, v47;
	v19 =	vsub.f32 v49, v23  }
0x1d3: {  	v13 =	vmax.f32 v13, v52;
	v55 =	vadd.f32 $5.000000000e-01, v51;
	v20 =	vadd.f32 v20, v34  }
0x1d4: {  	v21 =	vmax.f32 v21, v33;
	v13 =	vsub.f32 v13, v24;
	v19 =	vadd.f32 $5.000000000e-01, v19  }
0x1d5: {  	v14 =	vadd.f32 $5.000000000e-01, v14;
	v22 =	vmax.f32 v55, $0.0e+00;
	v16 =	vadd.f32 v48, v20  }
0x1d6: {  	v13 =	vadd.f32 $5.000000000e-01, v13;
	v61 =	vadd.f32 $5.000000000e-01, v17;
	v19 =	vmax.f32 v19, $0.0e+00  }
0x1d7: {  	v12 =	vadd.f32 v12, v16;
	v57 =	vadd.f32 v19, v22;
	v16 =	vmax.f32 v21, v59  }
0x1d8: {  	v13 =	vmax.f32 v13, $0.0e+00;
	v19 =	vmax.f32 v58, $0.0e+00;
	v10 =	vsub.f32 v16, v10  }
0x1d9: {  	v13 =	vadd.f32 v13, v19;
	v12 =	vadd.f32 v57, v12  }
0x1da: {  	v14 =	vmax.f32 v14, $0.0e+00;
	v62 =	vmax.f32 v61, $0.0e+00;
	v10 =	vadd.f32 $5.000000000e-01, v10  }
0x1db: {  	v11 =	vmax.f32 v11, $0.0e+00;
	v63 =	vadd.f32 v62, v14;
	v12 =	vadd.f32 v13, v12  }
0x1dc: {  	v9 =	vadd.f32 $5.000000000e-01, v9;
	v0 =	vadd.f32 $5.000000000e-01, v0;
	v10 =	vmax.f32 v10, $0.0e+00  }
0x1dd: {  	v12 =	vadd.f32 v63, v12;
	v10 =	vadd.f32 v10, v11  }
0x1de: {  	v9 =	vmax.f32 v9, $0.0e+00;
	v0 =	vmax.f32 v0, $0.0e+00  }
0x1df: {  	v0 =	vadd.f32 v0, v9;
	v10 =	vadd.f32 v10, v12;
	_ =	sdelay $0x1  }
0x1e0: {  	v0 =	vadd.f32 v0, v10;
	_ =	sdelay $0x1  }
0x1e1: {  	s20 =	sadd.s32 $0x1, s20;
	v0 =	vadd.f32 v0, v0  }
0x1e2: {  	p0 =	sne.s32 s20, s11  }
.Ltmp6:
0x1e3: {  	[tilespmem:$0xC880] =	vst v0;
	(pc) =	sbr.rel @p0 .LBB2_1-.Ltmp6, $4  }
0x1e4: {  	[hbm4b:s10+s2] =	stream.linear.scatter [tilespmem:s19], [sflag:$0x3], $0x10, $0x38;
	[tilespmem:$0xC900] =	vst v63  }
0x1e5: {  	_ =	swait.ge [sflag:s13], $0x10  }
0x1e6: {  	[sflag:s13] =	ssyncset.done $0x0  }
0x1e7: {  	v56 =	vlaneseq.u32;
	[sflag:s13] =	ssyncadd.s32 $0xFFFFFFF0  }
0x1e8: {  	_ =	sfence.sel $0x180000  }
0x1e9: {  	[bflag:$0x0] =	sbarrier.arrive $0xFFFF  }
0x1ea: {  	p0 =	sne.s32 s1, $0x0;
	_ =	strace $0x90000047  }
0x1eb: {  	s0 =	sadd.s32 @!p0 $0x100000, s0;
	[bflag:$0x2] =	sbarrier.arrive $0xFFFF  }
0x1ec: {  	[sflag:s0] =	ssyncadd.tile.s32 @!p0 $0x1;
	_ =	shalt  }
.Lfunc_end2:
_tile_overlayer_lowered:
.L_overlay_start_2:
0x1ed: {  	(tag) =	ssettag $0x2  }
0x1ee: {  	s0 =	rddreg [dreg:$0x0];
	s2 =	stileid.u32  }
0x1ef: {  	s1 =	rddreg [dreg:$0x1];
	p0 =	sne.s32 s2, $0x0  }
0x1f0: {  	s3 =	rddreg [dreg:$0x2];
	[bflag:$0x3] =	sbarrier.arrive $0xFFFF;
	s2 =	simm.s32 @!p0 $0x1C03  }
0x1f1: {  	[timem:s3], [sflag:s2] =	dma.local @!p0 [hbm:s0], s1  }
0x1f2: {  	s0 =	simm.s32 @!p0 $0x3  }
0x1f3: {  	_ =	swait.ge @!p0 [sflag:s0], s1  }
0x1f4: {  	s1 =	ssub.s32 @!p0 $0x0, s1;
	[sflag:s0] =	ssyncset.done @!p0 $0x0  }
0x1f5: {  	[sflag:s0] =	ssyncadd.s32 @!p0 s1  }
0x1f6: {  	[bflag:$0x3] =	sbarrier.arrive $0xFFFF  }
0x1f7: {  	_ =	shalt  }

</sc_bundles>
